<compile_context>
chip_gen: v7x
topology: tpu7x:2x2x1
jax: 0.10.2.dev20260603
libtpu: 0.0.44.dev20260713+nightly
codegen_flags: <defaults>
</compile_context>

<pallas_src>
import jax
import jax.numpy as jnp
from jax import lax
from jax.experimental import pallas as pl
from jax.experimental.pallas import tpu as pltpu
from jax.experimental.pallas import tpu_sc as plsc

N = 10000
H = 128
NS = 25600
B = 1024
E = 320000

NC = 2
NSUB = 16
NW = NC * NSUB

EPT = E // NW
ECH = 80
ENCH = EPT // ECH

RPT = NS // NW
RCH = 80
RNCH = RPT // RCH

VPT = B // NW
ZCH = 80
ZCH_TOT = N // ZCH
ZN = -(-ZCH_TOT // NSUB)

XPT = NS // NSUB
LPT = B // NSUB

_MESH = plsc.VectorSubcoreMesh(core_axis_name="c", subcore_axis_name="s",
                               num_cores=NC, num_subcores=NSUB)

_f32 = jnp.float32
_i32 = jnp.int32


def _iota16():
    return lax.iota(_i32, 16)



def _m_body(emb_ref, w_ref, o_ref):
    o_ref[...] = jnp.dot(emb_ref[...], w_ref[...], preferred_element_type=_f32)


def _tc_m(emb, ggc_w):
    return pl.pallas_call(
        _m_body,
        grid=(5,),
        in_specs=[pl.BlockSpec((2000, H), lambda i: (i, 0)),
                  pl.BlockSpec((H, H), lambda i: (0, 0))],
        out_specs=pl.BlockSpec((2000, H), lambda i: (i, 0)),
        out_shape=jax.ShapeDtypeStruct((N, H), _f32),
    )(emb, ggc_w)



def _sc_edge_body(m_hbm, src_hbm, dst_hbm, zeros_hbm, agg_hbm,
                  sidx, didx, rows, shared):
    c = lax.axis_index("c")
    s = lax.axis_index("s")
    w = c * NSUB + s
    pltpu.sync_copy(zeros_hbm, rows)

    def zstep(k, carry):
        ch = k * NSUB + s

        @pl.when(ch < ZCH_TOT)
        def _():
            pltpu.sync_copy(rows, shared.at[pl.ds(ch * ZCH, ZCH)])
        return carry
    lax.fori_loop(0, ZN, zstep, 0)
    plsc.subcore_barrier()

    def estep(j, carry):
        pltpu.sync_copy(src_hbm.at[w, j], sidx)
        pltpu.sync_copy(dst_hbm.at[w, j], didx)
        pltpu.sync_copy(m_hbm.at[sidx], rows)
        pltpu.sync_copy(rows, shared.at[didx], add=True)
        return carry
    lax.fori_loop(0, ENCH, estep, 0)
    plsc.subcore_barrier()

    def ostep(k, carry):
        ch = k * NSUB + s

        @pl.when(ch < ZCH_TOT)
        def _():
            pltpu.sync_copy(shared.at[pl.ds(ch * ZCH, ZCH)], rows)
            pltpu.sync_copy(rows, agg_hbm.at[c, pl.ds(ch * ZCH, ZCH)])
        return carry
    lax.fori_loop(0, ZN, ostep, 0)


_sc_edge = pl.kernel(
    _sc_edge_body,
    out_type=jax.ShapeDtypeStruct((NC, N, H), _f32),
    mesh=_MESH,
    scratch_types=[
        pltpu.VMEM((ECH,), _i32),
        pltpu.VMEM((ECH,), _i32),
        pltpu.VMEM((ECH, H), _f32),
        pltpu.VMEM_SHARED((N, H), _f32),
    ],
)



def _gru_body(aggp_ref, emb_ref, wih_ref, whh_ref, bih_ref, bhh_ref, o_ref):
    agg = aggp_ref[0] + aggp_ref[1]
    e = emb_ref[...]
    dn = (((1,), (1,)), ((), ()))
    gi = lax.dot_general(agg, wih_ref[...], dn,
                         preferred_element_type=_f32) + bih_ref[...]
    gh = lax.dot_general(e, whh_ref[...], dn,
                         preferred_element_type=_f32) + bhh_ref[...]
    r = jax.nn.sigmoid(gi[:, :H] + gh[:, :H])
    z = jax.nn.sigmoid(gi[:, H:2 * H] + gh[:, H:2 * H])
    n = jnp.tanh(gi[:, 2 * H:] + r * gh[:, 2 * H:])
    hid = (1.0 - z) * n + z * e
    o_ref[...] = jnp.maximum(hid, 0.0)


def _tc_gru(aggp, emb, w_ih, w_hh, b_ih, b_hh):
    return pl.pallas_call(
        _gru_body,
        grid=(5,),
        in_specs=[pl.BlockSpec((NC, 2000, H), lambda i: (0, i, 0)),
                  pl.BlockSpec((2000, H), lambda i: (i, 0)),
                  pl.BlockSpec((3 * H, H), lambda i: (0, 0)),
                  pl.BlockSpec((3 * H, H), lambda i: (0, 0)),
                  pl.BlockSpec((1, 3 * H), lambda i: (0, 0)),
                  pl.BlockSpec((1, 3 * H), lambda i: (0, 0))],
        out_specs=pl.BlockSpec((2000, H), lambda i: (i, 0)),
        out_shape=jax.ShapeDtypeStruct((N, H), _f32),
    )(aggp, emb, w_ih, w_hh, b_ih, b_hh)



_BITS = (16384, 8192, 4096, 2048, 1024, 512, 256, 128, 64, 32, 16, 8, 4, 2, 1)


def _sc_gather_body(hrelu_hbm, x_hbm, batch_hbm,
                    h2_hbm, vnr_hbm, vn_hbm,
                    xiT, batchT, liT, finT, rows, vrows, sh_xi, sh_li):
    c = lax.axis_index("c")
    s = lax.axis_index("s")
    w = c * NSUB + s

    pltpu.sync_copy(batch_hbm, batchT)

    x0 = s * XPT
    pltpu.sync_copy(x_hbm.at[pl.ds(x0, XPT)], xiT.at[pl.ds(0, XPT)])

    def xstep(k, carry):
        idx = k * 16 + _iota16()
        t = plsc.load_gather(xiT, [idx])
        t = jnp.where(t == 0, N - 1, t - 1)
        plsc.store_scatter(xiT, [idx], t)
        return carry
    lax.fori_loop(0, XPT // 16, xstep, 0)
    pltpu.sync_copy(xiT.at[pl.ds(0, XPT)], sh_xi.at[pl.ds(x0, XPT)])

    def lstep(k, carry):
        v = s * LPT + k * 16 + _iota16()
        pos = jnp.zeros((16,), _i32)
        for bit in _BITS:
            npos = pos + bit
            ok = npos <= NS
            t = plsc.load_gather(batchT, [jnp.where(ok, npos - 1, 0)])
            take = ok & (t <= v)
            pos = jnp.where(take, npos, pos)
        li = jnp.where(pos == 0, NS - 1, pos - 1)
        plsc.store_scatter(liT, [k * 16 + _iota16()], li)
        return carry
    lax.fori_loop(0, LPT // 16, lstep, 0)
    pltpu.sync_copy(liT.at[pl.ds(0, LPT)], sh_li.at[pl.ds(s * LPT, LPT)])
    plsc.subcore_barrier()
    pltpu.sync_copy(sh_xi, xiT)
    pltpu.sync_copy(sh_li, liT)

    r0 = w * RPT

    def hstep(j, carry):
        base = r0 + j * RCH
        pltpu.sync_copy(hrelu_hbm.at[xiT.at[pl.ds(base, RCH)]], rows)
        pltpu.sync_copy(rows, h2_hbm.at[pl.ds(base, RCH)])
        return carry
    lax.fori_loop(0, RNCH, hstep, 0)

    def fstep(k, carry):
        bidx = plsc.load_gather(batchT, [r0 + k * 16 + _iota16()])
        l = plsc.load_gather(liT, [bidx])
        f = plsc.load_gather(xiT, [l])
        plsc.store_scatter(finT, [k * 16 + _iota16()], f)
        return carry
    lax.fori_loop(0, RPT // 16, fstep, 0)

    def vstep(j, carry):
        pltpu.sync_copy(hrelu_hbm.at[finT.at[pl.ds(j * RCH, RCH)]], rows)
        pltpu.sync_copy(rows, vnr_hbm.at[pl.ds(r0 + j * RCH, RCH)])
        return carry
    lax.fori_loop(0, RNCH, vstep, 0)

    v0 = w * VPT
    for k in range(VPT // 16):
        l = plsc.load_gather(liT, [v0 + k * 16 + _iota16()])
        f = plsc.load_gather(xiT, [l])
        plsc.store_scatter(finT, [k * 16 + _iota16()], f)
    pltpu.sync_copy(hrelu_hbm.at[finT.at[pl.ds(0, VPT)]], vrows)
    pltpu.sync_copy(vrows, vn_hbm.at[pl.ds(v0, VPT)])


_sc_gather = pl.kernel(
    _sc_gather_body,
    out_type=(jax.ShapeDtypeStruct((NS, H), _f32),
              jax.ShapeDtypeStruct((NS, H), _f32),
              jax.ShapeDtypeStruct((B, H), _f32)),
    mesh=_MESH,
    compiler_params=pltpu.CompilerParams(needs_layout_passes=False),
    scratch_types=[
        pltpu.VMEM((NS,), _i32),
        pltpu.VMEM((NS,), _i32),
        pltpu.VMEM((B,), _i32),
        pltpu.VMEM((RPT,), _i32),
        pltpu.VMEM((RCH, H), _f32),
        pltpu.VMEM((VPT, H), _f32),
        pltpu.VMEM_SHARED((NS,), _i32),
        pltpu.VMEM_SHARED((B,), _i32),
    ],
)



def _alpha_body(h2_ref, vnr_ref, w1_ref, w2_ref, b1_ref, b2_ref, q_ref,
                qb_ref, o_ref):
    h2 = h2_ref[...]
    dn = (((1,), (1,)), ((), ()))
    t = (lax.dot_general(vnr_ref[...], w1_ref[...], dn,
                         preferred_element_type=_f32)
         + lax.dot_general(h2, w2_ref[...], dn, preferred_element_type=_f32)
         + b1_ref[...] + b2_ref[...])
    t = jax.nn.sigmoid(t)
    alpha = jnp.sum(t * q_ref[...], axis=1, keepdims=True) + qb_ref[...]
    o_ref[...] = alpha * h2


def _tc_alpha(h2, vnr, W1_w, W2_w, b1, b2, q_w, q_b):
    return pl.pallas_call(
        _alpha_body,
        grid=(10,),
        in_specs=[pl.BlockSpec((2560, H), lambda i: (i, 0)),
                  pl.BlockSpec((2560, H), lambda i: (i, 0)),
                  pl.BlockSpec((H, H), lambda i: (0, 0)),
                  pl.BlockSpec((H, H), lambda i: (0, 0)),
                  pl.BlockSpec((1, H), lambda i: (0, 0)),
                  pl.BlockSpec((1, H), lambda i: (0, 0)),
                  pl.BlockSpec((1, H), lambda i: (0, 0)),
                  pl.BlockSpec((1, 1), lambda i: (0, 0))],
        out_specs=pl.BlockSpec((2560, H), lambda i: (i, 0)),
        out_shape=jax.ShapeDtypeStruct((NS, H), _f32),
    )(h2, vnr, W1_w, W2_w, b1, b2, q_w, q_b)



def _sc_seg_body(w_hbm, batch3_hbm, zeros_hbm, sg_hbm, bidx, rows, zbuf,
                 shared):
    c = lax.axis_index("c")
    s = lax.axis_index("s")
    w = c * NSUB + s
    pltpu.sync_copy(batch3_hbm.at[w], bidx)
    pltpu.sync_copy(zeros_hbm.at[pl.ds(0, LPT)], zbuf)
    pltpu.sync_copy(zbuf, shared.at[pl.ds(s * LPT, LPT)])
    plsc.subcore_barrier()
    r0 = w * RPT

    def step(j, carry):
        pltpu.sync_copy(w_hbm.at[pl.ds(r0 + j * RCH, RCH)], rows)
        pltpu.sync_copy(rows, shared.at[bidx.at[j]], add=True)
        return carry
    lax.fori_loop(0, RNCH, step, 0)
    plsc.subcore_barrier()
    pltpu.sync_copy(shared.at[pl.ds(s * LPT, LPT)], zbuf)
    pltpu.sync_copy(zbuf, sg_hbm.at[c, pl.ds(s * LPT, LPT)])


_sc_seg = pl.kernel(
    _sc_seg_body,
    out_type=jax.ShapeDtypeStruct((NC, B, H), _f32),
    mesh=_MESH,
    scratch_types=[
        pltpu.VMEM((RNCH, RCH), _i32),
        pltpu.VMEM((RCH, H), _f32),
        pltpu.VMEM((LPT, H), _f32),
        pltpu.VMEM_SHARED((B, H), _f32),
    ],
)



def _final_body(vn_ref, sgp_ref, w3_ref, b3_ref, emb_ref, o_ref, sh_ref):
    i = pl.program_id(0)
    dn = (((1,), (1,)), ((), ()))

    @pl.when(i == 0)
    def _():
        sg = sgp_ref[0] + sgp_ref[1]
        w3 = w3_ref[...]
        sh_ref[...] = (lax.dot_general(vn_ref[...], w3[:, :H], dn,
                                       preferred_element_type=_f32)
                       + lax.dot_general(sg, w3[:, H:], dn,
                                         preferred_element_type=_f32)
                       + b3_ref[...])

    o_ref[...] = lax.dot_general(sh_ref[...], emb_ref[...], dn,
                                 preferred_element_type=_f32)


def _tc_final(vn, sgp, W3_w, b3, emb):
    return pl.pallas_call(
        _final_body,
        grid=(10,),
        in_specs=[pl.BlockSpec((B, H), lambda i: (0, 0)),
                  pl.BlockSpec((NC, B, H), lambda i: (0, 0, 0)),
                  pl.BlockSpec((H, 2 * H), lambda i: (0, 0)),
                  pl.BlockSpec((1, H), lambda i: (0, 0)),
                  pl.BlockSpec((1024, H), lambda i: (i, 0))],
        out_specs=pl.BlockSpec((B, 1024), lambda i: (0, i)),
        out_shape=jax.ShapeDtypeStruct((B, N), _f32),
        scratch_shapes=[pltpu.VMEM((B, H), _f32)],
    )(vn, sgp, W3_w, b3, emb)



def kernel(x, edge_index, batch, full_graph_edges, emb, ggc_w, w_ih, w_hh,
           b_ih, b_hh, W1_w, W1_b, W2_w, W2_b, q_w, q_b, W3_w, W3_b):
    x1 = x.reshape(NS).astype(_i32)
    batch1 = batch.astype(_i32)
    src3 = full_graph_edges[0].reshape(NW, ENCH, ECH).astype(_i32)
    dst3 = full_graph_edges[1].reshape(NW, ENCH, ECH).astype(_i32)
    batch3 = batch1.reshape(NW, RNCH, RCH)
    zeros_h = jnp.zeros((ZCH, H), _f32)

    m = _tc_m(emb, ggc_w)
    aggp = _sc_edge(m, src3, dst3, zeros_h)
    hrelu = _tc_gru(aggp, emb, w_ih, w_hh,
                    b_ih.reshape(1, 3 * H), b_hh.reshape(1, 3 * H))
    h2, vnr, vn = _sc_gather(hrelu, x1, batch1)
    w_arr = _tc_alpha(h2, vnr, W1_w, W2_w, W1_b.reshape(1, H),
                      W2_b.reshape(1, H), q_w, q_b.reshape(1, 1))
    sgp = _sc_seg(w_arr, batch3, zeros_h)
    z_hat = _tc_final(vn, sgp, W3_w, W3_b.reshape(1, H), emb)
    return (z_hat, h2, edge_index)

# --- scband reference (transcript-rebuilt; emitter-appended) ---
"""Pipeline reference for scband-gnnmodel-69260642615845 (READ-ONLY COPY).

The authoritative reference and input builder live on the scoring server;
editing this copy changes nothing except your own understanding.
"""

import jax, jax.numpy as jnp
import numpy as np

N_NODE = 10000
H = 128
N_SESS = 25600
B = 1024
E_FULL = 320000
E_SESS = 25600


def setup_inputs(seed: int = 0) -> dict:
    key = jax.random.key(seed)
    ks = jax.random.split(key, 20)
    stdv = 1.0 / np.sqrt(H)
    def u(k, shape):
        return jax.random.uniform(k, shape, jnp.float32, -stdv, stdv)
    inp = {}
    inp["x"] = jax.random.randint(ks[0], (N_SESS, 1), 0, N_NODE)
    inp["edge_index"] = jax.random.randint(ks[1], (2, E_SESS), 0, N_SESS)
    inp["batch"] = jnp.sort(jax.random.randint(ks[2], (N_SESS,), 0, B))
    inp["full_graph_edges"] = jax.random.randint(ks[3], (2, E_FULL), 0, N_NODE)
    inp["emb"] = u(ks[4], (N_NODE, H))
    inp["ggc_w"] = u(ks[5], (H, H))
    inp["w_ih"] = u(ks[6], (3 * H, H))
    inp["w_hh"] = u(ks[7], (3 * H, H))
    inp["b_ih"] = u(ks[8], (3 * H,))
    inp["b_hh"] = u(ks[9], (3 * H,))
    inp["W1_w"] = u(ks[10], (H, H))
    inp["W1_b"] = u(ks[11], (H,))
    inp["W2_w"] = u(ks[12], (H, H))
    inp["W2_b"] = u(ks[13], (H,))
    inp["q_w"] = u(ks[14], (1, H))
    inp["q_b"] = u(ks[15], (1,))
    inp["W3_w"] = u(ks[16], (H, 2 * H))
    inp["W3_b"] = u(ks[17], (H,))
    return inp


def reference(x, edge_index, batch, full_graph_edges, emb, ggc_w, w_ih, w_hh, b_ih, b_hh, W1_w, W1_b, W2_w, W2_b, q_w, q_b, W3_w, W3_b):
    # GNNModel.forward: x shifted by -1, GGNN (num_layers=1) over the full item graph
    xi = x - 1  # may contain -1 which wraps, matching torch negative indexing
    # GatedGraphConv, 1 layer: m = emb @ W; agg = scatter_add over edges; h = GRUCell(agg, emb)
    m = emb @ ggc_w
    src = full_graph_edges[0]
    dst = full_graph_edges[1]
    agg = jnp.zeros_like(emb).at[dst].add(m[src])
    gi = agg @ w_ih.T + b_ih
    gh = emb @ w_hh.T + b_hh
    i_r, i_z, i_n = jnp.split(gi, 3, axis=1)
    h_r, h_z, h_n = jnp.split(gh, 3, axis=1)
    r = jax.nn.sigmoid(i_r + h_r)
    z = jax.nn.sigmoid(i_z + h_z)
    n = jnp.tanh(i_n + r * h_n)
    hidden = (1.0 - z) * n + z * emb
    # gather per-session-node item embeddings
    hidden = jnp.squeeze(hidden[xi], axis=1)
    hidden2 = jax.nn.relu(hidden)
    # Embedding2Score
    sections = jnp.bincount(batch, length=B)
    last_idx = jnp.cumsum(sections) - 1  # index of last node of each session
    v_n = hidden2[last_idx]               # [B, H]
    v_n_rep = v_n[batch]                  # [N_SESS, H] (repeat last node per session)
    alpha = jax.nn.sigmoid(v_n_rep @ W1_w.T + W1_b + hidden2 @ W2_w.T + W2_b) @ q_w.T + q_b
    s_g = jax.ops.segment_sum(alpha * hidden2, batch, num_segments=B)
    s_h = jnp.concatenate([v_n, s_g], axis=1) @ W3_w.T + W3_b
    z_hat = s_h @ emb.T
    return (z_hat, hidden2, edge_index)

if __name__ == "__main__":
    import jax
    _d = setup_inputs()
    print(jax.jit(kernel)(*tuple(_d.values())))

</pallas_src>

<mosaic_0001>
#map = affine_map<(d0, d1) -> (0, 0)>
#map1 = affine_map<(d0, d1) -> (0, 0, 0)>
module attributes {stable_mosaic.version = 14 : i64} {
  func.func @_sc_edge_body(%arg0: i32, %arg1: i32, %arg2: memref<10000x128xf32, #tpu.memory_space<hbm>>, %arg3: memref<32x125x80xi32, #tpu.memory_space<hbm>>, %arg4: memref<32x125x80xi32, #tpu.memory_space<hbm>>, %arg5: memref<80x128xf32, #tpu.memory_space<hbm>>, %arg6: memref<2x10000x128xf32, #tpu.memory_space<hbm>>, %arg7: memref<80xi32, #tpu.memory_space<vmem>>, %arg8: memref<80xi32, #tpu.memory_space<vmem>>, %arg9: memref<80x128xf32, #tpu.memory_space<vmem>>, %arg10: memref<10000x128xf32, #tpu.memory_space<vmem_shared>>) attributes {dimension_semantics = [#tpu.dimension_semantics<core_parallel>, #tpu.dimension_semantics<subcore_parallel>], iteration_bounds = array<i64: 2, 16>, scalar_prefetch = 0 : i64, scratch_operands = 4 : i64, tpu.core_type = #tpu.core_type<sc_vector_subcore>, window_params = [{transform_indices = #map}, {transform_indices = #map1}, {transform_indices = #map1}, {transform_indices = #map}, {transform_indices = #map1}]} {
    %mul3A = arith.constant 16 : i32
    %mul3A_0 = arith.muli %arg0, %mul3A : i32
    %add3A = arith.addi %mul3A_0, %arg1 : i32
    "tpu.region"() ({
      %run_scoped3A = tpu.sem_alloc : memref<!tpu.dma_semaphore, #tpu.memory_space<semaphore_mem>>
      tpu.enqueue_dma source(%arg5 : memref<80x128xf32, #tpu.memory_space<hbm>>) target(%arg9 : memref<80x128xf32, #tpu.memory_space<vmem>>) target_semaphore(%run_scoped3A : memref<!tpu.dma_semaphore, #tpu.memory_space<semaphore_mem>>)
      tpu.wait_dma2 semaphore(%run_scoped3A : memref<!tpu.dma_semaphore, #tpu.memory_space<semaphore_mem>>) src(%arg5 : memref<80x128xf32, #tpu.memory_space<hbm>>) dst(%arg9 : memref<80x128xf32, #tpu.memory_space<vmem>>)
      tpu.yield
    }) : () -> ()
    %scan3A = arith.constant 0 : i32
    %scan3A_1 = arith.constant 0 : i32
    %scan3A_2 = arith.constant 8 : i32
    %scan3A_3 = arith.addi %scan3A_1, %scan3A_2 : i32
    %scan3A_4 = arith.constant 1 : i32
    scf.for %scan3A_19 = %scan3A_1 to %scan3A_3 step %scan3A_4  : i32 {
      %mul3A_20 = arith.constant 16 : i32
      %mul3A_21 = arith.muli %scan3A_19, %mul3A_20 : i32
      %add3A_22 = arith.addi %mul3A_21, %arg1 : i32
      %lt3A = arith.constant 125 : i32
      %lt3A_23 = arith.cmpi slt, %add3A_22, %lt3A : i32
      %convert_element_type3A = arith.extui %lt3A_23 : i1 to i32
      %cond3A = arith.constant 0 : i32
      %cond3A_24 = arith.cmpi ne, %convert_element_type3A, %cond3A : i32
      scf.if %cond3A_24 {
        %mul3A_25 = arith.constant 80 : i32
        %mul3A_26 = arith.muli %add3A_22, %mul3A_25 : i32
        "tpu.region"() ({
          %run_scoped3A = tpu.sem_alloc : memref<!tpu.dma_semaphore, #tpu.memory_space<semaphore_mem>>
          %dma_start3A = arith.constant 0 : i32
          %dma_start3A_27 = tpu.memref_slice %arg10[%mul3A_26, %dma_start3A] : memref<10000x128xf32, #tpu.memory_space<vmem_shared>> -> memref<80x128xf32, #tpu.memory_space<vmem_shared>>
          %dma_start3A_28 = arith.constant 0 : i32
          %dma_start3A_29 = tpu.memref_slice %arg10[%mul3A_26, %dma_start3A_28] : memref<10000x128xf32, #tpu.memory_space<vmem_shared>> -> memref<80x128xf32, #tpu.memory_space<vmem_shared>>
          tpu.enqueue_dma source(%arg9 : memref<80x128xf32, #tpu.memory_space<vmem>>) target(%dma_start3A_29 : memref<80x128xf32, #tpu.memory_space<vmem_shared>>) target_semaphore(%run_scoped3A : memref<!tpu.dma_semaphore, #tpu.memory_space<semaphore_mem>>)
          %dma_wait3A = arith.constant 0 : i32
          %dma_wait3A_30 = tpu.memref_slice %arg10[%mul3A_26, %dma_wait3A] : memref<10000x128xf32, #tpu.memory_space<vmem_shared>> -> memref<80x128xf32, #tpu.memory_space<vmem_shared>>
          %dma_wait3A_31 = arith.constant 0 : i32
          %dma_wait3A_32 = tpu.memref_slice %arg10[%mul3A_26, %dma_wait3A_31] : memref<10000x128xf32, #tpu.memory_space<vmem_shared>> -> memref<80x128xf32, #tpu.memory_space<vmem_shared>>
          tpu.wait_dma2 semaphore(%run_scoped3A : memref<!tpu.dma_semaphore, #tpu.memory_space<semaphore_mem>>) src(%arg9 : memref<80x128xf32, #tpu.memory_space<vmem>>) dst(%dma_wait3A_32 : memref<80x128xf32, #tpu.memory_space<vmem_shared>>)
          tpu.yield
        }) : () -> ()
      } else {
      }
    }
    %scan3A_5 = arith.constant 8 : i32
    %barrier3A = arith.constant 0 : index
    tpu.barrier barrier_id(%barrier3A)
    %scan3A_6 = arith.constant 0 : i32
    %scan3A_7 = arith.constant 0 : i32
    %scan3A_8 = arith.constant 125 : i32
    %scan3A_9 = arith.addi %scan3A_7, %scan3A_8 : i32
    %scan3A_10 = arith.constant 1 : i32
    scf.for %scan3A_19 = %scan3A_7 to %scan3A_9 step %scan3A_10  : i32 {
      "tpu.region"() ({
        %run_scoped3A = tpu.sem_alloc : memref<!tpu.dma_semaphore, #tpu.memory_space<semaphore_mem>>
        %dma_start3A = arith.constant 0 : i32
        %dma_start3A_20 = tpu.memref_slice %arg3[%add3A, %scan3A_19, %dma_start3A] : memref<32x125x80xi32, #tpu.memory_space<hbm>> -> memref<1x1x80xi32, #tpu.memory_space<hbm>>
        %dma_start3A_21 = tpu.memref_squeeze %dma_start3A_20 : memref<1x1x80xi32, #tpu.memory_space<hbm>> -> memref<80xi32, #tpu.memory_space<hbm>>
        %dma_start3A_22 = arith.constant 0 : i32
        %dma_start3A_23 = tpu.memref_slice %arg3[%add3A, %scan3A_19, %dma_start3A_22] : memref<32x125x80xi32, #tpu.memory_space<hbm>> -> memref<1x1x80xi32, #tpu.memory_space<hbm>>
        %dma_start3A_24 = tpu.memref_squeeze %dma_start3A_23 : memref<1x1x80xi32, #tpu.memory_space<hbm>> -> memref<80xi32, #tpu.memory_space<hbm>>
        tpu.enqueue_dma source(%dma_start3A_24 : memref<80xi32, #tpu.memory_space<hbm>>) target(%arg7 : memref<80xi32, #tpu.memory_space<vmem>>) target_semaphore(%run_scoped3A : memref<!tpu.dma_semaphore, #tpu.memory_space<semaphore_mem>>)
        %dma_wait3A = arith.constant 0 : i32
        %dma_wait3A_25 = tpu.memref_slice %arg3[%add3A, %scan3A_19, %dma_wait3A] : memref<32x125x80xi32, #tpu.memory_space<hbm>> -> memref<1x1x80xi32, #tpu.memory_space<hbm>>
        %dma_wait3A_26 = tpu.memref_squeeze %dma_wait3A_25 : memref<1x1x80xi32, #tpu.memory_space<hbm>> -> memref<80xi32, #tpu.memory_space<hbm>>
        %dma_wait3A_27 = arith.constant 0 : i32
        %dma_wait3A_28 = tpu.memref_slice %arg3[%add3A, %scan3A_19, %dma_wait3A_27] : memref<32x125x80xi32, #tpu.memory_space<hbm>> -> memref<1x1x80xi32, #tpu.memory_space<hbm>>
        %dma_wait3A_29 = tpu.memref_squeeze %dma_wait3A_28 : memref<1x1x80xi32, #tpu.memory_space<hbm>> -> memref<80xi32, #tpu.memory_space<hbm>>
        tpu.wait_dma2 semaphore(%run_scoped3A : memref<!tpu.dma_semaphore, #tpu.memory_space<semaphore_mem>>) src(%dma_wait3A_29 : memref<80xi32, #tpu.memory_space<hbm>>) dst(%arg7 : memref<80xi32, #tpu.memory_space<vmem>>)
        tpu.yield
      }) : () -> ()
      "tpu.region"() ({
        %run_scoped3A = tpu.sem_alloc : memref<!tpu.dma_semaphore, #tpu.memory_space<semaphore_mem>>
        %dma_start3A = arith.constant 0 : i32
        %dma_start3A_20 = tpu.memref_slice %arg4[%add3A, %scan3A_19, %dma_start3A] : memref<32x125x80xi32, #tpu.memory_space<hbm>> -> memref<1x1x80xi32, #tpu.memory_space<hbm>>
        %dma_start3A_21 = tpu.memref_squeeze %dma_start3A_20 : memref<1x1x80xi32, #tpu.memory_space<hbm>> -> memref<80xi32, #tpu.memory_space<hbm>>
        %dma_start3A_22 = arith.constant 0 : i32
        %dma_start3A_23 = tpu.memref_slice %arg4[%add3A, %scan3A_19, %dma_start3A_22] : memref<32x125x80xi32, #tpu.memory_space<hbm>> -> memref<1x1x80xi32, #tpu.memory_space<hbm>>
        %dma_start3A_24 = tpu.memref_squeeze %dma_start3A_23 : memref<1x1x80xi32, #tpu.memory_space<hbm>> -> memref<80xi32, #tpu.memory_space<hbm>>
        tpu.enqueue_dma source(%dma_start3A_24 : memref<80xi32, #tpu.memory_space<hbm>>) target(%arg8 : memref<80xi32, #tpu.memory_space<vmem>>) target_semaphore(%run_scoped3A : memref<!tpu.dma_semaphore, #tpu.memory_space<semaphore_mem>>)
        %dma_wait3A = arith.constant 0 : i32
        %dma_wait3A_25 = tpu.memref_slice %arg4[%add3A, %scan3A_19, %dma_wait3A] : memref<32x125x80xi32, #tpu.memory_space<hbm>> -> memref<1x1x80xi32, #tpu.memory_space<hbm>>
        %dma_wait3A_26 = tpu.memref_squeeze %dma_wait3A_25 : memref<1x1x80xi32, #tpu.memory_space<hbm>> -> memref<80xi32, #tpu.memory_space<hbm>>
        %dma_wait3A_27 = arith.constant 0 : i32
        %dma_wait3A_28 = tpu.memref_slice %arg4[%add3A, %scan3A_19, %dma_wait3A_27] : memref<32x125x80xi32, #tpu.memory_space<hbm>> -> memref<1x1x80xi32, #tpu.memory_space<hbm>>
        %dma_wait3A_29 = tpu.memref_squeeze %dma_wait3A_28 : memref<1x1x80xi32, #tpu.memory_space<hbm>> -> memref<80xi32, #tpu.memory_space<hbm>>
        tpu.wait_dma2 semaphore(%run_scoped3A : memref<!tpu.dma_semaphore, #tpu.memory_space<semaphore_mem>>) src(%dma_wait3A_29 : memref<80xi32, #tpu.memory_space<hbm>>) dst(%arg8 : memref<80xi32, #tpu.memory_space<vmem>>)
        tpu.yield
      }) : () -> ()
      "tpu.region"() ({
        %run_scoped3A = tpu.sem_alloc : memref<!tpu.dma_semaphore, #tpu.memory_space<semaphore_mem>>
        %dma_start3A = arith.constant 0 : i32
        %dma_start3A_20 = arith.constant 0 : i32
        %dma_start3A_21 = tpu.memref_slice %arg2[%dma_start3A, %dma_start3A_20] : memref<10000x128xf32, #tpu.memory_space<hbm>> -> memref<10000x128xf32, #tpu.memory_space<hbm>>
        tpu.enqueue_indirect_dma source(%dma_start3A_21 : memref<10000x128xf32, #tpu.memory_space<hbm>>) target(%arg9 : memref<80x128xf32, #tpu.memory_space<vmem>>) offsets(%arg7 : memref<80xi32, #tpu.memory_space<vmem>>) semaphore(%run_scoped3A : memref<!tpu.dma_semaphore, #tpu.memory_space<semaphore_mem>>)
        %dma_wait3A = arith.constant 0 : i32
        %dma_wait3A_22 = arith.constant 0 : i32
        %dma_wait3A_23 = tpu.memref_slice %arg2[%dma_wait3A, %dma_wait3A_22] : memref<10000x128xf32, #tpu.memory_space<hbm>> -> memref<10000x128xf32, #tpu.memory_space<hbm>>
        tpu.wait_indirect_dma semaphore(%run_scoped3A : memref<!tpu.dma_semaphore, #tpu.memory_space<semaphore_mem>>) src(%dma_wait3A_23 : memref<10000x128xf32, #tpu.memory_space<hbm>>) dst(%arg9 : memref<80x128xf32, #tpu.memory_space<vmem>>)
        tpu.yield
      }) : () -> ()
      "tpu.region"() ({
        %run_scoped3A = tpu.sem_alloc : memref<!tpu.dma_semaphore, #tpu.memory_space<semaphore_mem>>
        %dma_start3A = arith.constant 0 : i32
        %dma_start3A_20 = arith.constant 0 : i32
        %dma_start3A_21 = tpu.memref_slice %arg10[%dma_start3A, %dma_start3A_20] : memref<10000x128xf32, #tpu.memory_space<vmem_shared>> -> memref<10000x128xf32, #tpu.memory_space<vmem_shared>>
        tpu.enqueue_indirect_dma source(%arg9 : memref<80x128xf32, #tpu.memory_space<vmem>>) target(%dma_start3A_21 : memref<10000x128xf32, #tpu.memory_space<vmem_shared>>) offsets(%arg8 : memref<80xi32, #tpu.memory_space<vmem>>) semaphore(%run_scoped3A : memref<!tpu.dma_semaphore, #tpu.memory_space<semaphore_mem>>) {add = true}
        %dma_wait3A = arith.constant 0 : i32
        %dma_wait3A_22 = arith.constant 0 : i32
        %dma_wait3A_23 = tpu.memref_slice %arg10[%dma_wait3A, %dma_wait3A_22] : memref<10000x128xf32, #tpu.memory_space<vmem_shared>> -> memref<10000x128xf32, #tpu.memory_space<vmem_shared>>
        tpu.wait_indirect_dma semaphore(%run_scoped3A : memref<!tpu.dma_semaphore, #tpu.memory_space<semaphore_mem>>) src(%arg9 : memref<80x128xf32, #tpu.memory_space<vmem>>) dst(%dma_wait3A_23 : memref<10000x128xf32, #tpu.memory_space<vmem_shared>>)
        tpu.yield
      }) : () -> ()
    }
    %scan3A_11 = arith.constant 125 : i32
    %barrier3A_12 = arith.constant 0 : index
    tpu.barrier barrier_id(%barrier3A_12)
    %scan3A_13 = arith.constant 0 : i32
    %scan3A_14 = arith.constant 0 : i32
    %scan3A_15 = arith.constant 8 : i32
    %scan3A_16 = arith.addi %scan3A_14, %scan3A_15 : i32
    %scan3A_17 = arith.constant 1 : i32
    scf.for %scan3A_19 = %scan3A_14 to %scan3A_16 step %scan3A_17  : i32 {
      %mul3A_20 = arith.constant 16 : i32
      %mul3A_21 = arith.muli %scan3A_19, %mul3A_20 : i32
      %add3A_22 = arith.addi %mul3A_21, %arg1 : i32
      %lt3A = arith.constant 125 : i32
      %lt3A_23 = arith.cmpi slt, %add3A_22, %lt3A : i32
      %convert_element_type3A = arith.extui %lt3A_23 : i1 to i32
      %cond3A = arith.constant 0 : i32
      %cond3A_24 = arith.cmpi ne, %convert_element_type3A, %cond3A : i32
      scf.if %cond3A_24 {
        %mul3A_25 = arith.constant 80 : i32
        %mul3A_26 = arith.muli %add3A_22, %mul3A_25 : i32
        "tpu.region"() ({
          %run_scoped3A = tpu.sem_alloc : memref<!tpu.dma_semaphore, #tpu.memory_space<semaphore_mem>>
          %dma_start3A = arith.constant 0 : i32
          %dma_start3A_29 = tpu.memref_slice %arg10[%mul3A_26, %dma_start3A] : memref<10000x128xf32, #tpu.memory_space<vmem_shared>> -> memref<80x128xf32, #tpu.memory_space<vmem_shared>>
          %dma_start3A_30 = arith.constant 0 : i32
          %dma_start3A_31 = tpu.memref_slice %arg10[%mul3A_26, %dma_start3A_30] : memref<10000x128xf32, #tpu.memory_space<vmem_shared>> -> memref<80x128xf32, #tpu.memory_space<vmem_shared>>
          tpu.enqueue_dma source(%dma_start3A_31 : memref<80x128xf32, #tpu.memory_space<vmem_shared>>) target(%arg9 : memref<80x128xf32, #tpu.memory_space<vmem>>) target_semaphore(%run_scoped3A : memref<!tpu.dma_semaphore, #tpu.memory_space<semaphore_mem>>)
          %dma_wait3A = arith.constant 0 : i32
          %dma_wait3A_32 = tpu.memref_slice %arg10[%mul3A_26, %dma_wait3A] : memref<10000x128xf32, #tpu.memory_space<vmem_shared>> -> memref<80x128xf32, #tpu.memory_space<vmem_shared>>
          %dma_wait3A_33 = arith.constant 0 : i32
          %dma_wait3A_34 = tpu.memref_slice %arg10[%mul3A_26, %dma_wait3A_33] : memref<10000x128xf32, #tpu.memory_space<vmem_shared>> -> memref<80x128xf32, #tpu.memory_space<vmem_shared>>
          tpu.wait_dma2 semaphore(%run_scoped3A : memref<!tpu.dma_semaphore, #tpu.memory_space<semaphore_mem>>) src(%dma_wait3A_34 : memref<80x128xf32, #tpu.memory_space<vmem_shared>>) dst(%arg9 : memref<80x128xf32, #tpu.memory_space<vmem>>)
          tpu.yield
        }) : () -> ()
        %mul3A_27 = arith.constant 80 : i32
        %mul3A_28 = arith.muli %add3A_22, %mul3A_27 : i32
        "tpu.region"() ({
          %run_scoped3A = tpu.sem_alloc : memref<!tpu.dma_semaphore, #tpu.memory_space<semaphore_mem>>
          %dma_start3A = arith.constant 0 : i32
          %dma_start3A_29 = tpu.memref_slice %arg6[%arg0, %mul3A_28, %dma_start3A] : memref<2x10000x128xf32, #tpu.memory_space<hbm>> -> memref<1x80x128xf32, #tpu.memory_space<hbm>>
          %dma_start3A_30 = tpu.memref_squeeze %dma_start3A_29 : memref<1x80x128xf32, #tpu.memory_space<hbm>> -> memref<80x128xf32, #tpu.memory_space<hbm>>
          %dma_start3A_31 = arith.constant 0 : i32
          %dma_start3A_32 = tpu.memref_slice %arg6[%arg0, %mul3A_28, %dma_start3A_31] : memref<2x10000x128xf32, #tpu.memory_space<hbm>> -> memref<1x80x128xf32, #tpu.memory_space<hbm>>
          %dma_start3A_33 = tpu.memref_squeeze %dma_start3A_32 : memref<1x80x128xf32, #tpu.memory_space<hbm>> -> memref<80x128xf32, #tpu.memory_space<hbm>>
          tpu.enqueue_dma source(%arg9 : memref<80x128xf32, #tpu.memory_space<vmem>>) target(%dma_start3A_33 : memref<80x128xf32, #tpu.memory_space<hbm>>) target_semaphore(%run_scoped3A : memref<!tpu.dma_semaphore, #tpu.memory_space<semaphore_mem>>)
          %dma_wait3A = arith.constant 0 : i32
          %dma_wait3A_34 = tpu.memref_slice %arg6[%arg0, %mul3A_28, %dma_wait3A] : memref<2x10000x128xf32, #tpu.memory_space<hbm>> -> memref<1x80x128xf32, #tpu.memory_space<hbm>>
          %dma_wait3A_35 = tpu.memref_squeeze %dma_wait3A_34 : memref<1x80x128xf32, #tpu.memory_space<hbm>> -> memref<80x128xf32, #tpu.memory_space<hbm>>
          %dma_wait3A_36 = arith.constant 0 : i32
          %dma_wait3A_37 = tpu.memref_slice %arg6[%arg0, %mul3A_28, %dma_wait3A_36] : memref<2x10000x128xf32, #tpu.memory_space<hbm>> -> memref<1x80x128xf32, #tpu.memory_space<hbm>>
          %dma_wait3A_38 = tpu.memref_squeeze %dma_wait3A_37 : memref<1x80x128xf32, #tpu.memory_space<hbm>> -> memref<80x128xf32, #tpu.memory_space<hbm>>
          tpu.wait_dma2 semaphore(%run_scoped3A : memref<!tpu.dma_semaphore, #tpu.memory_space<semaphore_mem>>) src(%arg9 : memref<80x128xf32, #tpu.memory_space<vmem>>) dst(%dma_wait3A_38 : memref<80x128xf32, #tpu.memory_space<hbm>>)
          tpu.yield
        }) : () -> ()
      } else {
      }
    }
    %scan3A_18 = arith.constant 8 : i32
    return
  }
}

#map = affine_map<(d0, d1) -> (0, 0)>
#map1 = affine_map<(d0, d1) -> (0)>
module attributes {stable_mosaic.version = 14 : i64} {
  func.func @_sc_gather_body(%arg0: i32, %arg1: i32, %arg2: memref<10000x128xf32, #tpu.memory_space<hbm>>, %arg3: memref<25600xi32, #tpu.memory_space<hbm>>, %arg4: memref<25600xi32, #tpu.memory_space<hbm>>, %arg5: memref<25600x128xf32, #tpu.memory_space<hbm>>, %arg6: memref<25600x128xf32, #tpu.memory_space<hbm>>, %arg7: memref<1024x128xf32, #tpu.memory_space<hbm>>, %arg8: memref<25600xi32, #tpu.memory_space<vmem>>, %arg9: memref<25600xi32, #tpu.memory_space<vmem>>, %arg10: memref<1024xi32, #tpu.memory_space<vmem>>, %arg11: memref<800xi32, #tpu.memory_space<vmem>>, %arg12: memref<80x128xf32, #tpu.memory_space<vmem>>, %arg13: memref<32x128xf32, #tpu.memory_space<vmem>>, %arg14: memref<25600xi32, #tpu.memory_space<vmem_shared>>, %arg15: memref<1024xi32, #tpu.memory_space<vmem_shared>>) attributes {dimension_semantics = [#tpu.dimension_semantics<core_parallel>, #tpu.dimension_semantics<subcore_parallel>], iteration_bounds = array<i64: 2, 16>, scalar_prefetch = 0 : i64, scratch_operands = 8 : i64, tpu.core_type = #tpu.core_type<sc_vector_subcore>, window_params = [{transform_indices = #map}, {transform_indices = #map1}, {transform_indices = #map1}, {transform_indices = #map}, {transform_indices = #map}, {transform_indices = #map}]} {
    %mul3A = arith.constant 16 : i32
    %mul3A_0 = arith.muli %arg0, %mul3A : i32
    %add3A = arith.addi %mul3A_0, %arg1 : i32
    "tpu.region"() ({
      %run_scoped3A = tpu.sem_alloc : memref<!tpu.dma_semaphore, #tpu.memory_space<semaphore_mem>>
      tpu.enqueue_dma source(%arg4 : memref<25600xi32, #tpu.memory_space<hbm>>) target(%arg9 : memref<25600xi32, #tpu.memory_space<vmem>>) target_semaphore(%run_scoped3A : memref<!tpu.dma_semaphore, #tpu.memory_space<semaphore_mem>>)
      tpu.wait_dma2 semaphore(%run_scoped3A : memref<!tpu.dma_semaphore, #tpu.memory_space<semaphore_mem>>) src(%arg4 : memref<25600xi32, #tpu.memory_space<hbm>>) dst(%arg9 : memref<25600xi32, #tpu.memory_space<vmem>>)
      tpu.yield
    }) : () -> ()
    %mul3A_1 = arith.constant 1600 : i32
    %mul3A_2 = arith.muli %arg1, %mul3A_1 : i32
    "tpu.region"() ({
      %run_scoped3A = tpu.sem_alloc : memref<!tpu.dma_semaphore, #tpu.memory_space<semaphore_mem>>
      %dma_start3A = arith.constant 0 : i32
      %dma_start3A_58 = tpu.memref_slice %arg8[%dma_start3A] : memref<25600xi32, #tpu.memory_space<vmem>> -> memref<1600xi32, #tpu.memory_space<vmem>>
      %dma_start3A_59 = tpu.memref_slice %arg3[%mul3A_2] : memref<25600xi32, #tpu.memory_space<hbm>> -> memref<1600xi32, #tpu.memory_space<hbm>>
      %dma_start3A_60 = arith.constant 0 : i32
      %dma_start3A_61 = tpu.memref_slice %arg8[%dma_start3A_60] : memref<25600xi32, #tpu.memory_space<vmem>> -> memref<1600xi32, #tpu.memory_space<vmem>>
      %dma_start3A_62 = tpu.memref_slice %arg3[%mul3A_2] : memref<25600xi32, #tpu.memory_space<hbm>> -> memref<1600xi32, #tpu.memory_space<hbm>>
      tpu.enqueue_dma source(%dma_start3A_62 : memref<1600xi32, #tpu.memory_space<hbm>>) target(%dma_start3A_61 : memref<1600xi32, #tpu.memory_space<vmem>>) target_semaphore(%run_scoped3A : memref<!tpu.dma_semaphore, #tpu.memory_space<semaphore_mem>>)
      %dma_wait3A = arith.constant 0 : i32
      %dma_wait3A_63 = tpu.memref_slice %arg8[%dma_wait3A] : memref<25600xi32, #tpu.memory_space<vmem>> -> memref<1600xi32, #tpu.memory_space<vmem>>
      %dma_wait3A_64 = tpu.memref_slice %arg3[%mul3A_2] : memref<25600xi32, #tpu.memory_space<hbm>> -> memref<1600xi32, #tpu.memory_space<hbm>>
      %dma_wait3A_65 = arith.constant 0 : i32
      %dma_wait3A_66 = tpu.memref_slice %arg8[%dma_wait3A_65] : memref<25600xi32, #tpu.memory_space<vmem>> -> memref<1600xi32, #tpu.memory_space<vmem>>
      %dma_wait3A_67 = tpu.memref_slice %arg3[%mul3A_2] : memref<25600xi32, #tpu.memory_space<hbm>> -> memref<1600xi32, #tpu.memory_space<hbm>>
      tpu.wait_dma2 semaphore(%run_scoped3A : memref<!tpu.dma_semaphore, #tpu.memory_space<semaphore_mem>>) src(%dma_wait3A_67 : memref<1600xi32, #tpu.memory_space<hbm>>) dst(%dma_wait3A_66 : memref<1600xi32, #tpu.memory_space<vmem>>)
      tpu.yield
    }) : () -> ()
    %scan3A = arith.constant 0 : i32
    %scan3A_3 = arith.constant 0 : i32
    %scan3A_4 = arith.constant 100 : i32
    %scan3A_5 = arith.addi %scan3A_3, %scan3A_4 : i32
    %scan3A_6 = arith.constant 1 : i32
    scf.for %scan3A_58 = %scan3A_3 to %scan3A_5 step %scan3A_6  : i32 {
      %mul3A_59 = arith.constant 16 : i32
      %mul3A_60 = arith.muli %scan3A_58, %mul3A_59 : i32
      %iota3A_61 = tpu.iota {dimensions = array<i32: 0>} : vector<16xi32>
      %add3A_62 = vector.broadcast %mul3A_60 : i32 to vector<16xi32>
      %add3A_63 = arith.addi %add3A_62, %iota3A_61 : vector<16xi32>
      %gather3A_64 = tpu.vector_load_idx %arg8[%add3A_63] : memref<25600xi32, #tpu.memory_space<vmem>>[vector<16xi32>], vector<16xi32>,
      %eq3A = arith.constant 0 : i32
      %eq3A_65 = vector.broadcast %eq3A : i32 to vector<16xi32>
      %eq3A_66 = arith.cmpi eq, %gather3A_64, %eq3A_65 : vector<16xi32>
      %sub3A = arith.constant 1 : i32
      %sub3A_67 = vector.broadcast %sub3A : i32 to vector<16xi32>
      %sub3A_68 = arith.subi %gather3A_64, %sub3A_67 : vector<16xi32>
      %jit3A = arith.constant 9999 : i32
      %broadcast_in_dim3A = vector.broadcast %jit3A : i32 to vector<16xi32>
      %select_n3A = arith.select %eq3A_66, %broadcast_in_dim3A, %sub3A_68 : vector<16xi1>, vector<16xi32>
      tpu.vector_store_idx %arg8[%add3A_63], %select_n3A : memref<25600xi32, #tpu.memory_space<vmem>>[vector<16xi32>], vector<16xi32>,
    }
    %scan3A_7 = arith.constant 100 : i32
    "tpu.region"() ({
      %run_scoped3A = tpu.sem_alloc : memref<!tpu.dma_semaphore, #tpu.memory_space<semaphore_mem>>
      %dma_start3A = arith.constant 0 : i32
      %dma_start3A_58 = tpu.memref_slice %arg8[%dma_start3A] : memref<25600xi32, #tpu.memory_space<vmem>> -> memref<1600xi32, #tpu.memory_space<vmem>>
      %dma_start3A_59 = tpu.memref_slice %arg14[%mul3A_2] : memref<25600xi32, #tpu.memory_space<vmem_shared>> -> memref<1600xi32, #tpu.memory_space<vmem_shared>>
      %dma_start3A_60 = tpu.memref_slice %arg14[%mul3A_2] : memref<25600xi32, #tpu.memory_space<vmem_shared>> -> memref<1600xi32, #tpu.memory_space<vmem_shared>>
      %dma_start3A_61 = arith.constant 0 : i32
      %dma_start3A_62 = tpu.memref_slice %arg8[%dma_start3A_61] : memref<25600xi32, #tpu.memory_space<vmem>> -> memref<1600xi32, #tpu.memory_space<vmem>>
      tpu.enqueue_dma source(%dma_start3A_62 : memref<1600xi32, #tpu.memory_space<vmem>>) target(%dma_start3A_60 : memref<1600xi32, #tpu.memory_space<vmem_shared>>) target_semaphore(%run_scoped3A : memref<!tpu.dma_semaphore, #tpu.memory_space<semaphore_mem>>)
      %dma_wait3A = arith.constant 0 : i32
      %dma_wait3A_63 = tpu.memref_slice %arg8[%dma_wait3A] : memref<25600xi32, #tpu.memory_space<vmem>> -> memref<1600xi32, #tpu.memory_space<vmem>>
      %dma_wait3A_64 = tpu.memref_slice %arg14[%mul3A_2] : memref<25600xi32, #tpu.memory_space<vmem_shared>> -> memref<1600xi32, #tpu.memory_space<vmem_shared>>
      %dma_wait3A_65 = tpu.memref_slice %arg14[%mul3A_2] : memref<25600xi32, #tpu.memory_space<vmem_shared>> -> memref<1600xi32, #tpu.memory_space<vmem_shared>>
      %dma_wait3A_66 = arith.constant 0 : i32
      %dma_wait3A_67 = tpu.memref_slice %arg8[%dma_wait3A_66] : memref<25600xi32, #tpu.memory_space<vmem>> -> memref<1600xi32, #tpu.memory_space<vmem>>
      tpu.wait_dma2 semaphore(%run_scoped3A : memref<!tpu.dma_semaphore, #tpu.memory_space<semaphore_mem>>) src(%dma_wait3A_67 : memref<1600xi32, #tpu.memory_space<vmem>>) dst(%dma_wait3A_65 : memref<1600xi32, #tpu.memory_space<vmem_shared>>)
      tpu.yield
    }) : () -> ()
    %scan3A_8 = arith.constant 0 : i32
    %scan3A_9 = arith.constant 0 : i32
    %scan3A_10 = arith.constant 4 : i32
    %scan3A_11 = arith.addi %scan3A_9, %scan3A_10 : i32
    %scan3A_12 = arith.constant 1 : i32
    scf.for %scan3A_58 = %scan3A_9 to %scan3A_11 step %scan3A_12  : i32 {
      %mul3A_59 = arith.constant 64 : i32
      %mul3A_60 = arith.muli %arg1, %mul3A_59 : i32
      %mul3A_61 = arith.constant 16 : i32
      %mul3A_62 = arith.muli %scan3A_58, %mul3A_61 : i32
      %add3A_63 = arith.addi %mul3A_60, %mul3A_62 : i32
      %iota3A_64 = tpu.iota {dimensions = array<i32: 0>} : vector<16xi32>
      %add3A_65 = vector.broadcast %add3A_63 : i32 to vector<16xi32>
      %add3A_66 = arith.addi %add3A_65, %iota3A_64 : vector<16xi32>
      %broadcast_in_dim3A = arith.constant 0 : i32
      %broadcast_in_dim3A_67 = vector.broadcast %broadcast_in_dim3A : i32 to vector<16xi32>
      %add3A_68 = arith.constant 16384 : i32
      %add3A_69 = vector.broadcast %add3A_68 : i32 to vector<16xi32>
      %add3A_70 = arith.addi %broadcast_in_dim3A_67, %add3A_69 : vector<16xi32>
      %le3A = arith.constant 25600 : i32
      %le3A_71 = vector.broadcast %le3A : i32 to vector<16xi32>
      %le3A_72 = arith.cmpi sle, %add3A_70, %le3A_71 : vector<16xi32>
      %sub3A = arith.constant 1 : i32
      %sub3A_73 = vector.broadcast %sub3A : i32 to vector<16xi32>
      %sub3A_74 = arith.subi %add3A_70, %sub3A_73 : vector<16xi32>
      %jit3A = arith.constant 0 : i32
      %broadcast_in_dim3A_75 = vector.broadcast %jit3A : i32 to vector<16xi32>
      %select_n3A = arith.select %le3A_72, %sub3A_74, %broadcast_in_dim3A_75 : vector<16xi1>, vector<16xi32>
      %gather3A_76 = tpu.vector_load_idx %arg9[%select_n3A] : memref<25600xi32, #tpu.memory_space<vmem>>[vector<16xi32>], vector<16xi32>,
      %le3A_77 = arith.cmpi sle, %gather3A_76, %add3A_66 : vector<16xi32>
      %and3A = arith.andi %le3A_72, %le3A_77 : vector<16xi1>
      %select_n3A_78 = arith.select %and3A, %add3A_70, %broadcast_in_dim3A_67 : vector<16xi1>, vector<16xi32>
      %add3A_79 = arith.constant 8192 : i32
      %add3A_80 = vector.broadcast %add3A_79 : i32 to vector<16xi32>
      %add3A_81 = arith.addi %select_n3A_78, %add3A_80 : vector<16xi32>
      %le3A_82 = arith.constant 25600 : i32
      %le3A_83 = vector.broadcast %le3A_82 : i32 to vector<16xi32>
      %le3A_84 = arith.cmpi sle, %add3A_81, %le3A_83 : vector<16xi32>
      %sub3A_85 = arith.constant 1 : i32
      %sub3A_86 = vector.broadcast %sub3A_85 : i32 to vector<16xi32>
      %sub3A_87 = arith.subi %add3A_81, %sub3A_86 : vector<16xi32>
      %jit3A_88 = arith.constant 0 : i32
      %broadcast_in_dim3A_89 = vector.broadcast %jit3A_88 : i32 to vector<16xi32>
      %select_n3A_90 = arith.select %le3A_84, %sub3A_87, %broadcast_in_dim3A_89 : vector<16xi1>, vector<16xi32>
      %gather3A_91 = tpu.vector_load_idx %arg9[%select_n3A_90] : memref<25600xi32, #tpu.memory_space<vmem>>[vector<16xi32>], vector<16xi32>,
      %le3A_92 = arith.cmpi sle, %gather3A_91, %add3A_66 : vector<16xi32>
      %and3A_93 = arith.andi %le3A_84, %le3A_92 : vector<16xi1>
      %select_n3A_94 = arith.select %and3A_93, %add3A_81, %select_n3A_78 : vector<16xi1>, vector<16xi32>
      %add3A_95 = arith.constant 4096 : i32
      %add3A_96 = vector.broadcast %add3A_95 : i32 to vector<16xi32>
      %add3A_97 = arith.addi %select_n3A_94, %add3A_96 : vector<16xi32>
      %le3A_98 = arith.constant 25600 : i32
      %le3A_99 = vector.broadcast %le3A_98 : i32 to vector<16xi32>
      %le3A_100 = arith.cmpi sle, %add3A_97, %le3A_99 : vector<16xi32>
      %sub3A_101 = arith.constant 1 : i32
      %sub3A_102 = vector.broadcast %sub3A_101 : i32 to vector<16xi32>
      %sub3A_103 = arith.subi %add3A_97, %sub3A_102 : vector<16xi32>
      %jit3A_104 = arith.constant 0 : i32
      %broadcast_in_dim3A_105 = vector.broadcast %jit3A_104 : i32 to vector<16xi32>
      %select_n3A_106 = arith.select %le3A_100, %sub3A_103, %broadcast_in_dim3A_105 : vector<16xi1>, vector<16xi32>
      %gather3A_107 = tpu.vector_load_idx %arg9[%select_n3A_106] : memref<25600xi32, #tpu.memory_space<vmem>>[vector<16xi32>], vector<16xi32>,
      %le3A_108 = arith.cmpi sle, %gather3A_107, %add3A_66 : vector<16xi32>
      %and3A_109 = arith.andi %le3A_100, %le3A_108 : vector<16xi1>
      %select_n3A_110 = arith.select %and3A_109, %add3A_97, %select_n3A_94 : vector<16xi1>, vector<16xi32>
      %add3A_111 = arith.constant 2048 : i32
      %add3A_112 = vector.broadcast %add3A_111 : i32 to vector<16xi32>
      %add3A_113 = arith.addi %select_n3A_110, %add3A_112 : vector<16xi32>
      %le3A_114 = arith.constant 25600 : i32
      %le3A_115 = vector.broadcast %le3A_114 : i32 to vector<16xi32>
      %le3A_116 = arith.cmpi sle, %add3A_113, %le3A_115 : vector<16xi32>
      %sub3A_117 = arith.constant 1 : i32
      %sub3A_118 = vector.broadcast %sub3A_117 : i32 to vector<16xi32>
      %sub3A_119 = arith.subi %add3A_113, %sub3A_118 : vector<16xi32>
      %jit3A_120 = arith.constant 0 : i32
      %broadcast_in_dim3A_121 = vector.broadcast %jit3A_120 : i32 to vector<16xi32>
      %select_n3A_122 = arith.select %le3A_116, %sub3A_119, %broadcast_in_dim3A_121 : vector<16xi1>, vector<16xi32>
      %gather3A_123 = tpu.vector_load_idx %arg9[%select_n3A_122] : memref<25600xi32, #tpu.memory_space<vmem>>[vector<16xi32>], vector<16xi32>,
      %le3A_124 = arith.cmpi sle, %gather3A_123, %add3A_66 : vector<16xi32>
      %and3A_125 = arith.andi %le3A_116, %le3A_124 : vector<16xi1>
      %select_n3A_126 = arith.select %and3A_125, %add3A_113, %select_n3A_110 : vector<16xi1>, vector<16xi32>
      %add3A_127 = arith.constant 1024 : i32
      %add3A_128 = vector.broadcast %add3A_127 : i32 to vector<16xi32>
      %add3A_129 = arith.addi %select_n3A_126, %add3A_128 : vector<16xi32>
      %le3A_130 = arith.constant 25600 : i32
      %le3A_131 = vector.broadcast %le3A_130 : i32 to vector<16xi32>
      %le3A_132 = arith.cmpi sle, %add3A_129, %le3A_131 : vector<16xi32>
      %sub3A_133 = arith.constant 1 : i32
      %sub3A_134 = vector.broadcast %sub3A_133 : i32 to vector<16xi32>
      %sub3A_135 = arith.subi %add3A_129, %sub3A_134 : vector<16xi32>
      %jit3A_136 = arith.constant 0 : i32
      %broadcast_in_dim3A_137 = vector.broadcast %jit3A_136 : i32 to vector<16xi32>
      %select_n3A_138 = arith.select %le3A_132, %sub3A_135, %broadcast_in_dim3A_137 : vector<16xi1>, vector<16xi32>
      %gather3A_139 = tpu.vector_load_idx %arg9[%select_n3A_138] : memref<25600xi32, #tpu.memory_space<vmem>>[vector<16xi32>], vector<16xi32>,
      %le3A_140 = arith.cmpi sle, %gather3A_139, %add3A_66 : vector<16xi32>
      %and3A_141 = arith.andi %le3A_132, %le3A_140 : vector<16xi1>
      %select_n3A_142 = arith.select %and3A_141, %add3A_129, %select_n3A_126 : vector<16xi1>, vector<16xi32>
      %add3A_143 = arith.constant 512 : i32
      %add3A_144 = vector.broadcast %add3A_143 : i32 to vector<16xi32>
      %add3A_145 = arith.addi %select_n3A_142, %add3A_144 : vector<16xi32>
      %le3A_146 = arith.constant 25600 : i32
      %le3A_147 = vector.broadcast %le3A_146 : i32 to vector<16xi32>
      %le3A_148 = arith.cmpi sle, %add3A_145, %le3A_147 : vector<16xi32>
      %sub3A_149 = arith.constant 1 : i32
      %sub3A_150 = vector.broadcast %sub3A_149 : i32 to vector<16xi32>
      %sub3A_151 = arith.subi %add3A_145, %sub3A_150 : vector<16xi32>
      %jit3A_152 = arith.constant 0 : i32
      %broadcast_in_dim3A_153 = vector.broadcast %jit3A_152 : i32 to vector<16xi32>
      %select_n3A_154 = arith.select %le3A_148, %sub3A_151, %broadcast_in_dim3A_153 : vector<16xi1>, vector<16xi32>
      %gather3A_155 = tpu.vector_load_idx %arg9[%select_n3A_154] : memref<25600xi32, #tpu.memory_space<vmem>>[vector<16xi32>], vector<16xi32>,
      %le3A_156 = arith.cmpi sle, %gather3A_155, %add3A_66 : vector<16xi32>
      %and3A_157 = arith.andi %le3A_148, %le3A_156 : vector<16xi1>
      %select_n3A_158 = arith.select %and3A_157, %add3A_145, %select_n3A_142 : vector<16xi1>, vector<16xi32>
      %add3A_159 = arith.constant 256 : i32
      %add3A_160 = vector.broadcast %add3A_159 : i32 to vector<16xi32>
      %add3A_161 = arith.addi %select_n3A_158, %add3A_160 : vector<16xi32>
      %le3A_162 = arith.constant 25600 : i32
      %le3A_163 = vector.broadcast %le3A_162 : i32 to vector<16xi32>
      %le3A_164 = arith.cmpi sle, %add3A_161, %le3A_163 : vector<16xi32>
      %sub3A_165 = arith.constant 1 : i32
      %sub3A_166 = vector.broadcast %sub3A_165 : i32 to vector<16xi32>
      %sub3A_167 = arith.subi %add3A_161, %sub3A_166 : vector<16xi32>
      %jit3A_168 = arith.constant 0 : i32
      %broadcast_in_dim3A_169 = vector.broadcast %jit3A_168 : i32 to vector<16xi32>
      %select_n3A_170 = arith.select %le3A_164, %sub3A_167, %broadcast_in_dim3A_169 : vector<16xi1>, vector<16xi32>
      %gather3A_171 = tpu.vector_load_idx %arg9[%select_n3A_170] : memref<25600xi32, #tpu.memory_space<vmem>>[vector<16xi32>], vector<16xi32>,
      %le3A_172 = arith.cmpi sle, %gather3A_171, %add3A_66 : vector<16xi32>
      %and3A_173 = arith.andi %le3A_164, %le3A_172 : vector<16xi1>
      %select_n3A_174 = arith.select %and3A_173, %add3A_161, %select_n3A_158 : vector<16xi1>, vector<16xi32>
      %add3A_175 = arith.constant 128 : i32
      %add3A_176 = vector.broadcast %add3A_175 : i32 to vector<16xi32>
      %add3A_177 = arith.addi %select_n3A_174, %add3A_176 : vector<16xi32>
      %le3A_178 = arith.constant 25600 : i32
      %le3A_179 = vector.broadcast %le3A_178 : i32 to vector<16xi32>
      %le3A_180 = arith.cmpi sle, %add3A_177, %le3A_179 : vector<16xi32>
      %sub3A_181 = arith.constant 1 : i32
      %sub3A_182 = vector.broadcast %sub3A_181 : i32 to vector<16xi32>
      %sub3A_183 = arith.subi %add3A_177, %sub3A_182 : vector<16xi32>
      %jit3A_184 = arith.constant 0 : i32
      %broadcast_in_dim3A_185 = vector.broadcast %jit3A_184 : i32 to vector<16xi32>
      %select_n3A_186 = arith.select %le3A_180, %sub3A_183, %broadcast_in_dim3A_185 : vector<16xi1>, vector<16xi32>
      %gather3A_187 = tpu.vector_load_idx %arg9[%select_n3A_186] : memref<25600xi32, #tpu.memory_space<vmem>>[vector<16xi32>], vector<16xi32>,
      %le3A_188 = arith.cmpi sle, %gather3A_187, %add3A_66 : vector<16xi32>
      %and3A_189 = arith.andi %le3A_180, %le3A_188 : vector<16xi1>
      %select_n3A_190 = arith.select %and3A_189, %add3A_177, %select_n3A_174 : vector<16xi1>, vector<16xi32>
      %add3A_191 = arith.constant 64 : i32
      %add3A_192 = vector.broadcast %add3A_191 : i32 to vector<16xi32>
      %add3A_193 = arith.addi %select_n3A_190, %add3A_192 : vector<16xi32>
      %le3A_194 = arith.constant 25600 : i32
      %le3A_195 = vector.broadcast %le3A_194 : i32 to vector<16xi32>
      %le3A_196 = arith.cmpi sle, %add3A_193, %le3A_195 : vector<16xi32>
      %sub3A_197 = arith.constant 1 : i32
      %sub3A_198 = vector.broadcast %sub3A_197 : i32 to vector<16xi32>
      %sub3A_199 = arith.subi %add3A_193, %sub3A_198 : vector<16xi32>
      %jit3A_200 = arith.constant 0 : i32
      %broadcast_in_dim3A_201 = vector.broadcast %jit3A_200 : i32 to vector<16xi32>
      %select_n3A_202 = arith.select %le3A_196, %sub3A_199, %broadcast_in_dim3A_201 : vector<16xi1>, vector<16xi32>
      %gather3A_203 = tpu.vector_load_idx %arg9[%select_n3A_202] : memref<25600xi32, #tpu.memory_space<vmem>>[vector<16xi32>], vector<16xi32>,
      %le3A_204 = arith.cmpi sle, %gather3A_203, %add3A_66 : vector<16xi32>
      %and3A_205 = arith.andi %le3A_196, %le3A_204 : vector<16xi1>
      %select_n3A_206 = arith.select %and3A_205, %add3A_193, %select_n3A_190 : vector<16xi1>, vector<16xi32>
      %add3A_207 = arith.constant 32 : i32
      %add3A_208 = vector.broadcast %add3A_207 : i32 to vector<16xi32>
      %add3A_209 = arith.addi %select_n3A_206, %add3A_208 : vector<16xi32>
      %le3A_210 = arith.constant 25600 : i32
      %le3A_211 = vector.broadcast %le3A_210 : i32 to vector<16xi32>
      %le3A_212 = arith.cmpi sle, %add3A_209, %le3A_211 : vector<16xi32>
      %sub3A_213 = arith.constant 1 : i32
      %sub3A_214 = vector.broadcast %sub3A_213 : i32 to vector<16xi32>
      %sub3A_215 = arith.subi %add3A_209, %sub3A_214 : vector<16xi32>
      %jit3A_216 = arith.constant 0 : i32
      %broadcast_in_dim3A_217 = vector.broadcast %jit3A_216 : i32 to vector<16xi32>
      %select_n3A_218 = arith.select %le3A_212, %sub3A_215, %broadcast_in_dim3A_217 : vector<16xi1>, vector<16xi32>
      %gather3A_219 = tpu.vector_load_idx %arg9[%select_n3A_218] : memref<25600xi32, #tpu.memory_space<vmem>>[vector<16xi32>], vector<16xi32>,
      %le3A_220 = arith.cmpi sle, %gather3A_219, %add3A_66 : vector<16xi32>
      %and3A_221 = arith.andi %le3A_212, %le3A_220 : vector<16xi1>
      %select_n3A_222 = arith.select %and3A_221, %add3A_209, %select_n3A_206 : vector<16xi1>, vector<16xi32>
      %add3A_223 = arith.constant 16 : i32
      %add3A_224 = vector.broadcast %add3A_223 : i32 to vector<16xi32>
      %add3A_225 = arith.addi %select_n3A_222, %add3A_224 : vector<16xi32>
      %le3A_226 = arith.constant 25600 : i32
      %le3A_227 = vector.broadcast %le3A_226 : i32 to vector<16xi32>
      %le3A_228 = arith.cmpi sle, %add3A_225, %le3A_227 : vector<16xi32>
      %sub3A_229 = arith.constant 1 : i32
      %sub3A_230 = vector.broadcast %sub3A_229 : i32 to vector<16xi32>
      %sub3A_231 = arith.subi %add3A_225, %sub3A_230 : vector<16xi32>
      %jit3A_232 = arith.constant 0 : i32
      %broadcast_in_dim3A_233 = vector.broadcast %jit3A_232 : i32 to vector<16xi32>
      %select_n3A_234 = arith.select %le3A_228, %sub3A_231, %broadcast_in_dim3A_233 : vector<16xi1>, vector<16xi32>
      %gather3A_235 = tpu.vector_load_idx %arg9[%select_n3A_234] : memref<25600xi32, #tpu.memory_space<vmem>>[vector<16xi32>], vector<16xi32>,
      %le3A_236 = arith.cmpi sle, %gather3A_235, %add3A_66 : vector<16xi32>
      %and3A_237 = arith.andi %le3A_228, %le3A_236 : vector<16xi1>
      %select_n3A_238 = arith.select %and3A_237, %add3A_225, %select_n3A_222 : vector<16xi1>, vector<16xi32>
      %add3A_239 = arith.constant 8 : i32
      %add3A_240 = vector.broadcast %add3A_239 : i32 to vector<16xi32>
      %add3A_241 = arith.addi %select_n3A_238, %add3A_240 : vector<16xi32>
      %le3A_242 = arith.constant 25600 : i32
      %le3A_243 = vector.broadcast %le3A_242 : i32 to vector<16xi32>
      %le3A_244 = arith.cmpi sle, %add3A_241, %le3A_243 : vector<16xi32>
      %sub3A_245 = arith.constant 1 : i32
      %sub3A_246 = vector.broadcast %sub3A_245 : i32 to vector<16xi32>
      %sub3A_247 = arith.subi %add3A_241, %sub3A_246 : vector<16xi32>
      %jit3A_248 = arith.constant 0 : i32
      %broadcast_in_dim3A_249 = vector.broadcast %jit3A_248 : i32 to vector<16xi32>
      %select_n3A_250 = arith.select %le3A_244, %sub3A_247, %broadcast_in_dim3A_249 : vector<16xi1>, vector<16xi32>
      %gather3A_251 = tpu.vector_load_idx %arg9[%select_n3A_250] : memref<25600xi32, #tpu.memory_space<vmem>>[vector<16xi32>], vector<16xi32>,
      %le3A_252 = arith.cmpi sle, %gather3A_251, %add3A_66 : vector<16xi32>
      %and3A_253 = arith.andi %le3A_244, %le3A_252 : vector<16xi1>
      %select_n3A_254 = arith.select %and3A_253, %add3A_241, %select_n3A_238 : vector<16xi1>, vector<16xi32>
      %add3A_255 = arith.constant 4 : i32
      %add3A_256 = vector.broadcast %add3A_255 : i32 to vector<16xi32>
      %add3A_257 = arith.addi %select_n3A_254, %add3A_256 : vector<16xi32>
      %le3A_258 = arith.constant 25600 : i32
      %le3A_259 = vector.broadcast %le3A_258 : i32 to vector<16xi32>
      %le3A_260 = arith.cmpi sle, %add3A_257, %le3A_259 : vector<16xi32>
      %sub3A_261 = arith.constant 1 : i32
      %sub3A_262 = vector.broadcast %sub3A_261 : i32 to vector<16xi32>
      %sub3A_263 = arith.subi %add3A_257, %sub3A_262 : vector<16xi32>
      %jit3A_264 = arith.constant 0 : i32
      %broadcast_in_dim3A_265 = vector.broadcast %jit3A_264 : i32 to vector<16xi32>
      %select_n3A_266 = arith.select %le3A_260, %sub3A_263, %broadcast_in_dim3A_265 : vector<16xi1>, vector<16xi32>
      %gather3A_267 = tpu.vector_load_idx %arg9[%select_n3A_266] : memref<25600xi32, #tpu.memory_space<vmem>>[vector<16xi32>], vector<16xi32>,
      %le3A_268 = arith.cmpi sle, %gather3A_267, %add3A_66 : vector<16xi32>
      %and3A_269 = arith.andi %le3A_260, %le3A_268 : vector<16xi1>
      %select_n3A_270 = arith.select %and3A_269, %add3A_257, %select_n3A_254 : vector<16xi1>, vector<16xi32>
      %add3A_271 = arith.constant 2 : i32
      %add3A_272 = vector.broadcast %add3A_271 : i32 to vector<16xi32>
      %add3A_273 = arith.addi %select_n3A_270, %add3A_272 : vector<16xi32>
      %le3A_274 = arith.constant 25600 : i32
      %le3A_275 = vector.broadcast %le3A_274 : i32 to vector<16xi32>
      %le3A_276 = arith.cmpi sle, %add3A_273, %le3A_275 : vector<16xi32>
      %sub3A_277 = arith.constant 1 : i32
      %sub3A_278 = vector.broadcast %sub3A_277 : i32 to vector<16xi32>
      %sub3A_279 = arith.subi %add3A_273, %sub3A_278 : vector<16xi32>
      %jit3A_280 = arith.constant 0 : i32
      %broadcast_in_dim3A_281 = vector.broadcast %jit3A_280 : i32 to vector<16xi32>
      %select_n3A_282 = arith.select %le3A_276, %sub3A_279, %broadcast_in_dim3A_281 : vector<16xi1>, vector<16xi32>
      %gather3A_283 = tpu.vector_load_idx %arg9[%select_n3A_282] : memref<25600xi32, #tpu.memory_space<vmem>>[vector<16xi32>], vector<16xi32>,
      %le3A_284 = arith.cmpi sle, %gather3A_283, %add3A_66 : vector<16xi32>
      %and3A_285 = arith.andi %le3A_276, %le3A_284 : vector<16xi1>
      %select_n3A_286 = arith.select %and3A_285, %add3A_273, %select_n3A_270 : vector<16xi1>, vector<16xi32>
      %add3A_287 = arith.constant 1 : i32
      %add3A_288 = vector.broadcast %add3A_287 : i32 to vector<16xi32>
      %add3A_289 = arith.addi %select_n3A_286, %add3A_288 : vector<16xi32>
      %le3A_290 = arith.constant 25600 : i32
      %le3A_291 = vector.broadcast %le3A_290 : i32 to vector<16xi32>
      %le3A_292 = arith.cmpi sle, %add3A_289, %le3A_291 : vector<16xi32>
      %sub3A_293 = arith.constant 1 : i32
      %sub3A_294 = vector.broadcast %sub3A_293 : i32 to vector<16xi32>
      %sub3A_295 = arith.subi %add3A_289, %sub3A_294 : vector<16xi32>
      %jit3A_296 = arith.constant 0 : i32
      %broadcast_in_dim3A_297 = vector.broadcast %jit3A_296 : i32 to vector<16xi32>
      %select_n3A_298 = arith.select %le3A_292, %sub3A_295, %broadcast_in_dim3A_297 : vector<16xi1>, vector<16xi32>
      %gather3A_299 = tpu.vector_load_idx %arg9[%select_n3A_298] : memref<25600xi32, #tpu.memory_space<vmem>>[vector<16xi32>], vector<16xi32>,
      %le3A_300 = arith.cmpi sle, %gather3A_299, %add3A_66 : vector<16xi32>
      %and3A_301 = arith.andi %le3A_292, %le3A_300 : vector<16xi1>
      %select_n3A_302 = arith.select %and3A_301, %add3A_289, %select_n3A_286 : vector<16xi1>, vector<16xi32>
      %eq3A = arith.constant 0 : i32
      %eq3A_303 = vector.broadcast %eq3A : i32 to vector<16xi32>
      %eq3A_304 = arith.cmpi eq, %select_n3A_302, %eq3A_303 : vector<16xi32>
      %sub3A_305 = arith.constant 1 : i32
      %sub3A_306 = vector.broadcast %sub3A_305 : i32 to vector<16xi32>
      %sub3A_307 = arith.subi %select_n3A_302, %sub3A_306 : vector<16xi32>
      %jit3A_308 = arith.constant 25599 : i32
      %broadcast_in_dim3A_309 = vector.broadcast %jit3A_308 : i32 to vector<16xi32>
      %select_n3A_310 = arith.select %eq3A_304, %broadcast_in_dim3A_309, %sub3A_307 : vector<16xi1>, vector<16xi32>
      %mul3A_311 = arith.constant 16 : i32
      %mul3A_312 = arith.muli %scan3A_58, %mul3A_311 : i32
      %iota3A_313 = tpu.iota {dimensions = array<i32: 0>} : vector<16xi32>
      %add3A_314 = vector.broadcast %mul3A_312 : i32 to vector<16xi32>
      %add3A_315 = arith.addi %add3A_314, %iota3A_313 : vector<16xi32>
      tpu.vector_store_idx %arg10[%add3A_315], %select_n3A_310 : memref<1024xi32, #tpu.memory_space<vmem>>[vector<16xi32>], vector<16xi32>,
    }
    %scan3A_13 = arith.constant 4 : i32
    %mul3A_14 = arith.constant 64 : i32
    %mul3A_15 = arith.muli %arg1, %mul3A_14 : i32
    "tpu.region"() ({
      %run_scoped3A = tpu.sem_alloc : memref<!tpu.dma_semaphore, #tpu.memory_space<semaphore_mem>>
      %dma_start3A = arith.constant 0 : i32
      %dma_start3A_58 = tpu.memref_slice %arg10[%dma_start3A] : memref<1024xi32, #tpu.memory_space<vmem>> -> memref<64xi32, #tpu.memory_space<vmem>>
      %dma_start3A_59 = tpu.memref_slice %arg15[%mul3A_15] : memref<1024xi32, #tpu.memory_space<vmem_shared>> -> memref<64xi32, #tpu.memory_space<vmem_shared>>
      %dma_start3A_60 = tpu.memref_slice %arg15[%mul3A_15] : memref<1024xi32, #tpu.memory_space<vmem_shared>> -> memref<64xi32, #tpu.memory_space<vmem_shared>>
      %dma_start3A_61 = arith.constant 0 : i32
      %dma_start3A_62 = tpu.memref_slice %arg10[%dma_start3A_61] : memref<1024xi32, #tpu.memory_space<vmem>> -> memref<64xi32, #tpu.memory_space<vmem>>
      tpu.enqueue_dma source(%dma_start3A_62 : memref<64xi32, #tpu.memory_space<vmem>>) target(%dma_start3A_60 : memref<64xi32, #tpu.memory_space<vmem_shared>>) target_semaphore(%run_scoped3A : memref<!tpu.dma_semaphore, #tpu.memory_space<semaphore_mem>>)
      %dma_wait3A = arith.constant 0 : i32
      %dma_wait3A_63 = tpu.memref_slice %arg10[%dma_wait3A] : memref<1024xi32, #tpu.memory_space<vmem>> -> memref<64xi32, #tpu.memory_space<vmem>>
      %dma_wait3A_64 = tpu.memref_slice %arg15[%mul3A_15] : memref<1024xi32, #tpu.memory_space<vmem_shared>> -> memref<64xi32, #tpu.memory_space<vmem_shared>>
      %dma_wait3A_65 = tpu.memref_slice %arg15[%mul3A_15] : memref<1024xi32, #tpu.memory_space<vmem_shared>> -> memref<64xi32, #tpu.memory_space<vmem_shared>>
      %dma_wait3A_66 = arith.constant 0 : i32
      %dma_wait3A_67 = tpu.memref_slice %arg10[%dma_wait3A_66] : memref<1024xi32, #tpu.memory_space<vmem>> -> memref<64xi32, #tpu.memory_space<vmem>>
      tpu.wait_dma2 semaphore(%run_scoped3A : memref<!tpu.dma_semaphore, #tpu.memory_space<semaphore_mem>>) src(%dma_wait3A_67 : memref<64xi32, #tpu.memory_space<vmem>>) dst(%dma_wait3A_65 : memref<64xi32, #tpu.memory_space<vmem_shared>>)
      tpu.yield
    }) : () -> ()
    %barrier3A = arith.constant 0 : index
    tpu.barrier barrier_id(%barrier3A)
    "tpu.region"() ({
      %run_scoped3A = tpu.sem_alloc : memref<!tpu.dma_semaphore, #tpu.memory_space<semaphore_mem>>
      tpu.enqueue_dma source(%arg14 : memref<25600xi32, #tpu.memory_space<vmem_shared>>) target(%arg8 : memref<25600xi32, #tpu.memory_space<vmem>>) target_semaphore(%run_scoped3A : memref<!tpu.dma_semaphore, #tpu.memory_space<semaphore_mem>>)
      tpu.wait_dma2 semaphore(%run_scoped3A : memref<!tpu.dma_semaphore, #tpu.memory_space<semaphore_mem>>) src(%arg14 : memref<25600xi32, #tpu.memory_space<vmem_shared>>) dst(%arg8 : memref<25600xi32, #tpu.memory_space<vmem>>)
      tpu.yield
    }) : () -> ()
    "tpu.region"() ({
      %run_scoped3A = tpu.sem_alloc : memref<!tpu.dma_semaphore, #tpu.memory_space<semaphore_mem>>
      tpu.enqueue_dma source(%arg15 : memref<1024xi32, #tpu.memory_space<vmem_shared>>) target(%arg10 : memref<1024xi32, #tpu.memory_space<vmem>>) target_semaphore(%run_scoped3A : memref<!tpu.dma_semaphore, #tpu.memory_space<semaphore_mem>>)
      tpu.wait_dma2 semaphore(%run_scoped3A : memref<!tpu.dma_semaphore, #tpu.memory_space<semaphore_mem>>) src(%arg15 : memref<1024xi32, #tpu.memory_space<vmem_shared>>) dst(%arg10 : memref<1024xi32, #tpu.memory_space<vmem>>)
      tpu.yield
    }) : () -> ()
    %mul3A_16 = arith.constant 800 : i32
    %mul3A_17 = arith.muli %add3A, %mul3A_16 : i32
    %scan3A_18 = arith.constant 0 : i32
    %scan3A_19 = arith.constant 0 : i32
    %scan3A_20 = arith.constant 10 : i32
    %scan3A_21 = arith.addi %scan3A_19, %scan3A_20 : i32
    %scan3A_22 = arith.constant 1 : i32
    scf.for %scan3A_58 = %scan3A_19 to %scan3A_21 step %scan3A_22  : i32 {
      %mul3A_59 = arith.constant 80 : i32
      %mul3A_60 = arith.muli %scan3A_58, %mul3A_59 : i32
      %add3A_61 = arith.addi %mul3A_17, %mul3A_60 : i32
      "tpu.region"() ({
        %run_scoped3A = tpu.sem_alloc : memref<!tpu.dma_semaphore, #tpu.memory_space<semaphore_mem>>
        %dma_start3A = tpu.memref_slice %arg8[%add3A_61] : memref<25600xi32, #tpu.memory_space<vmem>> -> memref<80xi32, #tpu.memory_space<vmem>>
        %dma_start3A_62 = arith.constant 0 : i32
        %dma_start3A_63 = arith.constant 0 : i32
        %dma_start3A_64 = tpu.memref_slice %arg2[%dma_start3A_62, %dma_start3A_63] : memref<10000x128xf32, #tpu.memory_space<hbm>> -> memref<10000x128xf32, #tpu.memory_space<hbm>>
        tpu.enqueue_indirect_dma source(%dma_start3A_64 : memref<10000x128xf32, #tpu.memory_space<hbm>>) target(%arg12 : memref<80x128xf32, #tpu.memory_space<vmem>>) offsets(%dma_start3A : memref<80xi32, #tpu.memory_space<vmem>>) semaphore(%run_scoped3A : memref<!tpu.dma_semaphore, #tpu.memory_space<semaphore_mem>>)
        %dma_wait3A = tpu.memref_slice %arg8[%add3A_61] : memref<25600xi32, #tpu.memory_space<vmem>> -> memref<80xi32, #tpu.memory_space<vmem>>
        %dma_wait3A_65 = arith.constant 0 : i32
        %dma_wait3A_66 = arith.constant 0 : i32
        %dma_wait3A_67 = tpu.memref_slice %arg2[%dma_wait3A_65, %dma_wait3A_66] : memref<10000x128xf32, #tpu.memory_space<hbm>> -> memref<10000x128xf32, #tpu.memory_space<hbm>>
        tpu.wait_indirect_dma semaphore(%run_scoped3A : memref<!tpu.dma_semaphore, #tpu.memory_space<semaphore_mem>>) src(%dma_wait3A_67 : memref<10000x128xf32, #tpu.memory_space<hbm>>) dst(%arg12 : memref<80x128xf32, #tpu.memory_space<vmem>>)
        tpu.yield
      }) : () -> ()
      "tpu.region"() ({
        %run_scoped3A = tpu.sem_alloc : memref<!tpu.dma_semaphore, #tpu.memory_space<semaphore_mem>>
        %dma_start3A = arith.constant 0 : i32
        %dma_start3A_62 = tpu.memref_slice %arg5[%add3A_61, %dma_start3A] : memref<25600x128xf32, #tpu.memory_space<hbm>> -> memref<80x128xf32, #tpu.memory_space<hbm>>
        %dma_start3A_63 = arith.constant 0 : i32
        %dma_start3A_64 = tpu.memref_slice %arg5[%add3A_61, %dma_start3A_63] : memref<25600x128xf32, #tpu.memory_space<hbm>> -> memref<80x128xf32, #tpu.memory_space<hbm>>
        tpu.enqueue_dma source(%arg12 : memref<80x128xf32, #tpu.memory_space<vmem>>) target(%dma_start3A_64 : memref<80x128xf32, #tpu.memory_space<hbm>>) target_semaphore(%run_scoped3A : memref<!tpu.dma_semaphore, #tpu.memory_space<semaphore_mem>>)
        %dma_wait3A = arith.constant 0 : i32
        %dma_wait3A_65 = tpu.memref_slice %arg5[%add3A_61, %dma_wait3A] : memref<25600x128xf32, #tpu.memory_space<hbm>> -> memref<80x128xf32, #tpu.memory_space<hbm>>
        %dma_wait3A_66 = arith.constant 0 : i32
        %dma_wait3A_67 = tpu.memref_slice %arg5[%add3A_61, %dma_wait3A_66] : memref<25600x128xf32, #tpu.memory_space<hbm>> -> memref<80x128xf32, #tpu.memory_space<hbm>>
        tpu.wait_dma2 semaphore(%run_scoped3A : memref<!tpu.dma_semaphore, #tpu.memory_space<semaphore_mem>>) src(%arg12 : memref<80x128xf32, #tpu.memory_space<vmem>>) dst(%dma_wait3A_67 : memref<80x128xf32, #tpu.memory_space<hbm>>)
        tpu.yield
      }) : () -> ()
    }
    %scan3A_23 = arith.constant 10 : i32
    %scan3A_24 = arith.constant 0 : i32
    %scan3A_25 = arith.constant 0 : i32
    %scan3A_26 = arith.constant 50 : i32
    %scan3A_27 = arith.addi %scan3A_25, %scan3A_26 : i32
    %scan3A_28 = arith.constant 1 : i32
    scf.for %scan3A_58 = %scan3A_25 to %scan3A_27 step %scan3A_28  : i32 {
      %mul3A_59 = arith.constant 16 : i32
      %mul3A_60 = arith.muli %scan3A_58, %mul3A_59 : i32
      %add3A_61 = arith.addi %mul3A_17, %mul3A_60 : i32
      %iota3A_62 = tpu.iota {dimensions = array<i32: 0>} : vector<16xi32>
      %add3A_63 = vector.broadcast %add3A_61 : i32 to vector<16xi32>
      %add3A_64 = arith.addi %add3A_63, %iota3A_62 : vector<16xi32>
      %gather3A_65 = tpu.vector_load_idx %arg9[%add3A_64] : memref<25600xi32, #tpu.memory_space<vmem>>[vector<16xi32>], vector<16xi32>,
      %gather3A_66 = tpu.vector_load_idx %arg10[%gather3A_65] : memref<1024xi32, #tpu.memory_space<vmem>>[vector<16xi32>], vector<16xi32>,
      %gather3A_67 = tpu.vector_load_idx %arg8[%gather3A_66] : memref<25600xi32, #tpu.memory_space<vmem>>[vector<16xi32>], vector<16xi32>,
      %mul3A_68 = arith.constant 16 : i32
      %mul3A_69 = arith.muli %scan3A_58, %mul3A_68 : i32
      %iota3A_70 = tpu.iota {dimensions = array<i32: 0>} : vector<16xi32>
      %add3A_71 = vector.broadcast %mul3A_69 : i32 to vector<16xi32>
      %add3A_72 = arith.addi %add3A_71, %iota3A_70 : vector<16xi32>
      tpu.vector_store_idx %arg11[%add3A_72], %gather3A_67 : memref<800xi32, #tpu.memory_space<vmem>>[vector<16xi32>], vector<16xi32>,
    }
    %scan3A_29 = arith.constant 50 : i32
    %scan3A_30 = arith.constant 0 : i32
    %scan3A_31 = arith.constant 0 : i32
    %scan3A_32 = arith.constant 10 : i32
    %scan3A_33 = arith.addi %scan3A_31, %scan3A_32 : i32
    %scan3A_34 = arith.constant 1 : i32
    scf.for %scan3A_58 = %scan3A_31 to %scan3A_33 step %scan3A_34  : i32 {
      %mul3A_59 = arith.constant 80 : i32
      %mul3A_60 = arith.muli %scan3A_58, %mul3A_59 : i32
      "tpu.region"() ({
        %run_scoped3A = tpu.sem_alloc : memref<!tpu.dma_semaphore, #tpu.memory_space<semaphore_mem>>
        %dma_start3A = tpu.memref_slice %arg11[%mul3A_60] : memref<800xi32, #tpu.memory_space<vmem>> -> memref<80xi32, #tpu.memory_space<vmem>>
        %dma_start3A_64 = arith.constant 0 : i32
        %dma_start3A_65 = arith.constant 0 : i32
        %dma_start3A_66 = tpu.memref_slice %arg2[%dma_start3A_64, %dma_start3A_65] : memref<10000x128xf32, #tpu.memory_space<hbm>> -> memref<10000x128xf32, #tpu.memory_space<hbm>>
        tpu.enqueue_indirect_dma source(%dma_start3A_66 : memref<10000x128xf32, #tpu.memory_space<hbm>>) target(%arg12 : memref<80x128xf32, #tpu.memory_space<vmem>>) offsets(%dma_start3A : memref<80xi32, #tpu.memory_space<vmem>>) semaphore(%run_scoped3A : memref<!tpu.dma_semaphore, #tpu.memory_space<semaphore_mem>>)
        %dma_wait3A = tpu.memref_slice %arg11[%mul3A_60] : memref<800xi32, #tpu.memory_space<vmem>> -> memref<80xi32, #tpu.memory_space<vmem>>
        %dma_wait3A_67 = arith.constant 0 : i32
        %dma_wait3A_68 = arith.constant 0 : i32
        %dma_wait3A_69 = tpu.memref_slice %arg2[%dma_wait3A_67, %dma_wait3A_68] : memref<10000x128xf32, #tpu.memory_space<hbm>> -> memref<10000x128xf32, #tpu.memory_space<hbm>>
        tpu.wait_indirect_dma semaphore(%run_scoped3A : memref<!tpu.dma_semaphore, #tpu.memory_space<semaphore_mem>>) src(%dma_wait3A_69 : memref<10000x128xf32, #tpu.memory_space<hbm>>) dst(%arg12 : memref<80x128xf32, #tpu.memory_space<vmem>>)
        tpu.yield
      }) : () -> ()
      %mul3A_61 = arith.constant 80 : i32
      %mul3A_62 = arith.muli %scan3A_58, %mul3A_61 : i32
      %add3A_63 = arith.addi %mul3A_17, %mul3A_62 : i32
      "tpu.region"() ({
        %run_scoped3A = tpu.sem_alloc : memref<!tpu.dma_semaphore, #tpu.memory_space<semaphore_mem>>
        %dma_start3A = arith.constant 0 : i32
        %dma_start3A_64 = tpu.memref_slice %arg6[%add3A_63, %dma_start3A] : memref<25600x128xf32, #tpu.memory_space<hbm>> -> memref<80x128xf32, #tpu.memory_space<hbm>>
        %dma_start3A_65 = arith.constant 0 : i32
        %dma_start3A_66 = tpu.memref_slice %arg6[%add3A_63, %dma_start3A_65] : memref<25600x128xf32, #tpu.memory_space<hbm>> -> memref<80x128xf32, #tpu.memory_space<hbm>>
        tpu.enqueue_dma source(%arg12 : memref<80x128xf32, #tpu.memory_space<vmem>>) target(%dma_start3A_66 : memref<80x128xf32, #tpu.memory_space<hbm>>) target_semaphore(%run_scoped3A : memref<!tpu.dma_semaphore, #tpu.memory_space<semaphore_mem>>)
        %dma_wait3A = arith.constant 0 : i32
        %dma_wait3A_67 = tpu.memref_slice %arg6[%add3A_63, %dma_wait3A] : memref<25600x128xf32, #tpu.memory_space<hbm>> -> memref<80x128xf32, #tpu.memory_space<hbm>>
        %dma_wait3A_68 = arith.constant 0 : i32
        %dma_wait3A_69 = tpu.memref_slice %arg6[%add3A_63, %dma_wait3A_68] : memref<25600x128xf32, #tpu.memory_space<hbm>> -> memref<80x128xf32, #tpu.memory_space<hbm>>
        tpu.wait_dma2 semaphore(%run_scoped3A : memref<!tpu.dma_semaphore, #tpu.memory_space<semaphore_mem>>) src(%arg12 : memref<80x128xf32, #tpu.memory_space<vmem>>) dst(%dma_wait3A_69 : memref<80x128xf32, #tpu.memory_space<hbm>>)
        tpu.yield
      }) : () -> ()
    }
    %scan3A_35 = arith.constant 10 : i32
    %mul3A_36 = arith.constant 32 : i32
    %mul3A_37 = arith.muli %add3A, %mul3A_36 : i32
    %add3A_38 = arith.constant 0 : i32
    %add3A_39 = arith.addi %mul3A_37, %add3A_38 : i32
    %iota3A = tpu.iota {dimensions = array<i32: 0>} : vector<16xi32>
    %add3A_40 = vector.broadcast %add3A_39 : i32 to vector<16xi32>
    %add3A_41 = arith.addi %add3A_40, %iota3A : vector<16xi32>
    %gather3A = tpu.vector_load_idx %arg10[%add3A_41] : memref<1024xi32, #tpu.memory_space<vmem>>[vector<16xi32>], vector<16xi32>,
    %gather3A_42 = tpu.vector_load_idx %arg8[%gather3A] : memref<25600xi32, #tpu.memory_space<vmem>>[vector<16xi32>], vector<16xi32>,
    %iota3A_43 = tpu.iota {dimensions = array<i32: 0>} : vector<16xi32>
    %add3A_44 = arith.constant 0 : i32
    %add3A_45 = vector.broadcast %add3A_44 : i32 to vector<16xi32>
    %add3A_46 = arith.addi %add3A_45, %iota3A_43 : vector<16xi32>
    tpu.vector_store_idx %arg11[%add3A_46], %gather3A_42 : memref<800xi32, #tpu.memory_space<vmem>>[vector<16xi32>], vector<16xi32>,
    %add3A_47 = arith.constant 16 : i32
    %add3A_48 = arith.addi %mul3A_37, %add3A_47 : i32
    %iota3A_49 = tpu.iota {dimensions = array<i32: 0>} : vector<16xi32>
    %add3A_50 = vector.broadcast %add3A_48 : i32 to vector<16xi32>
    %add3A_51 = arith.addi %add3A_50, %iota3A_49 : vector<16xi32>
    %gather3A_52 = tpu.vector_load_idx %arg10[%add3A_51] : memref<1024xi32, #tpu.memory_space<vmem>>[vector<16xi32>], vector<16xi32>,
    %gather3A_53 = tpu.vector_load_idx %arg8[%gather3A_52] : memref<25600xi32, #tpu.memory_space<vmem>>[vector<16xi32>], vector<16xi32>,
    %iota3A_54 = tpu.iota {dimensions = array<i32: 0>} : vector<16xi32>
    %add3A_55 = arith.constant 16 : i32
    %add3A_56 = vector.broadcast %add3A_55 : i32 to vector<16xi32>
    %add3A_57 = arith.addi %add3A_56, %iota3A_54 : vector<16xi32>
    tpu.vector_store_idx %arg11[%add3A_57], %gather3A_53 : memref<800xi32, #tpu.memory_space<vmem>>[vector<16xi32>], vector<16xi32>,
    "tpu.region"() ({
      %run_scoped3A = tpu.sem_alloc : memref<!tpu.dma_semaphore, #tpu.memory_space<semaphore_mem>>
      %dma_start3A = arith.constant 0 : i32
      %dma_start3A_58 = tpu.memref_slice %arg11[%dma_start3A] : memref<800xi32, #tpu.memory_space<vmem>> -> memref<32xi32, #tpu.memory_space<vmem>>
      %dma_start3A_59 = arith.constant 0 : i32
      %dma_start3A_60 = arith.constant 0 : i32
      %dma_start3A_61 = tpu.memref_slice %arg2[%dma_start3A_59, %dma_start3A_60] : memref<10000x128xf32, #tpu.memory_space<hbm>> -> memref<10000x128xf32, #tpu.memory_space<hbm>>
      tpu.enqueue_indirect_dma source(%dma_start3A_61 : memref<10000x128xf32, #tpu.memory_space<hbm>>) target(%arg13 : memref<32x128xf32, #tpu.memory_space<vmem>>) offsets(%dma_start3A_58 : memref<32xi32, #tpu.memory_space<vmem>>) semaphore(%run_scoped3A : memref<!tpu.dma_semaphore, #tpu.memory_space<semaphore_mem>>)
      %dma_wait3A = arith.constant 0 : i32
      %dma_wait3A_62 = tpu.memref_slice %arg11[%dma_wait3A] : memref<800xi32, #tpu.memory_space<vmem>> -> memref<32xi32, #tpu.memory_space<vmem>>
      %dma_wait3A_63 = arith.constant 0 : i32
      %dma_wait3A_64 = arith.constant 0 : i32
      %dma_wait3A_65 = tpu.memref_slice %arg2[%dma_wait3A_63, %dma_wait3A_64] : memref<10000x128xf32, #tpu.memory_space<hbm>> -> memref<10000x128xf32, #tpu.memory_space<hbm>>
      tpu.wait_indirect_dma semaphore(%run_scoped3A : memref<!tpu.dma_semaphore, #tpu.memory_space<semaphore_mem>>) src(%dma_wait3A_65 : memref<10000x128xf32, #tpu.memory_space<hbm>>) dst(%arg13 : memref<32x128xf32, #tpu.memory_space<vmem>>)
      tpu.yield
    }) : () -> ()
    "tpu.region"() ({
      %run_scoped3A = tpu.sem_alloc : memref<!tpu.dma_semaphore, #tpu.memory_space<semaphore_mem>>
      %dma_start3A = arith.constant 0 : i32
      %dma_start3A_58 = tpu.memref_slice %arg7[%mul3A_37, %dma_start3A] : memref<1024x128xf32, #tpu.memory_space<hbm>> -> memref<32x128xf32, #tpu.memory_space<hbm>>
      %dma_start3A_59 = arith.constant 0 : i32
      %dma_start3A_60 = tpu.memref_slice %arg7[%mul3A_37, %dma_start3A_59] : memref<1024x128xf32, #tpu.memory_space<hbm>> -> memref<32x128xf32, #tpu.memory_space<hbm>>
      tpu.enqueue_dma source(%arg13 : memref<32x128xf32, #tpu.memory_space<vmem>>) target(%dma_start3A_60 : memref<32x128xf32, #tpu.memory_space<hbm>>) target_semaphore(%run_scoped3A : memref<!tpu.dma_semaphore, #tpu.memory_space<semaphore_mem>>)
      %dma_wait3A = arith.constant 0 : i32
      %dma_wait3A_61 = tpu.memref_slice %arg7[%mul3A_37, %dma_wait3A] : memref<1024x128xf32, #tpu.memory_space<hbm>> -> memref<32x128xf32, #tpu.memory_space<hbm>>
      %dma_wait3A_62 = arith.constant 0 : i32
      %dma_wait3A_63 = tpu.memref_slice %arg7[%mul3A_37, %dma_wait3A_62] : memref<1024x128xf32, #tpu.memory_space<hbm>> -> memref<32x128xf32, #tpu.memory_space<hbm>>
      tpu.wait_dma2 semaphore(%run_scoped3A : memref<!tpu.dma_semaphore, #tpu.memory_space<semaphore_mem>>) src(%arg13 : memref<32x128xf32, #tpu.memory_space<vmem>>) dst(%dma_wait3A_63 : memref<32x128xf32, #tpu.memory_space<hbm>>)
      tpu.yield
    }) : () -> ()
    return
  }
}

#map = affine_map<(d0, d1) -> (0, 0)>
#map1 = affine_map<(d0, d1) -> (0, 0, 0)>
module attributes {stable_mosaic.version = 14 : i64} {
  func.func @_sc_seg_body(%arg0: i32, %arg1: i32, %arg2: memref<25600x128xf32, #tpu.memory_space<hbm>>, %arg3: memref<32x10x80xi32, #tpu.memory_space<hbm>>, %arg4: memref<80x128xf32, #tpu.memory_space<hbm>>, %arg5: memref<2x1024x128xf32, #tpu.memory_space<hbm>>, %arg6: memref<10x80xi32, #tpu.memory_space<vmem>>, %arg7: memref<80x128xf32, #tpu.memory_space<vmem>>, %arg8: memref<64x128xf32, #tpu.memory_space<vmem>>, %arg9: memref<1024x128xf32, #tpu.memory_space<vmem_shared>>) attributes {dimension_semantics = [#tpu.dimension_semantics<core_parallel>, #tpu.dimension_semantics<subcore_parallel>], iteration_bounds = array<i64: 2, 16>, scalar_prefetch = 0 : i64, scratch_operands = 4 : i64, tpu.core_type = #tpu.core_type<sc_vector_subcore>, window_params = [{transform_indices = #map}, {transform_indices = #map1}, {transform_indices = #map}, {transform_indices = #map1}]} {
    %mul3A = arith.constant 16 : i32
    %mul3A_0 = arith.muli %arg0, %mul3A : i32
    %add3A = arith.addi %mul3A_0, %arg1 : i32
    "tpu.region"() ({
      %run_scoped3A = tpu.sem_alloc : memref<!tpu.dma_semaphore, #tpu.memory_space<semaphore_mem>>
      %dma_start3A = arith.constant 0 : i32
      %dma_start3A_15 = arith.constant 0 : i32
      %dma_start3A_16 = tpu.memref_slice %arg3[%add3A, %dma_start3A, %dma_start3A_15] : memref<32x10x80xi32, #tpu.memory_space<hbm>> -> memref<1x10x80xi32, #tpu.memory_space<hbm>>
      %dma_start3A_17 = tpu.memref_squeeze %dma_start3A_16 : memref<1x10x80xi32, #tpu.memory_space<hbm>> -> memref<10x80xi32, #tpu.memory_space<hbm>>
      %dma_start3A_18 = arith.constant 0 : i32
      %dma_start3A_19 = arith.constant 0 : i32
      %dma_start3A_20 = tpu.memref_slice %arg3[%add3A, %dma_start3A_18, %dma_start3A_19] : memref<32x10x80xi32, #tpu.memory_space<hbm>> -> memref<1x10x80xi32, #tpu.memory_space<hbm>>
      %dma_start3A_21 = tpu.memref_squeeze %dma_start3A_20 : memref<1x10x80xi32, #tpu.memory_space<hbm>> -> memref<10x80xi32, #tpu.memory_space<hbm>>
      tpu.enqueue_dma source(%dma_start3A_21 : memref<10x80xi32, #tpu.memory_space<hbm>>) target(%arg6 : memref<10x80xi32, #tpu.memory_space<vmem>>) target_semaphore(%run_scoped3A : memref<!tpu.dma_semaphore, #tpu.memory_space<semaphore_mem>>)
      %dma_wait3A = arith.constant 0 : i32
      %dma_wait3A_22 = arith.constant 0 : i32
      %dma_wait3A_23 = tpu.memref_slice %arg3[%add3A, %dma_wait3A, %dma_wait3A_22] : memref<32x10x80xi32, #tpu.memory_space<hbm>> -> memref<1x10x80xi32, #tpu.memory_space<hbm>>
      %dma_wait3A_24 = tpu.memref_squeeze %dma_wait3A_23 : memref<1x10x80xi32, #tpu.memory_space<hbm>> -> memref<10x80xi32, #tpu.memory_space<hbm>>
      %dma_wait3A_25 = arith.constant 0 : i32
      %dma_wait3A_26 = arith.constant 0 : i32
      %dma_wait3A_27 = tpu.memref_slice %arg3[%add3A, %dma_wait3A_25, %dma_wait3A_26] : memref<32x10x80xi32, #tpu.memory_space<hbm>> -> memref<1x10x80xi32, #tpu.memory_space<hbm>>
      %dma_wait3A_28 = tpu.memref_squeeze %dma_wait3A_27 : memref<1x10x80xi32, #tpu.memory_space<hbm>> -> memref<10x80xi32, #tpu.memory_space<hbm>>
      tpu.wait_dma2 semaphore(%run_scoped3A : memref<!tpu.dma_semaphore, #tpu.memory_space<semaphore_mem>>) src(%dma_wait3A_28 : memref<10x80xi32, #tpu.memory_space<hbm>>) dst(%arg6 : memref<10x80xi32, #tpu.memory_space<vmem>>)
      tpu.yield
    }) : () -> ()
    "tpu.region"() ({
      %run_scoped3A = tpu.sem_alloc : memref<!tpu.dma_semaphore, #tpu.memory_space<semaphore_mem>>
      %dma_start3A = arith.constant 0 : i32
      %dma_start3A_15 = arith.constant 0 : i32
      %dma_start3A_16 = tpu.memref_slice %arg4[%dma_start3A, %dma_start3A_15] : memref<80x128xf32, #tpu.memory_space<hbm>> -> memref<64x128xf32, #tpu.memory_space<hbm>>
      %dma_start3A_17 = arith.constant 0 : i32
      %dma_start3A_18 = arith.constant 0 : i32
      %dma_start3A_19 = tpu.memref_slice %arg4[%dma_start3A_17, %dma_start3A_18] : memref<80x128xf32, #tpu.memory_space<hbm>> -> memref<64x128xf32, #tpu.memory_space<hbm>>
      tpu.enqueue_dma source(%dma_start3A_19 : memref<64x128xf32, #tpu.memory_space<hbm>>) target(%arg8 : memref<64x128xf32, #tpu.memory_space<vmem>>) target_semaphore(%run_scoped3A : memref<!tpu.dma_semaphore, #tpu.memory_space<semaphore_mem>>)
      %dma_wait3A = arith.constant 0 : i32
      %dma_wait3A_20 = arith.constant 0 : i32
      %dma_wait3A_21 = tpu.memref_slice %arg4[%dma_wait3A, %dma_wait3A_20] : memref<80x128xf32, #tpu.memory_space<hbm>> -> memref<64x128xf32, #tpu.memory_space<hbm>>
      %dma_wait3A_22 = arith.constant 0 : i32
      %dma_wait3A_23 = arith.constant 0 : i32
      %dma_wait3A_24 = tpu.memref_slice %arg4[%dma_wait3A_22, %dma_wait3A_23] : memref<80x128xf32, #tpu.memory_space<hbm>> -> memref<64x128xf32, #tpu.memory_space<hbm>>
      tpu.wait_dma2 semaphore(%run_scoped3A : memref<!tpu.dma_semaphore, #tpu.memory_space<semaphore_mem>>) src(%dma_wait3A_24 : memref<64x128xf32, #tpu.memory_space<hbm>>) dst(%arg8 : memref<64x128xf32, #tpu.memory_space<vmem>>)
      tpu.yield
    }) : () -> ()
    %mul3A_1 = arith.constant 64 : i32
    %mul3A_2 = arith.muli %arg1, %mul3A_1 : i32
    "tpu.region"() ({
      %run_scoped3A = tpu.sem_alloc : memref<!tpu.dma_semaphore, #tpu.memory_space<semaphore_mem>>
      %dma_start3A = arith.constant 0 : i32
      %dma_start3A_15 = tpu.memref_slice %arg9[%mul3A_2, %dma_start3A] : memref<1024x128xf32, #tpu.memory_space<vmem_shared>> -> memref<64x128xf32, #tpu.memory_space<vmem_shared>>
      %dma_start3A_16 = arith.constant 0 : i32
      %dma_start3A_17 = tpu.memref_slice %arg9[%mul3A_2, %dma_start3A_16] : memref<1024x128xf32, #tpu.memory_space<vmem_shared>> -> memref<64x128xf32, #tpu.memory_space<vmem_shared>>
      tpu.enqueue_dma source(%arg8 : memref<64x128xf32, #tpu.memory_space<vmem>>) target(%dma_start3A_17 : memref<64x128xf32, #tpu.memory_space<vmem_shared>>) target_semaphore(%run_scoped3A : memref<!tpu.dma_semaphore, #tpu.memory_space<semaphore_mem>>)
      %dma_wait3A = arith.constant 0 : i32
      %dma_wait3A_18 = tpu.memref_slice %arg9[%mul3A_2, %dma_wait3A] : memref<1024x128xf32, #tpu.memory_space<vmem_shared>> -> memref<64x128xf32, #tpu.memory_space<vmem_shared>>
      %dma_wait3A_19 = arith.constant 0 : i32
      %dma_wait3A_20 = tpu.memref_slice %arg9[%mul3A_2, %dma_wait3A_19] : memref<1024x128xf32, #tpu.memory_space<vmem_shared>> -> memref<64x128xf32, #tpu.memory_space<vmem_shared>>
      tpu.wait_dma2 semaphore(%run_scoped3A : memref<!tpu.dma_semaphore, #tpu.memory_space<semaphore_mem>>) src(%arg8 : memref<64x128xf32, #tpu.memory_space<vmem>>) dst(%dma_wait3A_20 : memref<64x128xf32, #tpu.memory_space<vmem_shared>>)
      tpu.yield
    }) : () -> ()
    %barrier3A = arith.constant 0 : index
    tpu.barrier barrier_id(%barrier3A)
    %mul3A_3 = arith.constant 800 : i32
    %mul3A_4 = arith.muli %add3A, %mul3A_3 : i32
    %scan3A = arith.constant 0 : i32
    %scan3A_5 = arith.constant 0 : i32
    %scan3A_6 = arith.constant 10 : i32
    %scan3A_7 = arith.addi %scan3A_5, %scan3A_6 : i32
    %scan3A_8 = arith.constant 1 : i32
    scf.for %scan3A_15 = %scan3A_5 to %scan3A_7 step %scan3A_8  : i32 {
      %mul3A_16 = arith.constant 80 : i32
      %mul3A_17 = arith.muli %scan3A_15, %mul3A_16 : i32
      %add3A_18 = arith.addi %mul3A_4, %mul3A_17 : i32
      "tpu.region"() ({
        %run_scoped3A = tpu.sem_alloc : memref<!tpu.dma_semaphore, #tpu.memory_space<semaphore_mem>>
        %dma_start3A = arith.constant 0 : i32
        %dma_start3A_19 = tpu.memref_slice %arg2[%add3A_18, %dma_start3A] : memref<25600x128xf32, #tpu.memory_space<hbm>> -> memref<80x128xf32, #tpu.memory_space<hbm>>
        %dma_start3A_20 = arith.constant 0 : i32
        %dma_start3A_21 = tpu.memref_slice %arg2[%add3A_18, %dma_start3A_20] : memref<25600x128xf32, #tpu.memory_space<hbm>> -> memref<80x128xf32, #tpu.memory_space<hbm>>
        tpu.enqueue_dma source(%dma_start3A_21 : memref<80x128xf32, #tpu.memory_space<hbm>>) target(%arg7 : memref<80x128xf32, #tpu.memory_space<vmem>>) target_semaphore(%run_scoped3A : memref<!tpu.dma_semaphore, #tpu.memory_space<semaphore_mem>>)
        %dma_wait3A = arith.constant 0 : i32
        %dma_wait3A_22 = tpu.memref_slice %arg2[%add3A_18, %dma_wait3A] : memref<25600x128xf32, #tpu.memory_space<hbm>> -> memref<80x128xf32, #tpu.memory_space<hbm>>
        %dma_wait3A_23 = arith.constant 0 : i32
        %dma_wait3A_24 = tpu.memref_slice %arg2[%add3A_18, %dma_wait3A_23] : memref<25600x128xf32, #tpu.memory_space<hbm>> -> memref<80x128xf32, #tpu.memory_space<hbm>>
        tpu.wait_dma2 semaphore(%run_scoped3A : memref<!tpu.dma_semaphore, #tpu.memory_space<semaphore_mem>>) src(%dma_wait3A_24 : memref<80x128xf32, #tpu.memory_space<hbm>>) dst(%arg7 : memref<80x128xf32, #tpu.memory_space<vmem>>)
        tpu.yield
      }) : () -> ()
      "tpu.region"() ({
        %run_scoped3A = tpu.sem_alloc : memref<!tpu.dma_semaphore, #tpu.memory_space<semaphore_mem>>
        %dma_start3A = arith.constant 0 : i32
        %dma_start3A_19 = tpu.memref_slice %arg6[%scan3A_15, %dma_start3A] : memref<10x80xi32, #tpu.memory_space<vmem>> -> memref<1x80xi32, #tpu.memory_space<vmem>>
        %dma_start3A_20 = tpu.memref_squeeze %dma_start3A_19 : memref<1x80xi32, #tpu.memory_space<vmem>> -> memref<80xi32, #tpu.memory_space<vmem>>
        %dma_start3A_21 = arith.constant 0 : i32
        %dma_start3A_22 = arith.constant 0 : i32
        %dma_start3A_23 = tpu.memref_slice %arg9[%dma_start3A_21, %dma_start3A_22] : memref<1024x128xf32, #tpu.memory_space<vmem_shared>> -> memref<1024x128xf32, #tpu.memory_space<vmem_shared>>
        tpu.enqueue_indirect_dma source(%arg7 : memref<80x128xf32, #tpu.memory_space<vmem>>) target(%dma_start3A_23 : memref<1024x128xf32, #tpu.memory_space<vmem_shared>>) offsets(%dma_start3A_20 : memref<80xi32, #tpu.memory_space<vmem>>) semaphore(%run_scoped3A : memref<!tpu.dma_semaphore, #tpu.memory_space<semaphore_mem>>) {add = true}
        %dma_wait3A = arith.constant 0 : i32
        %dma_wait3A_24 = tpu.memref_slice %arg6[%scan3A_15, %dma_wait3A] : memref<10x80xi32, #tpu.memory_space<vmem>> -> memref<1x80xi32, #tpu.memory_space<vmem>>
        %dma_wait3A_25 = tpu.memref_squeeze %dma_wait3A_24 : memref<1x80xi32, #tpu.memory_space<vmem>> -> memref<80xi32, #tpu.memory_space<vmem>>
        %dma_wait3A_26 = arith.constant 0 : i32
        %dma_wait3A_27 = arith.constant 0 : i32
        %dma_wait3A_28 = tpu.memref_slice %arg9[%dma_wait3A_26, %dma_wait3A_27] : memref<1024x128xf32, #tpu.memory_space<vmem_shared>> -> memref<1024x128xf32, #tpu.memory_space<vmem_shared>>
        tpu.wait_indirect_dma semaphore(%run_scoped3A : memref<!tpu.dma_semaphore, #tpu.memory_space<semaphore_mem>>) src(%arg7 : memref<80x128xf32, #tpu.memory_space<vmem>>) dst(%dma_wait3A_28 : memref<1024x128xf32, #tpu.memory_space<vmem_shared>>)
        tpu.yield
      }) : () -> ()
    }
    %scan3A_9 = arith.constant 10 : i32
    %barrier3A_10 = arith.constant 0 : index
    tpu.barrier barrier_id(%barrier3A_10)
    %mul3A_11 = arith.constant 64 : i32
    %mul3A_12 = arith.muli %arg1, %mul3A_11 : i32
    "tpu.region"() ({
      %run_scoped3A = tpu.sem_alloc : memref<!tpu.dma_semaphore, #tpu.memory_space<semaphore_mem>>
      %dma_start3A = arith.constant 0 : i32
      %dma_start3A_15 = tpu.memref_slice %arg9[%mul3A_12, %dma_start3A] : memref<1024x128xf32, #tpu.memory_space<vmem_shared>> -> memref<64x128xf32, #tpu.memory_space<vmem_shared>>
      %dma_start3A_16 = arith.constant 0 : i32
      %dma_start3A_17 = tpu.memref_slice %arg9[%mul3A_12, %dma_start3A_16] : memref<1024x128xf32, #tpu.memory_space<vmem_shared>> -> memref<64x128xf32, #tpu.memory_space<vmem_shared>>
      tpu.enqueue_dma source(%dma_start3A_17 : memref<64x128xf32, #tpu.memory_space<vmem_shared>>) target(%arg8 : memref<64x128xf32, #tpu.memory_space<vmem>>) target_semaphore(%run_scoped3A : memref<!tpu.dma_semaphore, #tpu.memory_space<semaphore_mem>>)
      %dma_wait3A = arith.constant 0 : i32
      %dma_wait3A_18 = tpu.memref_slice %arg9[%mul3A_12, %dma_wait3A] : memref<1024x128xf32, #tpu.memory_space<vmem_shared>> -> memref<64x128xf32, #tpu.memory_space<vmem_shared>>
      %dma_wait3A_19 = arith.constant 0 : i32
      %dma_wait3A_20 = tpu.memref_slice %arg9[%mul3A_12, %dma_wait3A_19] : memref<1024x128xf32, #tpu.memory_space<vmem_shared>> -> memref<64x128xf32, #tpu.memory_space<vmem_shared>>
      tpu.wait_dma2 semaphore(%run_scoped3A : memref<!tpu.dma_semaphore, #tpu.memory_space<semaphore_mem>>) src(%dma_wait3A_20 : memref<64x128xf32, #tpu.memory_space<vmem_shared>>) dst(%arg8 : memref<64x128xf32, #tpu.memory_space<vmem>>)
      tpu.yield
    }) : () -> ()
    %mul3A_13 = arith.constant 64 : i32
    %mul3A_14 = arith.muli %arg1, %mul3A_13 : i32
    "tpu.region"() ({
      %run_scoped3A = tpu.sem_alloc : memref<!tpu.dma_semaphore, #tpu.memory_space<semaphore_mem>>
      %dma_start3A = arith.constant 0 : i32
      %dma_start3A_15 = tpu.memref_slice %arg5[%arg0, %mul3A_14, %dma_start3A] : memref<2x1024x128xf32, #tpu.memory_space<hbm>> -> memref<1x64x128xf32, #tpu.memory_space<hbm>>
      %dma_start3A_16 = tpu.memref_squeeze %dma_start3A_15 : memref<1x64x128xf32, #tpu.memory_space<hbm>> -> memref<64x128xf32, #tpu.memory_space<hbm>>
      %dma_start3A_17 = arith.constant 0 : i32
      %dma_start3A_18 = tpu.memref_slice %arg5[%arg0, %mul3A_14, %dma_start3A_17] : memref<2x1024x128xf32, #tpu.memory_space<hbm>> -> memref<1x64x128xf32, #tpu.memory_space<hbm>>
      %dma_start3A_19 = tpu.memref_squeeze %dma_start3A_18 : memref<1x64x128xf32, #tpu.memory_space<hbm>> -> memref<64x128xf32, #tpu.memory_space<hbm>>
      tpu.enqueue_dma source(%arg8 : memref<64x128xf32, #tpu.memory_space<vmem>>) target(%dma_start3A_19 : memref<64x128xf32, #tpu.memory_space<hbm>>) target_semaphore(%run_scoped3A : memref<!tpu.dma_semaphore, #tpu.memory_space<semaphore_mem>>)
      %dma_wait3A = arith.constant 0 : i32
      %dma_wait3A_20 = tpu.memref_slice %arg5[%arg0, %mul3A_14, %dma_wait3A] : memref<2x1024x128xf32, #tpu.memory_space<hbm>> -> memref<1x64x128xf32, #tpu.memory_space<hbm>>
      %dma_wait3A_21 = tpu.memref_squeeze %dma_wait3A_20 : memref<1x64x128xf32, #tpu.memory_space<hbm>> -> memref<64x128xf32, #tpu.memory_space<hbm>>
      %dma_wait3A_22 = arith.constant 0 : i32
      %dma_wait3A_23 = tpu.memref_slice %arg5[%arg0, %mul3A_14, %dma_wait3A_22] : memref<2x1024x128xf32, #tpu.memory_space<hbm>> -> memref<1x64x128xf32, #tpu.memory_space<hbm>>
      %dma_wait3A_24 = tpu.memref_squeeze %dma_wait3A_23 : memref<1x64x128xf32, #tpu.memory_space<hbm>> -> memref<64x128xf32, #tpu.memory_space<hbm>>
      tpu.wait_dma2 semaphore(%run_scoped3A : memref<!tpu.dma_semaphore, #tpu.memory_space<semaphore_mem>>) src(%arg8 : memref<64x128xf32, #tpu.memory_space<vmem>>) dst(%dma_wait3A_24 : memref<64x128xf32, #tpu.memory_space<hbm>>)
      tpu.yield
    }) : () -> ()
    return
  }
}

module attributes {stable_mosaic.version = 14 : i64} {
  func.func @_m_body(%arg0: i32, %arg1: memref<2000x128xf32, #tpu.memory_space<vmem>>, %arg2: memref<128x128xf32, #tpu.memory_space<vmem>>, %arg3: memref<2000x128xf32, #tpu.memory_space<vmem>>) attributes {dimension_semantics = [#tpu.dimension_semantics<arbitrary>], iteration_bounds = array<i64: 5>, scalar_prefetch = 0 : i64, scratch_operands = 0 : i64, tpu.core_type = #tpu.core_type<tc>, window_params = [{transform_indices = @transform_0, window_bounds = array<i64: 2000, 128>}, {pipeline_mode = #tpu.pipeline_mode<synchronous>, transform_indices = @transform_1, window_bounds = array<i64: 128, 128>}, {transform_indices = @transform_2, window_bounds = array<i64: 2000, 128>}]} {
    %get3A = arith.constant 0 : index
    %get3A_0 = arith.constant 0 : index
    %get3A_1 = vector.load %arg1[%get3A, %get3A_0] : memref<2000x128xf32, #tpu.memory_space<vmem>>, vector<2000x128xf32>
    %get3A_2 = arith.constant 0 : index
    %get3A_3 = arith.constant 0 : index
    %get3A_4 = vector.load %arg2[%get3A_2, %get3A_3] : memref<128x128xf32, #tpu.memory_space<vmem>>, vector<128x128xf32>
    %dot_general3A = arith.constant dense<0.000000e+00> : vector<2000x128xf32>
    %dot_general3A_5 = tpu.matmul %get3A_1, %get3A_4, %dot_general3A {dimension_numbers = #tpu.dot_dimension_numbers<[1], [0], [0], [1], [0, 0, 1, 1], [], []>, transpose_lhs_hint = false} : vector<2000x128xf32>, vector<128x128xf32>, vector<2000x128xf32> -> vector<2000x128xf32>
    %swap3A = arith.constant 0 : index
    %swap3A_6 = arith.constant 0 : index
    %swap3A_7 = vector.load %arg3[%swap3A, %swap3A_6] : memref<2000x128xf32, #tpu.memory_space<vmem>>, vector<2000x128xf32>
    tpu.vector_store %arg3[%swap3A, %swap3A_6], %dot_general3A_5 {strides = array<i32>} : memref<2000x128xf32, #tpu.memory_space<vmem>>, vector<2000x128xf32>,
    return
  }
  func.func @transform_0(%arg0: i32) -> (i32, i32) {
    %c0_i32 = arith.constant 0 : i32
    %c0_i32_0 = arith.constant 0 : i32
    return %arg0, %c0_i32 : i32, i32
  }
  func.func @transform_1(%arg0: i32) -> (i32, i32) {
    %c0_i32 = arith.constant 0 : i32
    %c0_i32_0 = arith.constant 0 : i32
    %c0_i32_1 = arith.constant 0 : i32
    return %c0_i32, %c0_i32_0 : i32, i32
  }
  func.func @transform_2(%arg0: i32) -> (i32, i32) {
    %c0_i32 = arith.constant 0 : i32
    %c0_i32_0 = arith.constant 0 : i32
    return %arg0, %c0_i32 : i32, i32
  }
}

module attributes {stable_mosaic.version = 14 : i64} {
  func.func @_gru_body(%arg0: i32, %arg1: memref<2x2000x128xf32, #tpu.memory_space<vmem>>, %arg2: memref<2000x128xf32, #tpu.memory_space<vmem>>, %arg3: memref<384x128xf32, #tpu.memory_space<vmem>>, %arg4: memref<384x128xf32, #tpu.memory_space<vmem>>, %arg5: memref<1x384xf32, #tpu.memory_space<vmem>>, %arg6: memref<1x384xf32, #tpu.memory_space<vmem>>, %arg7: memref<2000x128xf32, #tpu.memory_space<vmem>>) attributes {dimension_semantics = [#tpu.dimension_semantics<arbitrary>], iteration_bounds = array<i64: 5>, scalar_prefetch = 0 : i64, scratch_operands = 0 : i64, tpu.core_type = #tpu.core_type<tc>, window_params = [{transform_indices = @transform_0, window_bounds = array<i64: 2, 2000, 128>}, {transform_indices = @transform_1, window_bounds = array<i64: 2000, 128>}, {pipeline_mode = #tpu.pipeline_mode<synchronous>, transform_indices = @transform_2, window_bounds = array<i64: 384, 128>}, {pipeline_mode = #tpu.pipeline_mode<synchronous>, transform_indices = @transform_3, window_bounds = array<i64: 384, 128>}, {pipeline_mode = #tpu.pipeline_mode<synchronous>, transform_indices = @transform_4, window_bounds = array<i64: 1, 384>}, {pipeline_mode = #tpu.pipeline_mode<synchronous>, transform_indices = @transform_5, window_bounds = array<i64: 1, 384>}, {transform_indices = @transform_6, window_bounds = array<i64: 2000, 128>}]} {
    %get3A = arith.constant 0 : index
    %get3A_0 = arith.constant 0 : index
    %get3A_1 = arith.constant 0 : index
    %get3A_2 = vector.load %arg1[%get3A, %get3A_0, %get3A_1] : memref<2x2000x128xf32, #tpu.memory_space<vmem>>, vector<1x2000x128xf32>
    %get3A_3 = vector.shape_cast %get3A_2 : vector<1x2000x128xf32> to vector<2000x128xf32>
    %get3A_4 = arith.constant 1 : index
    %get3A_5 = arith.constant 0 : index
    %get3A_6 = arith.constant 0 : index
    %get3A_7 = vector.load %arg1[%get3A_4, %get3A_5, %get3A_6] : memref<2x2000x128xf32, #tpu.memory_space<vmem>>, vector<1x2000x128xf32>
    %get3A_8 = vector.shape_cast %get3A_7 : vector<1x2000x128xf32> to vector<2000x128xf32>
    %add3A = arith.addf %get3A_3, %get3A_8 : vector<2000x128xf32>
    %get3A_9 = arith.constant 0 : index
    %get3A_10 = arith.constant 0 : index
    %get3A_11 = vector.load %arg2[%get3A_9, %get3A_10] : memref<2000x128xf32, #tpu.memory_space<vmem>>, vector<2000x128xf32>
    %get3A_12 = arith.constant 0 : index
    %get3A_13 = arith.constant 0 : index
    %get3A_14 = vector.load %arg3[%get3A_12, %get3A_13] : memref<384x128xf32, #tpu.memory_space<vmem>>, vector<384x128xf32>
    %dot_general3A = arith.constant dense<0.000000e+00> : vector<2000x384xf32>
    %dot_general3A_15 = tpu.matmul %add3A, %get3A_14, %dot_general3A {dimension_numbers = #tpu.dot_dimension_numbers<[1], [1], [0], [0], [0, 0, 1, 0], [], []>, transpose_lhs_hint = false} : vector<2000x128xf32>, vector<384x128xf32>, vector<2000x384xf32> -> vector<2000x384xf32>
    %get3A_16 = arith.constant 0 : index
    %get3A_17 = arith.constant 0 : index
    %get3A_18 = vector.load %arg5[%get3A_16, %get3A_17] : memref<1x384xf32, #tpu.memory_space<vmem>>, vector<1x384xf32>
    %add3A_19 = vector.broadcast %get3A_18 : vector<1x384xf32> to vector<2000x384xf32>
    %add3A_20 = arith.addf %dot_general3A_15, %add3A_19 : vector<2000x384xf32>
    %get3A_21 = arith.constant 0 : index
    %get3A_22 = arith.constant 0 : index
    %get3A_23 = vector.load %arg4[%get3A_21, %get3A_22] : memref<384x128xf32, #tpu.memory_space<vmem>>, vector<384x128xf32>
    %dot_general3A_24 = arith.constant dense<0.000000e+00> : vector<2000x384xf32>
    %dot_general3A_25 = tpu.matmul %get3A_11, %get3A_23, %dot_general3A_24 {dimension_numbers = #tpu.dot_dimension_numbers<[1], [1], [0], [0], [0, 0, 1, 0], [], []>, transpose_lhs_hint = false} : vector<2000x128xf32>, vector<384x128xf32>, vector<2000x384xf32> -> vector<2000x384xf32>
    %get3A_26 = arith.constant 0 : index
    %get3A_27 = arith.constant 0 : index
    %get3A_28 = vector.load %arg6[%get3A_26, %get3A_27] : memref<1x384xf32, #tpu.memory_space<vmem>>, vector<1x384xf32>
    %add3A_29 = vector.broadcast %get3A_28 : vector<1x384xf32> to vector<2000x384xf32>
    %add3A_30 = arith.addf %dot_general3A_25, %add3A_29 : vector<2000x384xf32>
    %slice3A = vector.extract_strided_slice %add3A_20 {offsets = [0, 0], sizes = [2000, 128], strides = [1, 1]} : vector<2000x384xf32> to vector<2000x128xf32>
    %slice3A_31 = vector.extract_strided_slice %add3A_30 {offsets = [0, 0], sizes = [2000, 128], strides = [1, 1]} : vector<2000x384xf32> to vector<2000x128xf32>
    %add3A_32 = arith.addf %slice3A, %slice3A_31 : vector<2000x128xf32>
    %logistic3A = arith.negf %add3A_32 : vector<2000x128xf32>
    %logistic3A_33 = math.exp %logistic3A : vector<2000x128xf32>
    %logistic3A_34 = arith.constant 1.000000e+00 : f32
    %logistic3A_35 = vector.broadcast %logistic3A_34 : f32 to vector<2000x128xf32>
    %logistic3A_36 = arith.addf %logistic3A_35, %logistic3A_33 : vector<2000x128xf32>
    %logistic3A_37 = arith.divf %logistic3A_35, %logistic3A_36 : vector<2000x128xf32>
    %slice3A_38 = vector.extract_strided_slice %add3A_20 {offsets = [0, 128], sizes = [2000, 128], strides = [1, 1]} : vector<2000x384xf32> to vector<2000x128xf32>
    %slice3A_39 = vector.extract_strided_slice %add3A_30 {offsets = [0, 128], sizes = [2000, 128], strides = [1, 1]} : vector<2000x384xf32> to vector<2000x128xf32>
    %add3A_40 = arith.addf %slice3A_38, %slice3A_39 : vector<2000x128xf32>
    %logistic3A_41 = arith.negf %add3A_40 : vector<2000x128xf32>
    %logistic3A_42 = math.exp %logistic3A_41 : vector<2000x128xf32>
    %logistic3A_43 = arith.constant 1.000000e+00 : f32
    %logistic3A_44 = vector.broadcast %logistic3A_43 : f32 to vector<2000x128xf32>
    %logistic3A_45 = arith.addf %logistic3A_44, %logistic3A_42 : vector<2000x128xf32>
    %logistic3A_46 = arith.divf %logistic3A_44, %logistic3A_45 : vector<2000x128xf32>
    %slice3A_47 = vector.extract_strided_slice %add3A_20 {offsets = [0, 256], sizes = [2000, 128], strides = [1, 1]} : vector<2000x384xf32> to vector<2000x128xf32>
    %slice3A_48 = vector.extract_strided_slice %add3A_30 {offsets = [0, 256], sizes = [2000, 128], strides = [1, 1]} : vector<2000x384xf32> to vector<2000x128xf32>
    %mul3A = arith.mulf %logistic3A_37, %slice3A_48 : vector<2000x128xf32>
    %add3A_49 = arith.addf %slice3A_47, %mul3A : vector<2000x128xf32>
    %tanh3A = math.tanh %add3A_49 : vector<2000x128xf32>
    %sub3A = arith.constant 1.000000e+00 : f32
    %sub3A_50 = vector.broadcast %sub3A : f32 to vector<2000x128xf32>
    %sub3A_51 = arith.subf %sub3A_50, %logistic3A_46 : vector<2000x128xf32>
    %mul3A_52 = arith.mulf %sub3A_51, %tanh3A : vector<2000x128xf32>
    %mul3A_53 = arith.mulf %logistic3A_46, %get3A_11 : vector<2000x128xf32>
    %add3A_54 = arith.addf %mul3A_52, %mul3A_53 : vector<2000x128xf32>
    %max3A = arith.constant 0.000000e+00 : f32
    %max3A_55 = vector.broadcast %max3A : f32 to vector<2000x128xf32>
    %max3A_56 = arith.maximumf %add3A_54, %max3A_55 : vector<2000x128xf32>
    %swap3A = arith.constant 0 : index
    %swap3A_57 = arith.constant 0 : index
    %swap3A_58 = vector.load %arg7[%swap3A, %swap3A_57] : memref<2000x128xf32, #tpu.memory_space<vmem>>, vector<2000x128xf32>
    tpu.vector_store %arg7[%swap3A, %swap3A_57], %max3A_56 {strides = array<i32>} : memref<2000x128xf32, #tpu.memory_space<vmem>>, vector<2000x128xf32>,
    return
  }
  func.func @transform_0(%arg0: i32) -> (i32, i32, i32) {
    %c0_i32 = arith.constant 0 : i32
    %c0_i32_0 = arith.constant 0 : i32
    %c0_i32_1 = arith.constant 0 : i32
    return %c0_i32, %arg0, %c0_i32_0 : i32, i32, i32
  }
  func.func @transform_1(%arg0: i32) -> (i32, i32) {
    %c0_i32 = arith.constant 0 : i32
    %c0_i32_0 = arith.constant 0 : i32
    return %arg0, %c0_i32 : i32, i32
  }
  func.func @transform_2(%arg0: i32) -> (i32, i32) {
    %c0_i32 = arith.constant 0 : i32
    %c0_i32_0 = arith.constant 0 : i32
    %c0_i32_1 = arith.constant 0 : i32
    return %c0_i32, %c0_i32_0 : i32, i32
  }
  func.func @transform_3(%arg0: i32) -> (i32, i32) {
    %c0_i32 = arith.constant 0 : i32
    %c0_i32_0 = arith.constant 0 : i32
    %c0_i32_1 = arith.constant 0 : i32
    return %c0_i32, %c0_i32_0 : i32, i32
  }
  func.func @transform_4(%arg0: i32) -> (i32, i32) {
    %c0_i32 = arith.constant 0 : i32
    %c0_i32_0 = arith.constant 0 : i32
    %c0_i32_1 = arith.constant 0 : i32
    return %c0_i32, %c0_i32_0 : i32, i32
  }
  func.func @transform_5(%arg0: i32) -> (i32, i32) {
    %c0_i32 = arith.constant 0 : i32
    %c0_i32_0 = arith.constant 0 : i32
    %c0_i32_1 = arith.constant 0 : i32
    return %c0_i32, %c0_i32_0 : i32, i32
  }
  func.func @transform_6(%arg0: i32) -> (i32, i32) {
    %c0_i32 = arith.constant 0 : i32
    %c0_i32_0 = arith.constant 0 : i32
    return %arg0, %c0_i32 : i32, i32
  }
}

module attributes {stable_mosaic.version = 14 : i64} {
  func.func @_alpha_body(%arg0: i32, %arg1: memref<2560x128xf32, #tpu.memory_space<vmem>>, %arg2: memref<2560x128xf32, #tpu.memory_space<vmem>>, %arg3: memref<128x128xf32, #tpu.memory_space<vmem>>, %arg4: memref<128x128xf32, #tpu.memory_space<vmem>>, %arg5: memref<1x128xf32, #tpu.memory_space<vmem>>, %arg6: memref<1x128xf32, #tpu.memory_space<vmem>>, %arg7: memref<1x128xf32, #tpu.memory_space<vmem>>, %arg8: memref<1x1xf32, #tpu.memory_space<vmem>>, %arg9: memref<2560x128xf32, #tpu.memory_space<vmem>>) attributes {dimension_semantics = [#tpu.dimension_semantics<arbitrary>], iteration_bounds = array<i64: 10>, scalar_prefetch = 0 : i64, scratch_operands = 0 : i64, tpu.core_type = #tpu.core_type<tc>, window_params = [{transform_indices = @transform_0, window_bounds = array<i64: 2560, 128>}, {transform_indices = @transform_1, window_bounds = array<i64: 2560, 128>}, {pipeline_mode = #tpu.pipeline_mode<synchronous>, transform_indices = @transform_2, window_bounds = array<i64: 128, 128>}, {pipeline_mode = #tpu.pipeline_mode<synchronous>, transform_indices = @transform_3, window_bounds = array<i64: 128, 128>}, {pipeline_mode = #tpu.pipeline_mode<synchronous>, transform_indices = @transform_4, window_bounds = array<i64: 1, 128>}, {pipeline_mode = #tpu.pipeline_mode<synchronous>, transform_indices = @transform_5, window_bounds = array<i64: 1, 128>}, {pipeline_mode = #tpu.pipeline_mode<synchronous>, transform_indices = @transform_6, window_bounds = array<i64: 1, 128>}, {pipeline_mode = #tpu.pipeline_mode<synchronous>, transform_indices = @transform_7, window_bounds = array<i64: 1, 1>}, {transform_indices = @transform_8, window_bounds = array<i64: 2560, 128>}]} {
    %get3A = arith.constant 0 : index
    %get3A_0 = arith.constant 0 : index
    %get3A_1 = vector.load %arg1[%get3A, %get3A_0] : memref<2560x128xf32, #tpu.memory_space<vmem>>, vector<2560x128xf32>
    %get3A_2 = arith.constant 0 : index
    %get3A_3 = arith.constant 0 : index
    %get3A_4 = vector.load %arg2[%get3A_2, %get3A_3] : memref<2560x128xf32, #tpu.memory_space<vmem>>, vector<2560x128xf32>
    %get3A_5 = arith.constant 0 : index
    %get3A_6 = arith.constant 0 : index
    %get3A_7 = vector.load %arg3[%get3A_5, %get3A_6] : memref<128x128xf32, #tpu.memory_space<vmem>>, vector<128x128xf32>
    %dot_general3A = arith.constant dense<0.000000e+00> : vector<2560x128xf32>
    %dot_general3A_8 = tpu.matmul %get3A_4, %get3A_7, %dot_general3A {dimension_numbers = #tpu.dot_dimension_numbers<[1], [1], [0], [0], [0, 0, 1, 0], [], []>, transpose_lhs_hint = false} : vector<2560x128xf32>, vector<128x128xf32>, vector<2560x128xf32> -> vector<2560x128xf32>
    %get3A_9 = arith.constant 0 : index
    %get3A_10 = arith.constant 0 : index
    %get3A_11 = vector.load %arg4[%get3A_9, %get3A_10] : memref<128x128xf32, #tpu.memory_space<vmem>>, vector<128x128xf32>
    %dot_general3A_12 = arith.constant dense<0.000000e+00> : vector<2560x128xf32>
    %dot_general3A_13 = tpu.matmul %get3A_1, %get3A_11, %dot_general3A_12 {dimension_numbers = #tpu.dot_dimension_numbers<[1], [1], [0], [0], [0, 0, 1, 0], [], []>, transpose_lhs_hint = false} : vector<2560x128xf32>, vector<128x128xf32>, vector<2560x128xf32> -> vector<2560x128xf32>
    %add3A = arith.addf %dot_general3A_8, %dot_general3A_13 : vector<2560x128xf32>
    %get3A_14 = arith.constant 0 : index
    %get3A_15 = arith.constant 0 : index
    %get3A_16 = vector.load %arg5[%get3A_14, %get3A_15] : memref<1x128xf32, #tpu.memory_space<vmem>>, vector<1x128xf32>
    %add3A_17 = vector.broadcast %get3A_16 : vector<1x128xf32> to vector<2560x128xf32>
    %add3A_18 = arith.addf %add3A, %add3A_17 : vector<2560x128xf32>
    %get3A_19 = arith.constant 0 : index
    %get3A_20 = arith.constant 0 : index
    %get3A_21 = vector.load %arg6[%get3A_19, %get3A_20] : memref<1x128xf32, #tpu.memory_space<vmem>>, vector<1x128xf32>
    %add3A_22 = vector.broadcast %get3A_21 : vector<1x128xf32> to vector<2560x128xf32>
    %add3A_23 = arith.addf %add3A_18, %add3A_22 : vector<2560x128xf32>
    %logistic3A = arith.negf %add3A_23 : vector<2560x128xf32>
    %logistic3A_24 = math.exp %logistic3A : vector<2560x128xf32>
    %logistic3A_25 = arith.constant 1.000000e+00 : f32
    %logistic3A_26 = vector.broadcast %logistic3A_25 : f32 to vector<2560x128xf32>
    %logistic3A_27 = arith.addf %logistic3A_26, %logistic3A_24 : vector<2560x128xf32>
    %logistic3A_28 = arith.divf %logistic3A_26, %logistic3A_27 : vector<2560x128xf32>
    %get3A_29 = arith.constant 0 : index
    %get3A_30 = arith.constant 0 : index
    %get3A_31 = vector.load %arg7[%get3A_29, %get3A_30] : memref<1x128xf32, #tpu.memory_space<vmem>>, vector<1x128xf32>
    %mul3A = vector.broadcast %get3A_31 : vector<1x128xf32> to vector<2560x128xf32>
    %mul3A_32 = arith.mulf %logistic3A_28, %mul3A : vector<2560x128xf32>
    %reduce_sum3A = arith.constant dense<0.000000e+00> : vector<2560xf32>
    %reduce_sum3A_33 = vector.multi_reduction <add>, %mul3A_32, %reduce_sum3A [1] : vector<2560x128xf32> to vector<2560xf32>
    %broadcast_in_dim3A = vector.shape_cast %reduce_sum3A_33 : vector<2560xf32> to vector<2560x1xf32>
    %get3A_34 = arith.constant 0 : index
    %get3A_35 = arith.constant 0 : index
    %get3A_36 = vector.load %arg8[%get3A_34, %get3A_35] : memref<1x1xf32, #tpu.memory_space<vmem>>, vector<1x1xf32>
    %add3A_37 = vector.broadcast %get3A_36 : vector<1x1xf32> to vector<2560x1xf32>
    %add3A_38 = arith.addf %broadcast_in_dim3A, %add3A_37 : vector<2560x1xf32>
    %mul3A_39 = vector.broadcast %add3A_38 : vector<2560x1xf32> to vector<2560x128xf32>
    %mul3A_40 = arith.mulf %mul3A_39, %get3A_1 : vector<2560x128xf32>
    %swap3A = arith.constant 0 : index
    %swap3A_41 = arith.constant 0 : index
    %swap3A_42 = vector.load %arg9[%swap3A, %swap3A_41] : memref<2560x128xf32, #tpu.memory_space<vmem>>, vector<2560x128xf32>
    tpu.vector_store %arg9[%swap3A, %swap3A_41], %mul3A_40 {strides = array<i32>} : memref<2560x128xf32, #tpu.memory_space<vmem>>, vector<2560x128xf32>,
    return
  }
  func.func @transform_0(%arg0: i32) -> (i32, i32) {
    %c0_i32 = arith.constant 0 : i32
    %c0_i32_0 = arith.constant 0 : i32
    return %arg0, %c0_i32 : i32, i32
  }
  func.func @transform_1(%arg0: i32) -> (i32, i32) {
    %c0_i32 = arith.constant 0 : i32
    %c0_i32_0 = arith.constant 0 : i32
    return %arg0, %c0_i32 : i32, i32
  }
  func.func @transform_2(%arg0: i32) -> (i32, i32) {
    %c0_i32 = arith.constant 0 : i32
    %c0_i32_0 = arith.constant 0 : i32
    %c0_i32_1 = arith.constant 0 : i32
    return %c0_i32, %c0_i32_0 : i32, i32
  }
  func.func @transform_3(%arg0: i32) -> (i32, i32) {
    %c0_i32 = arith.constant 0 : i32
    %c0_i32_0 = arith.constant 0 : i32
    %c0_i32_1 = arith.constant 0 : i32
    return %c0_i32, %c0_i32_0 : i32, i32
  }
  func.func @transform_4(%arg0: i32) -> (i32, i32) {
    %c0_i32 = arith.constant 0 : i32
    %c0_i32_0 = arith.constant 0 : i32
    %c0_i32_1 = arith.constant 0 : i32
    return %c0_i32, %c0_i32_0 : i32, i32
  }
  func.func @transform_5(%arg0: i32) -> (i32, i32) {
    %c0_i32 = arith.constant 0 : i32
    %c0_i32_0 = arith.constant 0 : i32
    %c0_i32_1 = arith.constant 0 : i32
    return %c0_i32, %c0_i32_0 : i32, i32
  }
  func.func @transform_6(%arg0: i32) -> (i32, i32) {
    %c0_i32 = arith.constant 0 : i32
    %c0_i32_0 = arith.constant 0 : i32
    %c0_i32_1 = arith.constant 0 : i32
    return %c0_i32, %c0_i32_0 : i32, i32
  }
  func.func @transform_7(%arg0: i32) -> (i32, i32) {
    %c0_i32 = arith.constant 0 : i32
    %c0_i32_0 = arith.constant 0 : i32
    %c0_i32_1 = arith.constant 0 : i32
    return %c0_i32, %c0_i32_0 : i32, i32
  }
  func.func @transform_8(%arg0: i32) -> (i32, i32) {
    %c0_i32 = arith.constant 0 : i32
    %c0_i32_0 = arith.constant 0 : i32
    return %arg0, %c0_i32 : i32, i32
  }
}

module attributes {stable_mosaic.version = 14 : i64} {
  func.func @_final_body(%arg0: i32, %arg1: memref<1024x128xf32, #tpu.memory_space<vmem>>, %arg2: memref<2x1024x128xf32, #tpu.memory_space<vmem>>, %arg3: memref<128x256xf32, #tpu.memory_space<vmem>>, %arg4: memref<1x128xf32, #tpu.memory_space<vmem>>, %arg5: memref<1024x128xf32, #tpu.memory_space<vmem>>, %arg6: memref<1024x1024xf32, #tpu.memory_space<vmem>>, %arg7: memref<1024x128xf32, #tpu.memory_space<vmem>>) attributes {dimension_semantics = [#tpu.dimension_semantics<arbitrary>], iteration_bounds = array<i64: 10>, scalar_prefetch = 0 : i64, scratch_operands = 1 : i64, tpu.core_type = #tpu.core_type<tc>, window_params = [{pipeline_mode = #tpu.pipeline_mode<synchronous>, transform_indices = @transform_0, window_bounds = array<i64: 1024, 128>}, {pipeline_mode = #tpu.pipeline_mode<synchronous>, transform_indices = @transform_1, window_bounds = array<i64: 2, 1024, 128>}, {pipeline_mode = #tpu.pipeline_mode<synchronous>, transform_indices = @transform_2, window_bounds = array<i64: 128, 256>}, {pipeline_mode = #tpu.pipeline_mode<synchronous>, transform_indices = @transform_3, window_bounds = array<i64: 1, 128>}, {transform_indices = @transform_4, window_bounds = array<i64: 1024, 128>}, {transform_indices = @transform_5, window_bounds = array<i64: 1024, 1024>}]} {
    %eq3A = arith.constant 0 : i32
    %eq3A_0 = arith.cmpi eq, %arg0, %eq3A : i32
    %convert_element_type3A = arith.extui %eq3A_0 : i1 to i32
    %cond3A = arith.constant 0 : i32
    %cond3A_1 = arith.cmpi ne, %convert_element_type3A, %cond3A : i32
    scf.if %cond3A_1 {
      %get3A_10 = arith.constant 0 : index
      %get3A_11 = arith.constant 0 : index
      %get3A_12 = arith.constant 0 : index
      %get3A_13 = vector.load %arg2[%get3A_10, %get3A_11, %get3A_12] : memref<2x1024x128xf32, #tpu.memory_space<vmem>>, vector<1x1024x128xf32>
      %get3A_14 = vector.shape_cast %get3A_13 : vector<1x1024x128xf32> to vector<1024x128xf32>
      %get3A_15 = arith.constant 1 : index
      %get3A_16 = arith.constant 0 : index
      %get3A_17 = arith.constant 0 : index
      %get3A_18 = vector.load %arg2[%get3A_15, %get3A_16, %get3A_17] : memref<2x1024x128xf32, #tpu.memory_space<vmem>>, vector<1x1024x128xf32>
      %get3A_19 = vector.shape_cast %get3A_18 : vector<1x1024x128xf32> to vector<1024x128xf32>
      %add3A = arith.addf %get3A_14, %get3A_19 : vector<1024x128xf32>
      %get3A_20 = arith.constant 0 : index
      %get3A_21 = arith.constant 0 : index
      %get3A_22 = vector.load %arg3[%get3A_20, %get3A_21] : memref<128x256xf32, #tpu.memory_space<vmem>>, vector<128x256xf32>
      %get3A_23 = arith.constant 0 : index
      %get3A_24 = arith.constant 0 : index
      %get3A_25 = vector.load %arg1[%get3A_23, %get3A_24] : memref<1024x128xf32, #tpu.memory_space<vmem>>, vector<1024x128xf32>
      %slice3A = vector.extract_strided_slice %get3A_22 {offsets = [0, 0], sizes = [128, 128], strides = [1, 1]} : vector<128x256xf32> to vector<128x128xf32>
      %dot_general3A_26 = arith.constant dense<0.000000e+00> : vector<1024x128xf32>
      %dot_general3A_27 = tpu.matmul %get3A_25, %slice3A, %dot_general3A_26 {dimension_numbers = #tpu.dot_dimension_numbers<[1], [1], [0], [0], [0, 0, 1, 0], [], []>, transpose_lhs_hint = false} : vector<1024x128xf32>, vector<128x128xf32>, vector<1024x128xf32> -> vector<1024x128xf32>
      %slice3A_28 = vector.extract_strided_slice %get3A_22 {offsets = [0, 128], sizes = [128, 128], strides = [1, 1]} : vector<128x256xf32> to vector<128x128xf32>
      %dot_general3A_29 = arith.constant dense<0.000000e+00> : vector<1024x128xf32>
      %dot_general3A_30 = tpu.matmul %add3A, %slice3A_28, %dot_general3A_29 {dimension_numbers = #tpu.dot_dimension_numbers<[1], [1], [0], [0], [0, 0, 1, 0], [], []>, transpose_lhs_hint = false} : vector<1024x128xf32>, vector<128x128xf32>, vector<1024x128xf32> -> vector<1024x128xf32>
      %add3A_31 = arith.addf %dot_general3A_27, %dot_general3A_30 : vector<1024x128xf32>
      %get3A_32 = arith.constant 0 : index
      %get3A_33 = arith.constant 0 : index
      %get3A_34 = vector.load %arg4[%get3A_32, %get3A_33] : memref<1x128xf32, #tpu.memory_space<vmem>>, vector<1x128xf32>
      %add3A_35 = vector.broadcast %get3A_34 : vector<1x128xf32> to vector<1024x128xf32>
      %add3A_36 = arith.addf %add3A_31, %add3A_35 : vector<1024x128xf32>
      %swap3A_37 = arith.constant 0 : index
      %swap3A_38 = arith.constant 0 : index
      %swap3A_39 = vector.load %arg7[%swap3A_37, %swap3A_38] : memref<1024x128xf32, #tpu.memory_space<vmem>>, vector<1024x128xf32>
      tpu.vector_store %arg7[%swap3A_37, %swap3A_38], %add3A_36 {strides = array<i32>} : memref<1024x128xf32, #tpu.memory_space<vmem>>, vector<1024x128xf32>,
    } else {
    }
    %get3A = arith.constant 0 : index
    %get3A_2 = arith.constant 0 : index
    %get3A_3 = vector.load %arg7[%get3A, %get3A_2] : memref<1024x128xf32, #tpu.memory_space<vmem>>, vector<1024x128xf32>
    %get3A_4 = arith.constant 0 : index
    %get3A_5 = arith.constant 0 : index
    %get3A_6 = vector.load %arg5[%get3A_4, %get3A_5] : memref<1024x128xf32, #tpu.memory_space<vmem>>, vector<1024x128xf32>
    %dot_general3A = arith.constant dense<0.000000e+00> : vector<1024x1024xf32>
    %dot_general3A_7 = tpu.matmul %get3A_3, %get3A_6, %dot_general3A {dimension_numbers = #tpu.dot_dimension_numbers<[1], [1], [0], [0], [0, 0, 1, 0], [], []>, transpose_lhs_hint = false} : vector<1024x128xf32>, vector<1024x128xf32>, vector<1024x1024xf32> -> vector<1024x1024xf32>
    %swap3A = arith.constant 0 : index
    %swap3A_8 = arith.constant 0 : index
    %swap3A_9 = vector.load %arg6[%swap3A, %swap3A_8] : memref<1024x1024xf32, #tpu.memory_space<vmem>>, vector<1024x1024xf32>
    tpu.vector_store %arg6[%swap3A, %swap3A_8], %dot_general3A_7 {strides = array<i32>} : memref<1024x1024xf32, #tpu.memory_space<vmem>>, vector<1024x1024xf32>,
    return
  }
  func.func @transform_0(%arg0: i32) -> (i32, i32) {
    %c0_i32 = arith.constant 0 : i32
    %c0_i32_0 = arith.constant 0 : i32
    %c0_i32_1 = arith.constant 0 : i32
    return %c0_i32, %c0_i32_0 : i32, i32
  }
  func.func @transform_1(%arg0: i32) -> (i32, i32, i32) {
    %c0_i32 = arith.constant 0 : i32
    %c0_i32_0 = arith.constant 0 : i32
    %c0_i32_1 = arith.constant 0 : i32
    %c0_i32_2 = arith.constant 0 : i32
    return %c0_i32, %c0_i32_0, %c0_i32_1 : i32, i32, i32
  }
  func.func @transform_2(%arg0: i32) -> (i32, i32) {
    %c0_i32 = arith.constant 0 : i32
    %c0_i32_0 = arith.constant 0 : i32
    %c0_i32_1 = arith.constant 0 : i32
    return %c0_i32, %c0_i32_0 : i32, i32
  }
  func.func @transform_3(%arg0: i32) -> (i32, i32) {
    %c0_i32 = arith.constant 0 : i32
    %c0_i32_0 = arith.constant 0 : i32
    %c0_i32_1 = arith.constant 0 : i32
    return %c0_i32, %c0_i32_0 : i32, i32
  }
  func.func @transform_4(%arg0: i32) -> (i32, i32) {
    %c0_i32 = arith.constant 0 : i32
    %c0_i32_0 = arith.constant 0 : i32
    return %arg0, %c0_i32 : i32, i32
  }
  func.func @transform_5(%arg0: i32) -> (i32, i32) {
    %c0_i32 = arith.constant 0 : i32
    %c0_i32_0 = arith.constant 0 : i32
    return %c0_i32, %arg0 : i32, i32
  }
}

</mosaic_0001>

<sc_bundles>
// kernel: kernel.12.cloned.1.call-start
scs
__scs_entry_jumppad:
0x0: {  	(pc) =	sbr.rel $0x88, $3  }
0x1: {  	(tag) =	ssettag $0x0;
	lr =	simm.s32 $0x1  }
0x2: {  	[smem:$0x3F8F] =	sst lr;
	_ =	strace $0xD0000000  }
0x3: {  	_ = 	snop  }
0x4: {  	_ = 	snop  }
0x5: {  	_ = 	snop  }
0x6: {  	_ = 	snop  }
0x7: {  	_ = 	snop  }
__scs_overlays_trampoline_lowered:
0x8: {  	[smem:$0x3F9E] =	sst s0  }
0x9: {  	[smem:$0x3F9F] =	sst s1  }
0xa: {  	[smem:$0x3FA0] =	sst s2  }
0xb: {  	[smem:$0x3FA1] =	sst s3  }
0xc: {  	[smem:$0x3FA2] =	sst s4  }
0xd: {  	[smem:$0x3FA3] =	sst s5  }
0xe: {  	[smem:$0x3FA4] =	sst s6  }
0xf: {  	[smem:$0x3FA5] =	sst s7  }
0x10: {  	[smem:$0x3FA6] =	sst s8  }
0x11: {  	[smem:$0x3FA7] =	sst s9;
	s0 =	simm.s32 @!p0 $0x0  }
0x12: {  	s1 =	sld [smem:$0x3F8D];
	s0 =	simm.s32 @p0 $0x1  }
0x13: {  	[smem:$0x3FA8] =	sst s0;
	s0 =	simm.s32 @!p1 $0x0  }
0x14: {  	s2 =	sld [smem:$0x3F8C];
	s0 =	simm.s32 @p1 $0x1  }
0x15: {  	[smem:$0x3FA9] =	sst s0;
	s0 =	simm.s32 @!p2 $0x0  }
0x16: {  	s3 =	sld [smem:$0x3FDB];
	s0 =	simm.s32 @p2 $0x1  }
0x17: {  	s4 =	simm.s32 $0x1BF5;
	[smem:$0x3FAB] =	sst s0  }
0x18: {  	s0 =	sld [smem:$0x3F8E];
	_ =	swait.ge [sflag:s4], $0x0  }
0x19: {  	s7 =	sld [smem:$0x3F8F]  }
0x1a: {  	s8 =	sadd.s32 $0xFFFFE003, lr  }
0x1b: {  	s9 =	sadd.s32 $0xFFFFFEF7, lr;
	s5 =	simm.s32 $0xFFFFFFFF;
	p2 =	slt.u32 s8, $0xFFFFF086  }
0x1c: {  	p1 =	slt.u32 s9, $0xF7A;
	s5 =	simm.s32 @!p2 $0x0  }
0x1d: {  	s5 =	simm.s32 @p1 $0x1;
	p0 =	seq.s32 s7, s2  }
0x1e: {  	s7 =	smul.u32 @!p0 $0xF7A, s2;
	p2 =	seq.s32 @!p0 s5, $0x0  }
0x1f: {  	s9 =	smul.u32 $0xF7A, s1;
	s8 =	simm.s32 @!p0 $0x1BF5;
	p2 =	por !p2, p0  }
0x20: {  	[sflag:s8] =	ssyncset.s32 @!p0 $0xFFFFF086;
	s6 =	sadd.s32 @!p0 s3, s7;
	s7 =	simm.s32 @!p0 $0x108  }
0x21: {  	s3 =	sadd.s32 s3, s9;
	s6 =	sadd.s32 @!p0 $0x88, s6;
	s7 =	simm.s32 @p2 $0x1082  }
0x22: {  	[simem:s7], [sflag:s8] =	dma.local @!p0 [hbm:s6], $0xF7A  }
0x23: {  	s9 =	sor.u32 $0xD0000000, s2;
	s6 =	simm.s32 $0x108;
	_ =	swait.ge @!p0 [sflag:s8], $0x0  }
0x24: {  	s3 =	sadd.s32 $0x88, s3;
	s6 =	simm.s32 @!p1 $0x1082;
	[sflag:s4] =	ssyncset.s32 $0xFFFFF086  }
0x25: {  	[simem:s6], [sflag:s4] =	dma.local [hbm:s3], $0xF7A  }
0x26: {  	[smem:$0x3F8F] =	sst s1;
	(tag) =	ssettag s2;
	_ =	strace s9  }
0x27: {  	s1 =	sld [smem:$0x3F9F]  }
0x28: {  	s2 =	sld [smem:$0x3FA0]  }
0x29: {  	s4 =	sld [smem:$0x3FA2]  }
0x2a: {  	p0 =	seq.s32 s5, $0x0;
	s5 =	sld [smem:$0x3FA3]  }
0x2b: {  	s6 =	sld [smem:$0x3FA4]  }
0x2c: {  	s7 =	sld [smem:$0x3FA5]  }
0x2d: {  	s3 =	simm.s32 $0x108;
	s8 =	sld [smem:$0x3FA6]  }
0x2e: {  	s3 =	simm.s32 @!p0 $0x1082;
	s9 =	sld [smem:$0x3FA7]  }
0x2f: {  	lr =	sadd.s32 s0, s3;
	s0 =	sld [smem:$0x3F9E]  }
0x30: {  	s3 =	sld [smem:$0x3FA1]  }
0x31: {  	[smem:$0x3FAA] =	sst s10  }
0x32: {  	s10 =	sld [smem:$0x3FA8];
	_ =	sdelay $0x3  }
0x33: {  	p0 =	seq.s32 s10, $0x1;
	s10 =	sld [smem:$0x3FAA];
	_ =	sdelay $0x3  }
0x34: {  	[smem:$0x3FAA] =	sst s10  }
0x35: {  	s10 =	sld [smem:$0x3FA9];
	_ =	sdelay $0x3  }
0x36: {  	p1 =	seq.s32 s10, $0x1;
	s10 =	sld [smem:$0x3FAA];
	_ =	sdelay $0x3  }
0x37: {  	[smem:$0x3FAA] =	sst s10  }
0x38: {  	s10 =	sld [smem:$0x3FAB]  }
0x39: {  	_ = 	snop;
	(pc) =	sbr.ind lr, $3  }
0x3a: {  	_ = 	snop  }
0x3b: {  	_ = 	snop  }
0x3c: {  	p2 =	seq.s32 s10, $0x1;
	s10 =	sld [smem:$0x3FAA]  }
0x3d: {  	_ =	shalt  }
0x3e: {  	_ =	shalt  }
0x3f: {  	_ =	shalt  }
0x40: {  	_ =	shalt  }
0x41: {  	_ =	shalt  }
0x42: {  	_ =	shalt  }
0x43: {  	_ =	shalt  }
0x44: {  	_ =	shalt  }
0x45: {  	_ =	shalt  }
0x46: {  	_ =	shalt  }
0x47: {  	_ =	shalt  }
0x48: {  	_ =	shalt  }
0x49: {  	_ =	shalt  }
0x4a: {  	_ =	shalt  }
0x4b: {  	_ =	shalt  }
0x4c: {  	_ =	shalt  }
0x4d: {  	_ =	shalt  }
0x4e: {  	_ =	shalt  }
0x4f: {  	_ =	shalt  }
0x50: {  	_ =	shalt  }
0x51: {  	_ =	shalt  }
0x52: {  	_ =	shalt  }
0x53: {  	_ =	shalt  }
0x54: {  	_ =	shalt  }
0x55: {  	_ =	shalt  }
0x56: {  	_ =	shalt  }
0x57: {  	_ =	shalt  }
0x58: {  	_ =	shalt  }
0x59: {  	_ =	shalt  }
0x5a: {  	_ =	shalt  }
0x5b: {  	_ =	shalt  }
0x5c: {  	_ =	shalt  }
0x5d: {  	_ =	shalt  }
0x5e: {  	_ =	shalt  }
0x5f: {  	_ =	shalt  }
0x60: {  	_ =	shalt  }
0x61: {  	_ =	shalt  }
0x62: {  	_ =	shalt  }
0x63: {  	_ =	shalt  }
0x64: {  	_ =	shalt  }
0x65: {  	_ =	shalt  }
0x66: {  	_ =	shalt  }
0x67: {  	_ =	shalt  }
0x68: {  	_ =	shalt  }
0x69: {  	_ =	shalt  }
0x6a: {  	_ =	shalt  }
0x6b: {  	_ =	shalt  }
0x6c: {  	_ =	shalt  }
0x6d: {  	_ =	shalt  }
0x6e: {  	_ =	shalt  }
0x6f: {  	_ =	shalt  }
0x70: {  	_ =	shalt  }
0x71: {  	_ =	shalt  }
0x72: {  	_ =	shalt  }
0x73: {  	_ =	shalt  }
0x74: {  	_ =	shalt  }
0x75: {  	_ =	shalt  }
0x76: {  	_ =	shalt  }
0x77: {  	_ =	shalt  }
0x78: {  	_ =	shalt  }
0x79: {  	_ =	shalt  }
0x7a: {  	_ =	shalt  }
0x7b: {  	_ =	shalt  }
0x7c: {  	_ =	shalt  }
0x7d: {  	_ =	shalt  }
0x7e: {  	_ =	shalt  }
0x7f: {  	_ =	shalt  }
0x80: {  	_ =	shalt  }
0x81: {  	_ =	shalt  }
0x82: {  	_ =	shalt  }
0x83: {  	_ =	shalt  }
0x84: {  	_ =	shalt  }
0x85: {  	_ =	shalt  }
0x86: {  	_ =	shalt  }
0x87: {  	_ =	shalt  }
.Lfunc_end0:
.L_simem_size_0:
called_computation.1_lowered:
.L_overlay_start_0:
0x88: {  	s2 =	sld [smem:$0x3FD9]  }
0x89: {  	s3 =	sld [smem:$0x3FFE];
	_ =	sdelay $0x1  }
0x8a: {  	s1 =	srdreg.scid  }
0x8b: {  	s0 =	sand.u32 $0x1, s1  }
0x8c: {  	s14 =	sshll.u32 s0, $0xA;
	s2 =	sadd.s32 s3, s2  }
0x8d: {  	s2 =	sadd.s32 s2, s14  }
0x8e: {  	[smem:$0x3FB6] =	sst s2  }
0x8f: {  	_ = 	snop  }
0x90: {  	s2 =	sld [smem:$0x3FD0];
	_ =	sdelay $0x1  }
0x91: {  	s15 =	sld [smem:$0x3FC9]  }
0x92: {  	s5 =	simm.s32 $0xA;
	s6 =	simm.s32 $0x10;
	s4 =	sld [smem:$0x3FC7]  }
0x93: {  	[smem:s6], [sflag:s5] =	dma.local [hbm:s2], $0x1  }
0x94: {  	_ =	swait.eq [sflag:s5], $0x1  }
0x95: {  	[sflag:s5] =	ssyncset.done $0x0  }
0x96: {  	s16 =	sld [smem:$0x10];
	[sflag:s5] =	ssyncadd.s32 $0xFFFFFFFF  }
0x97: {  	s17 =	sld [smem:$0x11];
	(tm) =	ssettm $0x1  }
0x98: {  	s18 =	sld [smem:$0x3FFB];
	_ =	sdelay $0x3  }
0x99: {  	_ =	strace s18  }
0x9a: {  	s6 =	sld [smem:$0x3FFC];
	_ =	sdelay $0x3  }
0x9b: {  	_ =	strace s6  }
0x9c: {  	s6 =	sld [smem:$0x3FFD];
	_ =	sdelay $0x3  }
0x9d: {  	_ =	strace s6  }
0x9e: {  	_ =	strace $0x8FFFFFFF  }
0x9f: {  	s19 =	sld [smem:$0x3FDB];
	_ =	sdelay $0x1  }
0xa0: {  	s7 =	simm.s32 $_scs_section_size  }
0xa1: {  	s8 =	simm.s32 $_size__tile_overlayer_lowered;
	s9 =	simm.s32 $_tile_overlayer_lowered  }
0xa2: {  	s22 =	simm.s32 $0x1BFF;
	s21 =	sshll.u32 s9, $0x1;
	s6 =	sadd.s32 s7, s19  }
0xa3: {  	s10 =	simm.s32 $0x0;
	s20 =	sshll.u32 s8, $0x1;
	s8 =	sadd.s32 s21, s6  }
0xa4: {  	[timem:s10], [sflag:s22] =	dma.local [hbm:s8], s20  }
0xa5: {  	_ =	swait.ge [sflag:s22], s20  }
0xa6: {  	s7 =	ssub.s32 $0x0, s20;
	[sflag:s22] =	ssyncset.done $0x0  }
0xa7: {  	[sflag:s22] =	ssyncadd.s32 s7;
	_ =	sdelay $0x1  }
0xa8: {  	s23 =	simm.s32 $0x1B8B  }
0xa9: {  	_ =	swait.ge [sflag:s23], $0x1  }
0xaa: {  	[sflag:s23] =	ssyncset.done $0x0  }
0xab: {  	s25 =	simm.s32 $0x1B8E;
	s24 =	sld [smem:$0x3FFE];
	[sflag:s23] =	ssyncadd.s32 $0xFFFFFFFF  }
0xac: {  	s26 =	simm.s32 $execute0_lowered;
	[smem:$0x3FD2] =	sst s25  }
0xad: {  	s8 =	sshll.u32 s26, $0x1;
	_ =	strace $0x80000049;
	[dreg:$0x1] =	wrdreg $0xFFFFFFFF  }
0xae: {  	s28 =	simm.s32 $_size_execute0_lowered;
	s6 =	sadd.s32 s6, s8;
	[dreg:$0x0] =	wrdreg $0x0  }
0xaf: {  	s8 =	sshll.u32 s28, $0x1;
	[dreg:$0x2] =	wrdreg s6  }
0xb0: {  	[dreg:$0x3] =	wrdreg s8  }
0xb1: {  	[dreg:$0x4] =	wrdreg $0xC0  }
0xb2: {  	_ =	task [dreg:s10], $0x5FFFF  }
0xb3: {  	[dreg:$0x1] =	wrdreg $0xFFFFFFFF  }
0xb4: {  	[dreg:$0x0] =	wrdreg $0x60  }
0xb5: {  	[dreg:$0x2] =	wrdreg s24  }
0xb6: {  	[dreg:$0x3] =	wrdreg s15  }
0xb7: {  	[dreg:$0x4] =	wrdreg s4  }
0xb8: {  	[dreg:$0x5] =	wrdreg s17  }
0xb9: {  	[dreg:$0x6] =	wrdreg s16  }
0xba: {  	[dreg:$0x7] =	wrdreg $0x107800  }
0xbb: {  	[dreg:$0x8] =	wrdreg $0x10DC00  }
0xbc: {  	[dreg:$0x9] =	wrdreg $0x9  }
0xbd: {  	_ =	task.clear_ibuf [dreg:s10], $0xAFFFF;
	_ =	strace $0x90000049  }
0xbe: {  	s29 =	simm.s32 $0x9;
	_ =	strace $0x8000004B  }
0xbf: {  	_ =	swait.ge [sflag:s29], $0x1  }
0xc0: {  	[sflag:s29] =	ssyncadd.s32 $0xFFFFFFFF  }
0xc1: {  	_ =	strace $0x9000004B  }
0xc2: {  	_ =	sfence  }
0xc3: {  	s30 =	sld [smem:$0x0];
	_ =	sdelay $0x2  }
0xc4: {  	s31 =	sshll.u32 s1, $0xD;
	s1 =	sshrl.u32 s1, $0x2  }
0xc5: {  	s3 =	sand.u32 $0x4000, s31;
	s1 =	sadd.s32 s1, s30  }
0xc6: {  	s0 =	sor.u32 s3, s0;
	s1 =	sshll.u32 s1, $0x11  }
0xc7: {  	s0 =	sor.u32 s1, s0  }
0xc8: {  	s0 =	sadd.s32 $0x8F2B, s0  }
0xc9: {  	[sflag:s0] =	ssyncadd.remote.s32 $0x1  }
0xca: {  	_ =	sfence.sel $0xFFFF  }
0xcb: {  	[dreg:$0x0] =	wrdreg $0xFFFFFFFF;
	(pc) =	sbr.abs _section_cstart, $3  }
0xcc: {  	[dreg:$0x1] =	wrdreg $0xFFFFFFFF  }
0xcd: {  	_ =	task.clear_ibuf [dreg:s10], $0x2FFFF;
	_ =	strace $0x9FFFFFFF  }
0xce: {  	(tm) =	ssettm $0x7FFFFFFF  }
0xcf: {  	_ =	shalt  }
tec
execute0_lowered:
.L_overlay_start_1:
0x0: {  	(tag) =	ssettag $0x1  }
0x1: {  	s0 =	srdreg.scid  }
0x2: {  	s3 =	rddreg [dreg:$0x1];
	s21 =	stileid.u32;
	s0 =	sand.u32 $0x1, s0  }
0x3: {  	s4 =	rddreg [dreg:$0x3];
	s7 =	smul.u32 $0x640, s21;
	s1 =	sshll.u32 s0, $0x4  }
0x4: {  	s5 =	rddreg [dreg:$0x4];
	s8 =	ssub.s32 $0x2, s0;
	s6 =	sor.u32 s21, s1  }
0x5: {  	s1 =	simm.s32 $0x0;
	s10 =	sshrl.u32 s7, $0x3;
	s11 =	smul.u32 $0x3200, s6  }
0x6: {  	s2 =	smul.u32 $0x320, s6;
	[smem:$0x7FF] =	sst s1;
	s3 =	sadd.s32 s3, s10  }
0x7: {  	s9 =	sshrl.u32 s8, $0x1;
	[dreg:$0x8] =	wrdreg s3;
	s15 =	sadd.s32 s4, s11  }
0x8: {  	s12 =	ssub.s32 s8, s9;
	s16 =	sadd.s32 $0x50, s2;
	[dreg:$0x9] =	wrdreg s15  }
0x9: {  	s17 =	sadd.s32 $0xA0, s2;
	s18 =	sadd.s32 $0xF0, s2;
	[dreg:$0xa] =	wrdreg s16  }
0xa: {  	s23 =	sadd.s32 $0x140, s2;
	s13 =	sadd.s32 $0x190, s2;
	[dreg:$0xb] =	wrdreg s17  }
0xb: {  	s14 =	sadd.s32 $0x1E0, s2;
	s3 =	sshll.u32 s16, $0x4;
	[dreg:$0xc] =	wrdreg s18  }
0xc: {  	s8 =	sshll.u32 s17, $0x4;
	s9 =	sshll.u32 s18, $0x4;
	[dreg:$0x10] =	wrdreg s23  }
0xd: {  	s10 =	sshll.u32 s23, $0x4;
	[dreg:$0x11] =	wrdreg s13;
	s13 =	sshll.u32 s13, $0x4  }
0xe: {  	[dreg:$0x12] =	wrdreg s14;
	s14 =	sshll.u32 s14, $0x4;
	s17 =	sadd.s32 $0x230, s2  }
0xf: {  	s18 =	sadd.s32 $0x280, s2;
	s23 =	sadd.s32 s5, s11;
	s11 =	rddreg [dreg:$0x5]  }
0x10: {  	s19 =	sadd.s32 s4, s3;
	s20 =	sadd.s32 s4, s8;
	[dreg:$0x19] =	wrdreg s23  }
0x11: {  	s24 =	sadd.s32 s4, s13;
	s29 =	sadd.s32 s5, s13;
	s13 =	rddreg [dreg:$0x6]  }
0x12: {  	s22 =	sadd.s32 s4, s9;
	s15 =	sadd.s32 s4, s10;
	[dreg:$0xd] =	wrdreg s19  }
0x13: {  	s25 =	sadd.s32 s4, s14;
	s16 =	sshll.u32 s18, $0x4;
	[dreg:$0xe] =	wrdreg s20  }
0x14: {  	s3 =	sadd.s32 s5, s3;
	s28 =	sadd.s32 s5, s10;
	[dreg:$0xf] =	wrdreg s22  }
0x15: {  	s31 =	sadd.s32 s5, s14;
	s10 =	smul.u32 $0x3200, s0;
	[dreg:$0x13] =	wrdreg s15  }
0x16: {  	s23 =	sshll.u32 s6, $0x5;
	s14 =	sshll.u32 s21, $0x6;
	[dreg:$0x14] =	wrdreg s24  }
0x17: {  	[dreg:$0x15] =	wrdreg s25;
	s15 =	sshll.u32 s17, $0x4;
	s19 =	sadd.s32 $0x2D0, s2  }
0x18: {  	s26 =	sadd.s32 s4, s16;
	[dreg:$0x1a] =	wrdreg s3;
	s25 =	sadd.s32 s5, s8  }
0x19: {  	s24 =	rddreg [dreg:$0x0];
	s0 =	sadd.s32 s5, s16;
	s16 =	simm.s32 $0x1  }
0x1a: {  	s20 =	sadd.s32 s4, s15;
	[dreg:$0x17] =	wrdreg s26;
	s22 =	sshll.u32 s19, $0x4  }
0x1b: {  	s26 =	sadd.s32 s5, s9;
	s30 =	sadd.s32 s5, s15;
	s15 =	smul.u32 $0x320, s21  }
0x1c: {  	s8 =	sadd.s32 $0x3200, s24;
	s9 =	sadd.s32 s7, s11;
	s7 =	simm.s32 $0xC800  }
0x1d: {  	s21 =	simm.s32 $0xCF80;
	s11 =	simm.s32 $0xCC00;
	[dreg:$0x16] =	wrdreg s20  }
0x1e: {  	v3 =	vimm.s32 $0x3FFF;
	s4 =	sadd.s32 s4, s22;
	s3 =	sadd.s32 s5, s22;
	s22 =	sshll.u32 s6, $0x9  }
0x1f: {  	s6 =	simm.s32 $0x6400;
	s20 =	simm.s32 $0x50;
	[dreg:$0x18] =	wrdreg s4  }
0x20: {  	s4 =	sadd.s32 s15, s10;
	s5 =	sadd.s32 s22, s24;
	s15 =	smax.u32 s12, $0x1  }
0x21: {  	v0 =	vlaneseq.u32;
	v4 =	vimm.s32 $0x4000;
	v5 =	vimm.s32 $0x0;
	s24 =	sor.u32 $0x10, s23;
	s12 =	simm.s32 $0xF780;
	s22 =	simm.s32 $0x0  }
0x22: {  	v6 =	vor.u32 $0x10, v0;
	v1 =	vor.u32 s23, v0;
	_ =	strace $0x8000004A;
	s10 =	sadd.s32 $0x2A400, s5;
	s5 =	sadd.s32 s14, s13;
	v2 =	vor.u32 s24, v0  }
.LBB2_1:
0x23: {  	s13 =	rddreg [dreg:$0x2]  }
0x24: {  	[tilespmem:s6], [sflag:$0x1] =	stream.linear.gather [hbm4b:s13+s1], $0x6400, $0x38;
	[tilespmem:$0x10E00] =	vst v63  }
0x25: {  	_ =	swait.ge [sflag:s16], $0x6400  }
0x26: {  	[sflag:s16] =	ssyncset.done $0x0  }
0x27: {  	v7 =	vor.u32 s1, v0;
	s23 =	rddreg [dreg:$0x8];
	[sflag:s16] =	ssyncadd.s32 $0xFFFF9C00  }
0x28: {  	[tilespmem:s1], [sflag:$0x1] =	stream.linear.gather [hbm4b:s23+s1], $0x640, $0x38;
	[tilespmem:$0x10E00] =	vst v63  }
0x29: {  	_ =	swait.ge [sflag:s16], $0x640  }
0x2a: {  	[sflag:s16] =	ssyncset.done $0x0  }
0x2b: {  	[sflag:s16] =	ssyncadd.s32 $0xFFFFF9C0  }
0x2c: {  	v9 =	vld.idx.msk [tilespmem:v7+s1+$0x0], $0xffff;
	_ =	sdelay $0x1  }
0x2d: {  	s24 =	simm.s32 $0x10  }
0x2e: {  	v8 =	vor.u32 s24, v0;
	s23 =	simm.s32 $0x20  }
.LBB2_2:
0x2f: {  	p0 =	sne.s32 s23, $0x630  }
0x30: {  	vm0 =	veq.s32 v9, $0x0;
	v9 =	vadd.s32 $0xFFFFFFFF, v9  }
0x31: {  	v9 =	vsel vm0, $0x270F, v9  }
0x32: {  	[tilespmem:v7+s1+$0x0] =	vst.idx.msk $0xffff, v9;
	v7 =	vmov v8  }
.Ltmp0:
0x33: {  	v9 =	vld.idx.msk [tilespmem:v8+s1+$0x0], $0xffff;
	(pc) =	sbr.rel @p0 .LBB2_2-.Ltmp0, $2  }
0x34: {  	_ =	sdelay $0x2  }
0x35: {  	v8 =	vor.u32 s23, v0;
	s23 =	sadd.s32 $0x10, s23  }
0x36: {  	_ =	sdelay $0x1  }
0x37: {  	vm0 =	veq.s32 v9, $0x0;
	v63 =	vadd.s32 $0xFFFFFFFF, v9  }
0x38: {  	v9 =	vsel vm0, $0x270F, v63  }
0x39: {  	[tilespmem:v7+s1+$0x0] =	vst.idx.msk $0xffff, v9  }
0x3a: {  	v7 =	vld.idx.msk [tilespmem:v8+s1+$0x0], $0xffff;
	_ =	sdelay $0x4  }
0x3b: {  	vm15 =	veq.s32 v7, $0x0;
	v7 =	vadd.s32 $0xFFFFFFFF, v7  }
0x3c: {  	v7 =	vsel vm15, $0x270F, v7  }
0x3d: {  	s23 =	simm.s32 $0x0;
	[tilespmem:v8+s1+$0x0] =	vst.idx.msk $0xffff, v7  }
0x3e: {  	[spmem:s9] =	stream.linear.scatter [tilespmem:s23], [sflag:$0x1], $0x640, $0x38;
	[tilespmem:$0x10E00] =	vst v63  }
0x3f: {  	_ =	swait.ge [sflag:s16], $0x640  }
0x40: {  	[sflag:s16] =	ssyncset.done $0x0  }
0x41: {  	[sflag:s16] =	ssyncadd.s32 $0xFFFFF9C0  }
.LBB2_4:
0x42: {  	v7 =	vld.idx.msk [tilespmem:v3+s6+$0x0], $0xffff;
	_ =	sdelay $0x2  }
0x43: {  	s13 =	sadd.s32 s23, s14  }
0x44: {  	v8 =	vor.u32 s13, v0  }
0x45: {  	vm0 =	vgt.s32 v7, v8  }
0x46: {  	v7 =	vsel vm0, $0x0, v4  }
0x47: {  	v9 =	vor.u32 $0x1FFF, v7;
	_ =	sdelay $0x4  }
0x48: {  	v9 =	vld.idx.msk [tilespmem:v9+s6+$0x0], $0xffff;
	_ =	sdelay $0x4  }
0x49: {  	v10 =	vor.u32 $0x2000, v7;
	vm12 =	vgt.s32 v9, v8  }
0x4a: {  	v7 =	vsel vm12, v7, v10  }
0x4b: {  	v51 =	vor.u32 $0x1000, v7  }
0x4c: {  	v10 =	vor.u32 $0xFFF, v7;
	vm13 =	vlt.u32 v51, $0x6401  }
0x4d: {  	v10 =	vnsel vm13, $0x0, v10;
	_ =	sdelay $0x4  }
0x4e: {  	v10 =	vld.idx.msk [tilespmem:v10+s6+$0x0], $0xffff;
	_ =	sdelay $0x4  }
0x4f: {  	vm1 =	vle.s32 v10, v8  }
0x50: {  	vm0 =	vmand vm1, vm13  }
0x51: {  	v7 =	vsel vm0, v51, v7  }
0x52: {  	v9 =	vor.u32 $0x800, v7  }
0x53: {  	v52 =	vor.u32 $0x7FF, v7;
	vm14 =	vlt.u32 v9, $0x6401  }
0x54: {  	v10 =	vnsel vm14, $0x0, v52;
	_ =	sdelay $0x4  }
0x55: {  	v10 =	vld.idx.msk [tilespmem:v10+s6+$0x0], $0xffff;
	_ =	sdelay $0x4  }
0x56: {  	vm15 =	vle.s32 v10, v8  }
0x57: {  	vm0 =	vmand vm15, vm14  }
0x58: {  	v7 =	vsel vm0, v9, v7  }
0x59: {  	vm0 =	vlt.u32 v7, $0x6001;
	v9 =	vadd.s32 $0x3FF, v7  }
0x5a: {  	v9 =	vnsel vm0, $0x0, v9;
	_ =	sdelay $0x4  }
0x5b: {  	v9 =	vld.idx.msk [tilespmem:v9+s6+$0x0], $0xffff;
	_ =	sdelay $0x4  }
0x5c: {  	vm4 =	vle.s32 v9, v8  }
0x5d: {  	v53 =	vadd.s32 $0x400, v7;
	vm0 =	vmand vm4, vm0  }
0x5e: {  	v7 =	vsel vm0, v53, v7  }
0x5f: {  	vm0 =	vlt.u32 v7, $0x6201;
	v9 =	vadd.s32 $0x1FF, v7  }
0x60: {  	v9 =	vnsel vm0, $0x0, v9;
	_ =	sdelay $0x4  }
0x61: {  	v9 =	vld.idx.msk [tilespmem:v9+s6+$0x0], $0xffff;
	_ =	sdelay $0x4  }
0x62: {  	vm5 =	vle.s32 v9, v8  }
0x63: {  	v54 =	vadd.s32 $0x200, v7;
	vm0 =	vmand vm5, vm0  }
0x64: {  	v7 =	vsel vm0, v54, v7  }
0x65: {  	vm0 =	vlt.u32 v7, $0x6301;
	v9 =	vadd.s32 $0xFF, v7  }
0x66: {  	v9 =	vnsel vm0, $0x0, v9;
	_ =	sdelay $0x4  }
0x67: {  	v9 =	vld.idx.msk [tilespmem:v9+s6+$0x0], $0xffff;
	_ =	sdelay $0x4  }
0x68: {  	vm6 =	vle.s32 v9, v8  }
0x69: {  	v55 =	vadd.s32 $0x100, v7;
	vm0 =	vmand vm6, vm0  }
0x6a: {  	v7 =	vsel vm0, v55, v7  }
0x6b: {  	vm0 =	vlt.u32 v7, $0x6381;
	v9 =	vadd.s32 $0x7F, v7  }
0x6c: {  	v9 =	vnsel vm0, $0x0, v9;
	_ =	sdelay $0x4  }
0x6d: {  	v9 =	vld.idx.msk [tilespmem:v9+s6+$0x0], $0xffff;
	_ =	sdelay $0x4  }
0x6e: {  	vm7 =	vle.s32 v9, v8  }
0x6f: {  	v56 =	vadd.s32 $0x80, v7;
	vm0 =	vmand vm7, vm0  }
0x70: {  	v7 =	vsel vm0, v56, v7  }
0x71: {  	vm0 =	vlt.u32 v7, $0x63C1;
	v9 =	vadd.s32 $0x3F, v7  }
0x72: {  	v9 =	vnsel vm0, $0x0, v9;
	_ =	sdelay $0x4  }
0x73: {  	v9 =	vld.idx.msk [tilespmem:v9+s6+$0x0], $0xffff;
	_ =	sdelay $0x4  }
0x74: {  	vm8 =	vle.s32 v9, v8  }
0x75: {  	v57 =	vadd.s32 $0x40, v7;
	vm0 =	vmand vm8, vm0  }
0x76: {  	v7 =	vsel vm0, v57, v7  }
0x77: {  	vm0 =	vlt.u32 v7, $0x63E1;
	v9 =	vadd.s32 $0x1F, v7  }
0x78: {  	v9 =	vnsel vm0, $0x0, v9;
	_ =	sdelay $0x4  }
0x79: {  	v9 =	vld.idx.msk [tilespmem:v9+s6+$0x0], $0xffff;
	_ =	sdelay $0x4  }
0x7a: {  	vm9 =	vle.s32 v9, v8  }
0x7b: {  	v58 =	vadd.s32 $0x20, v7;
	vm0 =	vmand vm9, vm0  }
0x7c: {  	v7 =	vsel vm0, v58, v7  }
0x7d: {  	vm0 =	vlt.u32 v7, $0x63F1;
	v9 =	vadd.s32 $0xF, v7  }
0x7e: {  	v9 =	vnsel vm0, $0x0, v9;
	_ =	sdelay $0x4  }
0x7f: {  	v9 =	vld.idx.msk [tilespmem:v9+s6+$0x0], $0xffff;
	_ =	sdelay $0x4  }
0x80: {  	vm10 =	vle.s32 v9, v8  }
0x81: {  	v59 =	vadd.s32 $0x10, v7;
	vm0 =	vmand vm10, vm0  }
0x82: {  	v7 =	vsel vm0, v59, v7  }
0x83: {  	vm0 =	vlt.u32 v7, $0x63F9;
	v9 =	vadd.s32 $0x7, v7  }
0x84: {  	v9 =	vnsel vm0, $0x0, v9;
	_ =	sdelay $0x4  }
0x85: {  	v9 =	vld.idx.msk [tilespmem:v9+s6+$0x0], $0xffff;
	_ =	sdelay $0x4  }
0x86: {  	vm11 =	vle.s32 v9, v8  }
0x87: {  	v60 =	vadd.s32 $0x8, v7;
	vm0 =	vmand vm11, vm0  }
0x88: {  	v7 =	vsel vm0, v60, v7  }
0x89: {  	vm0 =	vlt.u32 v7, $0x63FD;
	v9 =	vadd.s32 $0x3, v7  }
0x8a: {  	v9 =	vnsel vm0, $0x0, v9;
	_ =	sdelay $0x4  }
0x8b: {  	v9 =	vld.idx.msk [tilespmem:v9+s6+$0x0], $0xffff;
	_ =	sdelay $0x4  }
0x8c: {  	vm12 =	vle.s32 v9, v8  }
0x8d: {  	v61 =	vadd.s32 $0x4, v7;
	vm0 =	vmand vm12, vm0  }
0x8e: {  	v7 =	vsel vm0, v61, v7  }
0x8f: {  	vm0 =	vlt.u32 v7, $0x63FF;
	v9 =	vadd.s32 $0x1, v7  }
0x90: {  	v9 =	vnsel vm0, $0x0, v9;
	_ =	sdelay $0x4  }
0x91: {  	v9 =	vld.idx.msk [tilespmem:v9+s6+$0x0], $0xffff;
	_ =	sdelay $0x4  }
0x92: {  	vm13 =	vle.s32 v9, v8  }
0x93: {  	v62 =	vadd.s32 $0x2, v7;
	vm0 =	vmand vm13, vm0  }
0x94: {  	v7 =	vsel vm0, v62, v7  }
0x95: {  	vm0 =	vlt.u32 v7, $0x6400  }
0x96: {  	v9 =	vnsel vm0, $0x0, v7;
	_ =	sdelay $0x4  }
0x97: {  	v9 =	vld.idx.msk [tilespmem:v9+s6+$0x0], $0xffff;
	_ =	sdelay $0x4  }
0x98: {  	vm14 =	vle.s32 v9, v8  }
0x99: {  	p0 =	sne.s32 s23, $0x30;
	v8 =	vor.u32 s23, v0;
	vm0 =	vmand vm14, vm0  }
.Ltmp1:
0x9a: {  	v63 =	vsel vm0, $0x1, v5;
	(pc) =	sbr.rel @p0 .LBB2_4-.Ltmp1, $4  }
0x9b: {  	v7 =	vadd.s32 v63, v7  }
0x9c: {  	vm15 =	veq.s32 v7, $0x0;
	v7 =	vadd.s32 $0xFFFFFFFF, v7  }
0x9d: {  	v7 =	vsel vm15, $0x63FF, v7  }
0x9e: {  	s23 =	sadd.s32 $0x10, s23;
	[tilespmem:v8+s7+$0x0] =	vst.idx.msk $0xffff, v7  }
0x9f: {  	[spmem:s5] =	stream.linear.scatter [tilespmem:s7], [sflag:$0x1], $0x40, $0x38;
	[tilespmem:$0x10E00] =	vst v63  }
0xa0: {  	_ =	swait.ge [sflag:s16], $0x40  }
0xa1: {  	[sflag:s16] =	ssyncset.done $0x0  }
0xa2: {  	[sflag:s16] =	ssyncadd.s32 $0xFFFFFFC0  }
0xa3: {  	[bflag:$0x0] =	sbarrier.arrive $0xFFFF  }
0xa4: {  	s23 =	simm.s32 $0x0;
	s13 =	rddreg [dreg:$0x5]  }
0xa5: {  	[tilespmem:s23], [sflag:$0x1] =	stream.linear.gather [spmem:s13], $0x6400, $0x38;
	[tilespmem:$0x10E00] =	vst v63  }
0xa6: {  	_ =	swait.ge [sflag:s16], $0x6400  }
0xa7: {  	[sflag:s16] =	ssyncset.done $0x0  }
0xa8: {  	[sflag:s16] =	ssyncadd.s32 $0xFFFF9C00  }
0xa9: {  	s24 =	rddreg [dreg:$0x6]  }
0xaa: {  	[tilespmem:s7], [sflag:$0x1] =	stream.linear.gather [spmem:s24], $0x400, $0x38;
	[tilespmem:$0x10E00] =	vst v63  }
0xab: {  	_ =	swait.ge [sflag:s16], $0x400  }
0xac: {  	[sflag:s16] =	ssyncset.done $0x0  }
0xad: {  	[sflag:s16] =	ssyncadd.s32 $0xFFFFFC00  }
0xae: {  	[tilespmem:s21], [sflag:$0x1] =	stream.indirect.gather [hbm4b:s8+s20], $0x80, s2, s20, $0xb8;
	[tilespmem:$0x10E00] =	vst v63  }
0xaf: {  	_ =	swait.ge [sflag:s16], $0x2800  }
0xb0: {  	[sflag:s16] =	ssyncset.done $0x0  }
0xb1: {  	s24 =	rddreg [dreg:$0x9];
	[sflag:s16] =	ssyncadd.s32 $0xFFFFD800  }
0xb2: {  	[hbm4b:s24+s23] =	stream.linear.scatter [tilespmem:s21], [sflag:$0x1], $0x2800, $0x38;
	[tilespmem:$0x10E00] =	vst v63  }
0xb3: {  	_ =	swait.ge [sflag:s16], $0x2800  }
0xb4: {  	[sflag:s16] =	ssyncset.done $0x0  }
0xb5: {  	s24 =	rddreg [dreg:$0xa];
	[sflag:s16] =	ssyncadd.s32 $0xFFFFD800  }
0xb6: {  	[tilespmem:s21], [sflag:$0x1] =	stream.indirect.gather [hbm4b:s8+s20], $0x80, s24, s20, $0xb8;
	[tilespmem:$0x10E00] =	vst v63  }
0xb7: {  	_ =	swait.ge [sflag:s16], $0x2800  }
0xb8: {  	[sflag:s16] =	ssyncset.done $0x0  }
0xb9: {  	s24 =	rddreg [dreg:$0xd];
	[sflag:s16] =	ssyncadd.s32 $0xFFFFD800  }
0xba: {  	[hbm4b:s24+s23] =	stream.linear.scatter [tilespmem:s21], [sflag:$0x1], $0x2800, $0x38;
	[tilespmem:$0x10E00] =	vst v63  }
0xbb: {  	_ =	swait.ge [sflag:s16], $0x2800  }
0xbc: {  	[sflag:s16] =	ssyncset.done $0x0  }
0xbd: {  	s24 =	rddreg [dreg:$0xb];
	[sflag:s16] =	ssyncadd.s32 $0xFFFFD800  }
0xbe: {  	[tilespmem:s21], [sflag:$0x1] =	stream.indirect.gather [hbm4b:s8+s20], $0x80, s24, s20, $0xb8;
	[tilespmem:$0x10E00] =	vst v63  }
0xbf: {  	_ =	swait.ge [sflag:s16], $0x2800  }
0xc0: {  	[sflag:s16] =	ssyncset.done $0x0  }
0xc1: {  	s24 =	rddreg [dreg:$0xe];
	[sflag:s16] =	ssyncadd.s32 $0xFFFFD800  }
0xc2: {  	[hbm4b:s24+s23] =	stream.linear.scatter [tilespmem:s21], [sflag:$0x1], $0x2800, $0x38;
	[tilespmem:$0x10E00] =	vst v63  }
0xc3: {  	_ =	swait.ge [sflag:s16], $0x2800  }
0xc4: {  	[sflag:s16] =	ssyncset.done $0x0  }
0xc5: {  	s24 =	rddreg [dreg:$0xc];
	[sflag:s16] =	ssyncadd.s32 $0xFFFFD800  }
0xc6: {  	[tilespmem:s21], [sflag:$0x1] =	stream.indirect.gather [hbm4b:s8+s20], $0x80, s24, s20, $0xb8;
	[tilespmem:$0x10E00] =	vst v63  }
0xc7: {  	_ =	swait.ge [sflag:s16], $0x2800  }
0xc8: {  	[sflag:s16] =	ssyncset.done $0x0  }
0xc9: {  	s24 =	rddreg [dreg:$0xf];
	[sflag:s16] =	ssyncadd.s32 $0xFFFFD800  }
0xca: {  	[hbm4b:s24+s23] =	stream.linear.scatter [tilespmem:s21], [sflag:$0x1], $0x2800, $0x38;
	[tilespmem:$0x10E00] =	vst v63  }
0xcb: {  	_ =	swait.ge [sflag:s16], $0x2800  }
0xcc: {  	[sflag:s16] =	ssyncset.done $0x0  }
0xcd: {  	s24 =	rddreg [dreg:$0x10];
	[sflag:s16] =	ssyncadd.s32 $0xFFFFD800  }
0xce: {  	[tilespmem:s21], [sflag:$0x1] =	stream.indirect.gather [hbm4b:s8+s20], $0x80, s24, s20, $0xb8;
	[tilespmem:$0x10E00] =	vst v63  }
0xcf: {  	_ =	swait.ge [sflag:s16], $0x2800  }
0xd0: {  	[sflag:s16] =	ssyncset.done $0x0  }
0xd1: {  	s24 =	rddreg [dreg:$0x13];
	[sflag:s16] =	ssyncadd.s32 $0xFFFFD800  }
0xd2: {  	[hbm4b:s24+s23] =	stream.linear.scatter [tilespmem:s21], [sflag:$0x1], $0x2800, $0x38;
	[tilespmem:$0x10E00] =	vst v63  }
0xd3: {  	_ =	swait.ge [sflag:s16], $0x2800  }
0xd4: {  	[sflag:s16] =	ssyncset.done $0x0  }
0xd5: {  	s24 =	rddreg [dreg:$0x11];
	[sflag:s16] =	ssyncadd.s32 $0xFFFFD800  }
0xd6: {  	[tilespmem:s21], [sflag:$0x1] =	stream.indirect.gather [hbm4b:s8+s20], $0x80, s24, s20, $0xb8;
	[tilespmem:$0x10E00] =	vst v63  }
0xd7: {  	_ =	swait.ge [sflag:s16], $0x2800  }
0xd8: {  	[sflag:s16] =	ssyncset.done $0x0  }
0xd9: {  	s24 =	rddreg [dreg:$0x14];
	[sflag:s16] =	ssyncadd.s32 $0xFFFFD800  }
0xda: {  	[hbm4b:s24+s23] =	stream.linear.scatter [tilespmem:s21], [sflag:$0x1], $0x2800, $0x38;
	[tilespmem:$0x10E00] =	vst v63  }
0xdb: {  	_ =	swait.ge [sflag:s16], $0x2800  }
0xdc: {  	[sflag:s16] =	ssyncset.done $0x0  }
0xdd: {  	s24 =	rddreg [dreg:$0x12];
	[sflag:s16] =	ssyncadd.s32 $0xFFFFD800  }
0xde: {  	[tilespmem:s21], [sflag:$0x1] =	stream.indirect.gather [hbm4b:s8+s20], $0x80, s24, s20, $0xb8;
	[tilespmem:$0x10E00] =	vst v63  }
0xdf: {  	_ =	swait.ge [sflag:s16], $0x2800  }
0xe0: {  	[sflag:s16] =	ssyncset.done $0x0  }
0xe1: {  	s24 =	rddreg [dreg:$0x15];
	[sflag:s16] =	ssyncadd.s32 $0xFFFFD800  }
0xe2: {  	[hbm4b:s24+s23] =	stream.linear.scatter [tilespmem:s21], [sflag:$0x1], $0x2800, $0x38;
	[tilespmem:$0x10E00] =	vst v63  }
0xe3: {  	_ =	swait.ge [sflag:s16], $0x2800  }
0xe4: {  	[sflag:s16] =	ssyncset.done $0x0  }
0xe5: {  	[sflag:s16] =	ssyncadd.s32 $0xFFFFD800  }
0xe6: {  	[tilespmem:s21], [sflag:$0x1] =	stream.indirect.gather [hbm4b:s8+s20], $0x80, s17, s20, $0xb8;
	[tilespmem:$0x10E00] =	vst v63  }
0xe7: {  	_ =	swait.ge [sflag:s16], $0x2800  }
0xe8: {  	[sflag:s16] =	ssyncset.done $0x0  }
0xe9: {  	s24 =	rddreg [dreg:$0x16];
	[sflag:s16] =	ssyncadd.s32 $0xFFFFD800  }
0xea: {  	[hbm4b:s24+s23] =	stream.linear.scatter [tilespmem:s21], [sflag:$0x1], $0x2800, $0x38;
	[tilespmem:$0x10E00] =	vst v63  }
0xeb: {  	_ =	swait.ge [sflag:s16], $0x2800  }
0xec: {  	[sflag:s16] =	ssyncset.done $0x0  }
0xed: {  	[sflag:s16] =	ssyncadd.s32 $0xFFFFD800  }
0xee: {  	[tilespmem:s21], [sflag:$0x1] =	stream.indirect.gather [hbm4b:s8+s20], $0x80, s18, s20, $0xb8;
	[tilespmem:$0x10E00] =	vst v63  }
0xef: {  	_ =	swait.ge [sflag:s16], $0x2800  }
0xf0: {  	[sflag:s16] =	ssyncset.done $0x0  }
0xf1: {  	s24 =	rddreg [dreg:$0x17];
	[sflag:s16] =	ssyncadd.s32 $0xFFFFD800  }
0xf2: {  	[hbm4b:s24+s23] =	stream.linear.scatter [tilespmem:s21], [sflag:$0x1], $0x2800, $0x38;
	[tilespmem:$0x10E00] =	vst v63  }
0xf3: {  	_ =	swait.ge [sflag:s16], $0x2800  }
0xf4: {  	[sflag:s16] =	ssyncset.done $0x0  }
0xf5: {  	[sflag:s16] =	ssyncadd.s32 $0xFFFFD800  }
0xf6: {  	[tilespmem:s21], [sflag:$0x1] =	stream.indirect.gather [hbm4b:s8+s20], $0x80, s19, s20, $0xb8;
	[tilespmem:$0x10E00] =	vst v63  }
0xf7: {  	_ =	swait.ge [sflag:s16], $0x2800  }
0xf8: {  	s24 =	sadd.s32 $0x0, s4;
	[sflag:s16] =	ssyncset.done $0x0  }
0xf9: {  	v7 =	vor.u32 s24, v0;
	s24 =	rddreg [dreg:$0x18];
	[sflag:s16] =	ssyncadd.s32 $0xFFFFD800  }
0xfa: {  	[hbm4b:s24+s23] =	stream.linear.scatter [tilespmem:s21], [sflag:$0x1], $0x2800, $0x38;
	[tilespmem:$0x10E00] =	vst v63  }
0xfb: {  	_ =	swait.ge [sflag:s16], $0x2800  }
0xfc: {  	[sflag:s16] =	ssyncset.done $0x0  }
0xfd: {  	[sflag:s16] =	ssyncadd.s32 $0xFFFFD800  }
0xfe: {  	v7 =	vld.idx.msk [tilespmem:v7+s6+$0x0], $0xffff;
	_ =	sdelay $0x7  }
0xff: {  	v7 =	vld.idx.msk [tilespmem:v7+s7+$0x0], $0xffff;
	_ =	sdelay $0x7  }
0x100: {  	v8 =	vor.u32 s23, v0;
	s13 =	sadd.s32 $0x10, s4;
	s24 =	simm.s32 $0x10;
	s23 =	simm.s32 $0x20;
	v7 =	vld.idx.msk [tilespmem:v7+s1+$0x0], $0xffff  }
.LBB2_6:
0x101: {  	p0 =	sne.s32 s23, $0x310;
	v9 =	vor.u32 s13, v0;
	_ =	sdelay $0x3  }
0x102: {  	[tilespmem:v8+s11+$0x0] =	vst.idx.msk $0xffff, v7  }
0x103: {  	v7 =	vld.idx.msk [tilespmem:v9+s6+$0x0], $0xffff;
	_ =	sdelay $0x7  }
0x104: {  	v7 =	vld.idx.msk [tilespmem:v7+s7+$0x0], $0xffff;
	_ =	sdelay $0x4  }
.Ltmp2:
0x105: {  	(pc) =	sbr.rel @p0 .LBB2_6-.Ltmp2, $3  }
0x106: {  	_ =	sdelay $0x1  }
0x107: {  	v7 =	vld.idx.msk [tilespmem:v7+s1+$0x0], $0xffff  }
0x108: {  	s13 =	sadd.s32 s23, s4;
	v8 =	vor.u32 s24, v0;
	s24 =	smov.u32 s23;
	s23 =	sadd.s32 $0x10, s23  }
0x109: {  	v9 =	vor.u32 s13, v0;
	_ =	sdelay $0x3  }
0x10a: {  	[tilespmem:v8+s11+$0x0] =	vst.idx.msk $0xffff, v7  }
0x10b: {  	v7 =	vld.idx.msk [tilespmem:v9+s6+$0x0], $0xffff;
	_ =	sdelay $0x7  }
0x10c: {  	v7 =	vld.idx.msk [tilespmem:v7+s7+$0x0], $0xffff;
	_ =	sdelay $0x7  }
0x10d: {  	v8 =	vor.u32 s24, v0;
	v7 =	vld.idx.msk [tilespmem:v7+s1+$0x0], $0xffff;
	_ =	sdelay $0x4  }
0x10e: {  	[tilespmem:v8+s11+$0x0] =	vst.idx.msk $0xffff, v7  }
0x10f: {  	[tilespmem:s21], [sflag:$0x1] =	stream.indirect.gather [hbm4b:s8+s20], $0x80, s11, s20, $0xb8;
	[tilespmem:$0x10E00] =	vst v63  }
0x110: {  	_ =	swait.ge [sflag:s16], $0x2800  }
0x111: {  	[sflag:s16] =	ssyncset.done $0x0  }
0x112: {  	s23 =	rddreg [dreg:$0x19];
	[sflag:s16] =	ssyncadd.s32 $0xFFFFD800  }
0x113: {  	[hbm4b:s23+s1] =	stream.linear.scatter [tilespmem:s21], [sflag:$0x1], $0x2800, $0x38;
	[tilespmem:$0x10E00] =	vst v63  }
0x114: {  	_ =	swait.ge [sflag:s16], $0x2800  }
0x115: {  	[sflag:s16] =	ssyncset.done $0x0  }
0x116: {  	s24 =	simm.s32 $0xCC50;
	[sflag:s16] =	ssyncadd.s32 $0xFFFFD800  }
0x117: {  	[tilespmem:s21], [sflag:$0x1] =	stream.indirect.gather [hbm4b:s8+s20], $0x80, s24, s20, $0xb8;
	[tilespmem:$0x10E00] =	vst v63  }
0x118: {  	_ =	swait.ge [sflag:s16], $0x2800  }
0x119: {  	[sflag:s16] =	ssyncset.done $0x0  }
0x11a: {  	s23 =	rddreg [dreg:$0x1a];
	[sflag:s16] =	ssyncadd.s32 $0xFFFFD800  }
0x11b: {  	[hbm4b:s23+s1] =	stream.linear.scatter [tilespmem:s21], [sflag:$0x1], $0x2800, $0x38;
	[tilespmem:$0x10E00] =	vst v63  }
0x11c: {  	_ =	swait.ge [sflag:s16], $0x2800  }
0x11d: {  	[sflag:s16] =	ssyncset.done $0x0  }
0x11e: {  	s24 =	simm.s32 $0xCCA0;
	[sflag:s16] =	ssyncadd.s32 $0xFFFFD800  }
0x11f: {  	[tilespmem:s21], [sflag:$0x1] =	stream.indirect.gather [hbm4b:s8+s20], $0x80, s24, s20, $0xb8;
	[tilespmem:$0x10E00] =	vst v63  }
0x120: {  	_ =	swait.ge [sflag:s16], $0x2800  }
0x121: {  	[sflag:s16] =	ssyncset.done $0x0  }
0x122: {  	[sflag:s16] =	ssyncadd.s32 $0xFFFFD800  }
0x123: {  	[hbm4b:s25+s1] =	stream.linear.scatter [tilespmem:s21], [sflag:$0x1], $0x2800, $0x38;
	[tilespmem:$0x10E00] =	vst v63  }
0x124: {  	_ =	swait.ge [sflag:s16], $0x2800  }
0x125: {  	[sflag:s16] =	ssyncset.done $0x0  }
0x126: {  	s23 =	simm.s32 $0xCCF0;
	[sflag:s16] =	ssyncadd.s32 $0xFFFFD800  }
0x127: {  	[tilespmem:s21], [sflag:$0x1] =	stream.indirect.gather [hbm4b:s8+s20], $0x80, s23, s20, $0xb8;
	[tilespmem:$0x10E00] =	vst v63  }
0x128: {  	_ =	swait.ge [sflag:s16], $0x2800  }
0x129: {  	[sflag:s16] =	ssyncset.done $0x0  }
0x12a: {  	[sflag:s16] =	ssyncadd.s32 $0xFFFFD800  }
0x12b: {  	[hbm4b:s26+s1] =	stream.linear.scatter [tilespmem:s21], [sflag:$0x1], $0x2800, $0x38;
	[tilespmem:$0x10E00] =	vst v63  }
0x12c: {  	_ =	swait.ge [sflag:s16], $0x2800  }
0x12d: {  	[sflag:s16] =	ssyncset.done $0x0  }
0x12e: {  	s24 =	simm.s32 $0xCD40;
	[sflag:s16] =	ssyncadd.s32 $0xFFFFD800  }
0x12f: {  	[tilespmem:s21], [sflag:$0x1] =	stream.indirect.gather [hbm4b:s8+s20], $0x80, s24, s20, $0xb8;
	[tilespmem:$0x10E00] =	vst v63  }
0x130: {  	_ =	swait.ge [sflag:s16], $0x2800  }
0x131: {  	[sflag:s16] =	ssyncset.done $0x0  }
0x132: {  	[sflag:s16] =	ssyncadd.s32 $0xFFFFD800  }
0x133: {  	[hbm4b:s28+s1] =	stream.linear.scatter [tilespmem:s21], [sflag:$0x1], $0x2800, $0x38;
	[tilespmem:$0x10E00] =	vst v63  }
0x134: {  	_ =	swait.ge [sflag:s16], $0x2800  }
0x135: {  	[sflag:s16] =	ssyncset.done $0x0  }
0x136: {  	s23 =	simm.s32 $0xCD90;
	[sflag:s16] =	ssyncadd.s32 $0xFFFFD800  }
0x137: {  	[tilespmem:s21], [sflag:$0x1] =	stream.indirect.gather [hbm4b:s8+s20], $0x80, s23, s20, $0xb8;
	[tilespmem:$0x10E00] =	vst v63  }
0x138: {  	_ =	swait.ge [sflag:s16], $0x2800  }
0x139: {  	[sflag:s16] =	ssyncset.done $0x0  }
0x13a: {  	[sflag:s16] =	ssyncadd.s32 $0xFFFFD800  }
0x13b: {  	[hbm4b:s29+s1] =	stream.linear.scatter [tilespmem:s21], [sflag:$0x1], $0x2800, $0x38;
	[tilespmem:$0x10E00] =	vst v63  }
0x13c: {  	_ =	swait.ge [sflag:s16], $0x2800  }
0x13d: {  	[sflag:s16] =	ssyncset.done $0x0  }
0x13e: {  	s24 =	simm.s32 $0xCDE0;
	[sflag:s16] =	ssyncadd.s32 $0xFFFFD800  }
0x13f: {  	[tilespmem:s21], [sflag:$0x1] =	stream.indirect.gather [hbm4b:s8+s20], $0x80, s24, s20, $0xb8;
	[tilespmem:$0x10E00] =	vst v63  }
0x140: {  	_ =	swait.ge [sflag:s16], $0x2800  }
0x141: {  	[sflag:s16] =	ssyncset.done $0x0  }
0x142: {  	[sflag:s16] =	ssyncadd.s32 $0xFFFFD800  }
0x143: {  	[hbm4b:s31+s1] =	stream.linear.scatter [tilespmem:s21], [sflag:$0x1], $0x2800, $0x38;
	[tilespmem:$0x10E00] =	vst v63  }
0x144: {  	_ =	swait.ge [sflag:s16], $0x2800  }
0x145: {  	[sflag:s16] =	ssyncset.done $0x0  }
0x146: {  	s23 =	simm.s32 $0xCE30;
	[sflag:s16] =	ssyncadd.s32 $0xFFFFD800  }
0x147: {  	[tilespmem:s21], [sflag:$0x1] =	stream.indirect.gather [hbm4b:s8+s20], $0x80, s23, s20, $0xb8;
	[tilespmem:$0x10E00] =	vst v63  }
0x148: {  	_ =	swait.ge [sflag:s16], $0x2800  }
0x149: {  	[sflag:s16] =	ssyncset.done $0x0  }
0x14a: {  	[sflag:s16] =	ssyncadd.s32 $0xFFFFD800  }
0x14b: {  	[hbm4b:s30+s1] =	stream.linear.scatter [tilespmem:s21], [sflag:$0x1], $0x2800, $0x38;
	[tilespmem:$0x10E00] =	vst v63  }
0x14c: {  	_ =	swait.ge [sflag:s16], $0x2800  }
0x14d: {  	[sflag:s16] =	ssyncset.done $0x0  }
0x14e: {  	s24 =	simm.s32 $0xCE80;
	[sflag:s16] =	ssyncadd.s32 $0xFFFFD800  }
0x14f: {  	[tilespmem:s21], [sflag:$0x1] =	stream.indirect.gather [hbm4b:s8+s20], $0x80, s24, s20, $0xb8;
	[tilespmem:$0x10E00] =	vst v63  }
0x150: {  	_ =	swait.ge [sflag:s16], $0x2800  }
0x151: {  	[sflag:s16] =	ssyncset.done $0x0  }
0x152: {  	[sflag:s16] =	ssyncadd.s32 $0xFFFFD800  }
0x153: {  	[hbm4b:s0+s1] =	stream.linear.scatter [tilespmem:s21], [sflag:$0x1], $0x2800, $0x38;
	[tilespmem:$0x10E00] =	vst v63  }
0x154: {  	_ =	swait.ge [sflag:s16], $0x2800  }
0x155: {  	[sflag:s16] =	ssyncset.done $0x0  }
0x156: {  	s23 =	simm.s32 $0xCED0;
	[sflag:s16] =	ssyncadd.s32 $0xFFFFD800  }
0x157: {  	[tilespmem:s21], [sflag:$0x1] =	stream.indirect.gather [hbm4b:s8+s20], $0x80, s23, s20, $0xb8;
	[tilespmem:$0x10E00] =	vst v63  }
0x158: {  	_ =	swait.ge [sflag:s16], $0x2800  }
0x159: {  	[sflag:s16] =	ssyncset.done $0x0  }
0x15a: {  	[sflag:s16] =	ssyncadd.s32 $0xFFFFD800  }
0x15b: {  	[hbm4b:s3+s1] =	stream.linear.scatter [tilespmem:s21], [sflag:$0x1], $0x2800, $0x38;
	[tilespmem:$0x10E00] =	vst v63  }
0x15c: {  	_ =	swait.ge [sflag:s16], $0x2800  }
0x15d: {  	[sflag:s16] =	ssyncset.done $0x0  }
0x15e: {  	[sflag:s16] =	ssyncadd.s32 $0xFFFFD800  }
0x15f: {  	v7 =	vld.idx.msk [tilespmem:v1+s7+$0x0], $0xffff;
	_ =	sdelay $0x7  }
0x160: {  	v7 =	vld.idx.msk [tilespmem:v7+s1+$0x0], $0xffff;
	_ =	sdelay $0x4  }
0x161: {  	[tilespmem:v0+s11+$0x0] =	vst.idx.msk $0xffff, v7  }
0x162: {  	v7 =	vld.idx.msk [tilespmem:v2+s7+$0x0], $0xffff;
	_ =	sdelay $0x7  }
0x163: {  	v7 =	vld.idx.msk [tilespmem:v7+s1+$0x0], $0xffff;
	_ =	sdelay $0x4  }
0x164: {  	s24 =	simm.s32 $0x20;
	[tilespmem:v6+s11+$0x0] =	vst.idx.msk $0xffff, v7  }
0x165: {  	[tilespmem:s12], [sflag:$0x1] =	stream.indirect.gather [hbm4b:s8+s24], $0x80, s11, s24, $0xb8;
	[tilespmem:$0x10E00] =	vst v63  }
0x166: {  	s22 =	sadd.s32 $0x1, s22;
	_ =	swait.ge [sflag:s16], $0x1000  }
0x167: {  	p0 =	sne.s32 s22, s15;
	[sflag:s16] =	ssyncset.done $0x0  }
.Ltmp3:
0x168: {  	[sflag:s16] =	ssyncadd.s32 $0xFFFFF000;
	(pc) =	sbr.rel @p0 .LBB2_1-.Ltmp3, $4  }
0x169: {  	[hbm4b:s10+s1] =	stream.linear.scatter [tilespmem:s12], [sflag:$0x1], $0x1000, $0x38;
	[tilespmem:$0x10E00] =	vst v63  }
0x16a: {  	_ =	swait.ge [sflag:s16], $0x1000  }
0x16b: {  	[sflag:s16] =	ssyncset.done $0x0  }
0x16c: {  	[sflag:s16] =	ssyncadd.s32 $0xFFFFF000  }
0x16d: {  	_ =	sfence.sel $0x180000  }
0x16e: {  	[bflag:$0x0] =	sbarrier.arrive $0xFFFF  }
0x16f: {  	_ =	strace $0x9000004A  }
0x170: {  	s0 =	stileid.u32;
	[bflag:$0x2] =	sbarrier.arrive $0xFFFF  }
0x171: {  	p0 =	sne.s32 s0, $0x0;
	s0 =	rddreg [dreg:$0x7]  }
0x172: {  	s0 =	sadd.s32 @!p0 $0x100000, s0  }
0x173: {  	[sflag:s0] =	ssyncadd.tile.s32 @!p0 $0x1;
	_ =	shalt  }
.Lfunc_end2:
_tile_overlayer_lowered:
.L_overlay_start_2:
0x174: {  	(tag) =	ssettag $0x2  }
0x175: {  	s0 =	rddreg [dreg:$0x0];
	s2 =	stileid.u32  }
0x176: {  	s1 =	rddreg [dreg:$0x1];
	p0 =	sne.s32 s2, $0x0  }
0x177: {  	s3 =	rddreg [dreg:$0x2];
	[bflag:$0x3] =	sbarrier.arrive $0xFFFF;
	s2 =	simm.s32 @!p0 $0x1C01  }
0x178: {  	[timem:s3], [sflag:s2] =	dma.local @!p0 [hbm:s0], s1  }
0x179: {  	s0 =	simm.s32 @!p0 $0x1  }
0x17a: {  	_ =	swait.ge @!p0 [sflag:s0], s1  }
0x17b: {  	s1 =	ssub.s32 @!p0 $0x0, s1;
	[sflag:s0] =	ssyncset.done @!p0 $0x0  }
0x17c: {  	[sflag:s0] =	ssyncadd.s32 @!p0 s1  }
0x17d: {  	[bflag:$0x3] =	sbarrier.arrive $0xFFFF  }
0x17e: {  	_ =	shalt  }

// kernel: kernel.15.cloned.1.call-start
scs
__scs_entry_jumppad:
0x0: {  	(pc) =	sbr.rel $0x88, $3  }
0x1: {  	(tag) =	ssettag $0x0;
	lr =	simm.s32 $0x1  }
0x2: {  	[smem:$0x3F8F] =	sst lr;
	_ =	strace $0xD0000000  }
0x3: {  	_ = 	snop  }
0x4: {  	_ = 	snop  }
0x5: {  	_ = 	snop  }
0x6: {  	_ = 	snop  }
0x7: {  	_ = 	snop  }
__scs_overlays_trampoline_lowered:
0x8: {  	[smem:$0x3F9E] =	sst s0  }
0x9: {  	[smem:$0x3F9F] =	sst s1  }
0xa: {  	[smem:$0x3FA0] =	sst s2  }
0xb: {  	[smem:$0x3FA1] =	sst s3  }
0xc: {  	[smem:$0x3FA2] =	sst s4  }
0xd: {  	[smem:$0x3FA3] =	sst s5  }
0xe: {  	[smem:$0x3FA4] =	sst s6  }
0xf: {  	[smem:$0x3FA5] =	sst s7  }
0x10: {  	[smem:$0x3FA6] =	sst s8  }
0x11: {  	[smem:$0x3FA7] =	sst s9;
	s0 =	simm.s32 @!p0 $0x0  }
0x12: {  	s1 =	sld [smem:$0x3F8D];
	s0 =	simm.s32 @p0 $0x1  }
0x13: {  	[smem:$0x3FA8] =	sst s0;
	s0 =	simm.s32 @!p1 $0x0  }
0x14: {  	s2 =	sld [smem:$0x3F8C];
	s0 =	simm.s32 @p1 $0x1  }
0x15: {  	[smem:$0x3FA9] =	sst s0;
	s0 =	simm.s32 @!p2 $0x0  }
0x16: {  	s3 =	sld [smem:$0x3FDB];
	s0 =	simm.s32 @p2 $0x1  }
0x17: {  	s4 =	simm.s32 $0x1BF5;
	[smem:$0x3FAB] =	sst s0  }
0x18: {  	s0 =	sld [smem:$0x3F8E];
	_ =	swait.ge [sflag:s4], $0x0  }
0x19: {  	s7 =	sld [smem:$0x3F8F]  }
0x1a: {  	s8 =	sadd.s32 $0xFFFFE003, lr  }
0x1b: {  	s9 =	sadd.s32 $0xFFFFFEF7, lr;
	s5 =	simm.s32 $0xFFFFFFFF;
	p2 =	slt.u32 s8, $0xFFFFF086  }
0x1c: {  	p1 =	slt.u32 s9, $0xF7A;
	s5 =	simm.s32 @!p2 $0x0  }
0x1d: {  	s5 =	simm.s32 @p1 $0x1;
	p0 =	seq.s32 s7, s2  }
0x1e: {  	s7 =	smul.u32 @!p0 $0xF7A, s2;
	p2 =	seq.s32 @!p0 s5, $0x0  }
0x1f: {  	s9 =	smul.u32 $0xF7A, s1;
	s8 =	simm.s32 @!p0 $0x1BF5;
	p2 =	por !p2, p0  }
0x20: {  	[sflag:s8] =	ssyncset.s32 @!p0 $0xFFFFF086;
	s6 =	sadd.s32 @!p0 s3, s7;
	s7 =	simm.s32 @!p0 $0x108  }
0x21: {  	s3 =	sadd.s32 s3, s9;
	s6 =	sadd.s32 @!p0 $0x88, s6;
	s7 =	simm.s32 @p2 $0x1082  }
0x22: {  	[simem:s7], [sflag:s8] =	dma.local @!p0 [hbm:s6], $0xF7A  }
0x23: {  	s9 =	sor.u32 $0xD0000000, s2;
	s6 =	simm.s32 $0x108;
	_ =	swait.ge @!p0 [sflag:s8], $0x0  }
0x24: {  	s3 =	sadd.s32 $0x88, s3;
	s6 =	simm.s32 @!p1 $0x1082;
	[sflag:s4] =	ssyncset.s32 $0xFFFFF086  }
0x25: {  	[simem:s6], [sflag:s4] =	dma.local [hbm:s3], $0xF7A  }
0x26: {  	[smem:$0x3F8F] =	sst s1;
	(tag) =	ssettag s2;
	_ =	strace s9  }
0x27: {  	s1 =	sld [smem:$0x3F9F]  }
0x28: {  	s2 =	sld [smem:$0x3FA0]  }
0x29: {  	s4 =	sld [smem:$0x3FA2]  }
0x2a: {  	p0 =	seq.s32 s5, $0x0;
	s5 =	sld [smem:$0x3FA3]  }
0x2b: {  	s6 =	sld [smem:$0x3FA4]  }
0x2c: {  	s7 =	sld [smem:$0x3FA5]  }
0x2d: {  	s3 =	simm.s32 $0x108;
	s8 =	sld [smem:$0x3FA6]  }
0x2e: {  	s3 =	simm.s32 @!p0 $0x1082;
	s9 =	sld [smem:$0x3FA7]  }
0x2f: {  	lr =	sadd.s32 s0, s3;
	s0 =	sld [smem:$0x3F9E]  }
0x30: {  	s3 =	sld [smem:$0x3FA1]  }
0x31: {  	[smem:$0x3FAA] =	sst s10  }
0x32: {  	s10 =	sld [smem:$0x3FA8];
	_ =	sdelay $0x3  }
0x33: {  	p0 =	seq.s32 s10, $0x1;
	s10 =	sld [smem:$0x3FAA];
	_ =	sdelay $0x3  }
0x34: {  	[smem:$0x3FAA] =	sst s10  }
0x35: {  	s10 =	sld [smem:$0x3FA9];
	_ =	sdelay $0x3  }
0x36: {  	p1 =	seq.s32 s10, $0x1;
	s10 =	sld [smem:$0x3FAA];
	_ =	sdelay $0x3  }
0x37: {  	[smem:$0x3FAA] =	sst s10  }
0x38: {  	s10 =	sld [smem:$0x3FAB]  }
0x39: {  	_ = 	snop;
	(pc) =	sbr.ind lr, $3  }
0x3a: {  	_ = 	snop  }
0x3b: {  	_ = 	snop  }
0x3c: {  	p2 =	seq.s32 s10, $0x1;
	s10 =	sld [smem:$0x3FAA]  }
0x3d: {  	_ =	shalt  }
0x3e: {  	_ =	shalt  }
0x3f: {  	_ =	shalt  }
0x40: {  	_ =	shalt  }
0x41: {  	_ =	shalt  }
0x42: {  	_ =	shalt  }
0x43: {  	_ =	shalt  }
0x44: {  	_ =	shalt  }
0x45: {  	_ =	shalt  }
0x46: {  	_ =	shalt  }
0x47: {  	_ =	shalt  }
0x48: {  	_ =	shalt  }
0x49: {  	_ =	shalt  }
0x4a: {  	_ =	shalt  }
0x4b: {  	_ =	shalt  }
0x4c: {  	_ =	shalt  }
0x4d: {  	_ =	shalt  }
0x4e: {  	_ =	shalt  }
0x4f: {  	_ =	shalt  }
0x50: {  	_ =	shalt  }
0x51: {  	_ =	shalt  }
0x52: {  	_ =	shalt  }
0x53: {  	_ =	shalt  }
0x54: {  	_ =	shalt  }
0x55: {  	_ =	shalt  }
0x56: {  	_ =	shalt  }
0x57: {  	_ =	shalt  }
0x58: {  	_ =	shalt  }
0x59: {  	_ =	shalt  }
0x5a: {  	_ =	shalt  }
0x5b: {  	_ =	shalt  }
0x5c: {  	_ =	shalt  }
0x5d: {  	_ =	shalt  }
0x5e: {  	_ =	shalt  }
0x5f: {  	_ =	shalt  }
0x60: {  	_ =	shalt  }
0x61: {  	_ =	shalt  }
0x62: {  	_ =	shalt  }
0x63: {  	_ =	shalt  }
0x64: {  	_ =	shalt  }
0x65: {  	_ =	shalt  }
0x66: {  	_ =	shalt  }
0x67: {  	_ =	shalt  }
0x68: {  	_ =	shalt  }
0x69: {  	_ =	shalt  }
0x6a: {  	_ =	shalt  }
0x6b: {  	_ =	shalt  }
0x6c: {  	_ =	shalt  }
0x6d: {  	_ =	shalt  }
0x6e: {  	_ =	shalt  }
0x6f: {  	_ =	shalt  }
0x70: {  	_ =	shalt  }
0x71: {  	_ =	shalt  }
0x72: {  	_ =	shalt  }
0x73: {  	_ =	shalt  }
0x74: {  	_ =	shalt  }
0x75: {  	_ =	shalt  }
0x76: {  	_ =	shalt  }
0x77: {  	_ =	shalt  }
0x78: {  	_ =	shalt  }
0x79: {  	_ =	shalt  }
0x7a: {  	_ =	shalt  }
0x7b: {  	_ =	shalt  }
0x7c: {  	_ =	shalt  }
0x7d: {  	_ =	shalt  }
0x7e: {  	_ =	shalt  }
0x7f: {  	_ =	shalt  }
0x80: {  	_ =	shalt  }
0x81: {  	_ =	shalt  }
0x82: {  	_ =	shalt  }
0x83: {  	_ =	shalt  }
0x84: {  	_ =	shalt  }
0x85: {  	_ =	shalt  }
0x86: {  	_ =	shalt  }
0x87: {  	_ =	shalt  }
.Lfunc_end0:
.L_simem_size_0:
called_computation.2_lowered:
.L_overlay_start_0:
0x88: {  	s2 =	sld [smem:$0x3FD9]  }
0x89: {  	s3 =	sld [smem:$0x3FFE];
	_ =	sdelay $0x1  }
0x8a: {  	s1 =	srdreg.scid  }
0x8b: {  	s0 =	sand.u32 $0x1, s1  }
0x8c: {  	s14 =	sshll.u32 s0, $0xA;
	s2 =	sadd.s32 s3, s2  }
0x8d: {  	s2 =	sadd.s32 s2, s14  }
0x8e: {  	[smem:$0x3FB6] =	sst s2  }
0x8f: {  	_ = 	snop  }
0x90: {  	s2 =	sld [smem:$0x3FD0];
	_ =	sdelay $0x2  }
0x91: {  	s15 =	simm.s32 $0xA;
	s4 =	simm.s32 $0x10  }
0x92: {  	[smem:s4], [sflag:s15] =	dma.local [hbm:s2], $0x1  }
0x93: {  	_ =	swait.eq [sflag:s15], $0x1  }
0x94: {  	[sflag:s15] =	ssyncset.done $0x0  }
0x95: {  	s16 =	sld [smem:$0x10];
	[sflag:s15] =	ssyncadd.s32 $0xFFFFFFFF  }
0x96: {  	s17 =	sld [smem:$0x12];
	(tm) =	ssettm $0x1  }
0x97: {  	s18 =	sld [smem:$0x3FFB];
	_ =	sdelay $0x3  }
0x98: {  	_ =	strace s18  }
0x99: {  	s4 =	sld [smem:$0x3FFC];
	_ =	sdelay $0x3  }
0x9a: {  	_ =	strace s4  }
0x9b: {  	s4 =	sld [smem:$0x3FFD];
	_ =	sdelay $0x3  }
0x9c: {  	_ =	strace s4  }
0x9d: {  	_ =	strace $0x8FFFFFFF  }
0x9e: {  	s19 =	sld [smem:$0x3FDB];
	_ =	sdelay $0x1  }
0x9f: {  	s5 =	simm.s32 $_scs_section_size  }
0xa0: {  	s6 =	simm.s32 $_size__tile_overlayer_lowered;
	s7 =	simm.s32 $_tile_overlayer_lowered  }
0xa1: {  	s22 =	simm.s32 $0x1BFF;
	s21 =	sshll.u32 s7, $0x1;
	s4 =	sadd.s32 s5, s19  }
0xa2: {  	s8 =	simm.s32 $0x0;
	s20 =	sshll.u32 s6, $0x1;
	s6 =	sadd.s32 s21, s4  }
0xa3: {  	[timem:s8], [sflag:s22] =	dma.local [hbm:s6], s20  }
0xa4: {  	_ =	swait.ge [sflag:s22], s20  }
0xa5: {  	s5 =	ssub.s32 $0x0, s20;
	[sflag:s22] =	ssyncset.done $0x0  }
0xa6: {  	[sflag:s22] =	ssyncadd.s32 s5;
	_ =	sdelay $0x1  }
0xa7: {  	s23 =	simm.s32 $0x1B8B  }
0xa8: {  	_ =	swait.ge [sflag:s23], $0x1  }
0xa9: {  	[sflag:s23] =	ssyncset.done $0x0  }
0xaa: {  	s25 =	simm.s32 $0x1B8E;
	s24 =	sld [smem:$0x3FFE];
	[sflag:s23] =	ssyncadd.s32 $0xFFFFFFFF  }
0xab: {  	s26 =	simm.s32 $execute0_lowered;
	[smem:$0x3FD2] =	sst s25  }
0xac: {  	s6 =	sshll.u32 s26, $0x1;
	_ =	strace $0x8000004C;
	[dreg:$0x1] =	wrdreg $0xFFFFFFFF  }
0xad: {  	s28 =	simm.s32 $_size_execute0_lowered;
	s4 =	sadd.s32 s4, s6;
	[dreg:$0x0] =	wrdreg $0x0  }
0xae: {  	s6 =	sshll.u32 s28, $0x1;
	[dreg:$0x2] =	wrdreg s4  }
0xaf: {  	[dreg:$0x3] =	wrdreg s6  }
0xb0: {  	[dreg:$0x4] =	wrdreg $0xC0  }
0xb1: {  	_ =	task [dreg:s8], $0x5FFFF  }
0xb2: {  	[dreg:$0x1] =	wrdreg $0xFFFFFFFF  }
0xb3: {  	[dreg:$0x0] =	wrdreg $0x60  }
0xb4: {  	[dreg:$0x2] =	wrdreg s16  }
0xb5: {  	[dreg:$0x3] =	wrdreg s24  }
0xb6: {  	[dreg:$0x4] =	wrdreg s17  }
0xb7: {  	[dreg:$0x5] =	wrdreg $0x50000  }
0xb8: {  	[dreg:$0x6] =	wrdreg $0x9  }
0xb9: {  	_ =	task.clear_ibuf [dreg:s8], $0x7FFFF;
	_ =	strace $0x9000004C  }
0xba: {  	s29 =	simm.s32 $0x9;
	_ =	strace $0x8000004E  }
0xbb: {  	_ =	swait.ge [sflag:s29], $0x1  }
0xbc: {  	[sflag:s29] =	ssyncadd.s32 $0xFFFFFFFF  }
0xbd: {  	_ =	strace $0x9000004E  }
0xbe: {  	_ =	sfence  }
0xbf: {  	s30 =	sld [smem:$0x0];
	_ =	sdelay $0x2  }
0xc0: {  	s31 =	sshll.u32 s1, $0xD;
	s1 =	sshrl.u32 s1, $0x2  }
0xc1: {  	s3 =	sand.u32 $0x4000, s31;
	s1 =	sadd.s32 s1, s30  }
0xc2: {  	s0 =	sor.u32 s3, s0;
	s1 =	sshll.u32 s1, $0x11  }
0xc3: {  	s0 =	sor.u32 s1, s0  }
0xc4: {  	s0 =	sadd.s32 $0x8F2B, s0  }
0xc5: {  	[sflag:s0] =	ssyncadd.remote.s32 $0x1  }
0xc6: {  	_ =	sfence.sel $0xFFFF  }
0xc7: {  	[dreg:$0x0] =	wrdreg $0xFFFFFFFF;
	(pc) =	sbr.abs _section_cstart, $3  }
0xc8: {  	[dreg:$0x1] =	wrdreg $0xFFFFFFFF  }
0xc9: {  	_ =	task.clear_ibuf [dreg:s8], $0x2FFFF;
	_ =	strace $0x9FFFFFFF  }
0xca: {  	(tm) =	ssettm $0x7FFFFFFF  }
0xcb: {  	_ =	shalt  }
tec
execute0_lowered:
.L_overlay_start_1:
0x0: {  	(tag) =	ssettag $0x1  }
0x1: {  	s8 =	rddreg [dreg:$0x0];
	s0 =	srdreg.scid  }
0x2: {  	s30 =	rddreg [dreg:$0x1];
	s31 =	sand.u32 $0x1, s0  }
0x3: {  	s1 =	rddreg [dreg:$0x2];
	s0 =	stileid.u32;
	s25 =	sshll.u32 s31, $0x4  }
0x4: {  	s2 =	rddreg [dreg:$0x3];
	s9 =	sor.u32 s0, s25  }
0x5: {  	s3 =	simm.s32 $0x0;
	[dreg:$0x5] =	wrdreg s1;
	s4 =	sshll.u32 s9, $0x8  }
0x6: {  	[smem:$0x7FF] =	sst s3;
	s4 =	sadd.s32 s4, s30  }
0x7: {  	_ =	strace $0x8000004D;
	s5 =	sadd.s32 $0x2E400, s4;
	s4 =	simm.s32 $0x1  }
0x8: {  	[tilespmem:s3], [sflag:$0x1] =	stream.linear.gather [hbm4b:s5+s3], $0x500, $0x38;
	[tilespmem:$0x7000] =	vst v63  }
0x9: {  	_ =	swait.ge [sflag:s4], $0x500  }
0xa: {  	[sflag:s4] =	ssyncset.done $0x0  }
0xb: {  	s6 =	simm.s32 $0x3000;
	s7 =	rddreg [dreg:$0x5];
	[sflag:s4] =	ssyncadd.s32 $0xFFFFFB00  }
0xc: {  	[tilespmem:s6], [sflag:$0x1] =	stream.linear.gather [hbm4b:s7+s3], $0x2000, $0x38;
	[tilespmem:$0x7000] =	vst v63  }
0xd: {  	_ =	swait.ge [sflag:s4], $0x2000  }
0xe: {  	s26 =	sshll.u32 s0, $0xD;
	[sflag:s4] =	ssyncset.done $0x0  }
0xf: {  	s7 =	sadd.s32 s26, s2;
	[sflag:s4] =	ssyncadd.s32 $0xFFFFE000  }
0x10: {  	[spmem:s7] =	stream.linear.scatter [tilespmem:s6], [sflag:$0x1], $0x2000, $0x38;
	[tilespmem:$0x7000] =	vst v63  }
0x11: {  	_ =	swait.ge [sflag:s4], $0x2000  }
0x12: {  	s9 =	smul.u32 $0x3200, s9;
	[sflag:s4] =	ssyncset.done $0x0  }
0x13: {  	[sflag:s4] =	ssyncadd.s32 $0xFFFFE000  }
0x14: {  	s8 =	sadd.s32 s8, s9;
	s9 =	simm.s32 $0x800;
	[bflag:$0x0] =	sbarrier.arrive $0xFFFF  }
0x15: {  	[tilespmem:s9], [sflag:$0x1] =	stream.linear.gather [hbm4b:s8+s3], $0x2800, $0x38;
	[tilespmem:$0x7000] =	vst v63  }
0x16: {  	_ =	swait.ge [sflag:s4], $0x2800  }
0x17: {  	[sflag:s4] =	ssyncset.done $0x0  }
0x18: {  	s10 =	simm.s32 $0x50;
	[sflag:s4] =	ssyncadd.s32 $0xFFFFD800  }
0x19: {  	[spmem:s2] =	stream.indirect.scatter.add.f32 [tilespmem:s9], [sflag:$0x1], $0x80, s3, s10, $0xb8;
	[tilespmem:$0x7000] =	vst v63  }
0x1a: {  	_ =	swait.ge [sflag:s4], $0x2800  }
0x1b: {  	[sflag:s4] =	ssyncset.done $0x0  }
0x1c: {  	s11 =	sadd.s32 $0x500, s8;
	[sflag:s4] =	ssyncadd.s32 $0xFFFFD800  }
0x1d: {  	[tilespmem:s9], [sflag:$0x1] =	stream.linear.gather [hbm4b:s11+s3], $0x2800, $0x38;
	[tilespmem:$0x7000] =	vst v63  }
0x1e: {  	_ =	swait.ge [sflag:s4], $0x2800  }
0x1f: {  	[sflag:s4] =	ssyncset.done $0x0  }
0x20: {  	s12 =	simm.s32 $0x80;
	[sflag:s4] =	ssyncadd.s32 $0xFFFFD800  }
0x21: {  	[spmem:s2] =	stream.indirect.scatter.add.f32 [tilespmem:s9], [sflag:$0x1], $0x80, s12, s10, $0xb8;
	[tilespmem:$0x7000] =	vst v63  }
0x22: {  	_ =	swait.ge [sflag:s4], $0x2800  }
0x23: {  	[sflag:s4] =	ssyncset.done $0x0  }
0x24: {  	s13 =	sadd.s32 $0xA00, s8;
	[sflag:s4] =	ssyncadd.s32 $0xFFFFD800  }
0x25: {  	[tilespmem:s9], [sflag:$0x1] =	stream.linear.gather [hbm4b:s13+s3], $0x2800, $0x38;
	[tilespmem:$0x7000] =	vst v63  }
0x26: {  	_ =	swait.ge [sflag:s4], $0x2800  }
0x27: {  	[sflag:s4] =	ssyncset.done $0x0  }
0x28: {  	s14 =	simm.s32 $0x100;
	[sflag:s4] =	ssyncadd.s32 $0xFFFFD800  }
0x29: {  	[spmem:s2] =	stream.indirect.scatter.add.f32 [tilespmem:s9], [sflag:$0x1], $0x80, s14, s10, $0xb8;
	[tilespmem:$0x7000] =	vst v63  }
0x2a: {  	_ =	swait.ge [sflag:s4], $0x2800  }
0x2b: {  	[sflag:s4] =	ssyncset.done $0x0  }
0x2c: {  	s15 =	sadd.s32 $0xF00, s8;
	[sflag:s4] =	ssyncadd.s32 $0xFFFFD800  }
0x2d: {  	[tilespmem:s9], [sflag:$0x1] =	stream.linear.gather [hbm4b:s15+s3], $0x2800, $0x38;
	[tilespmem:$0x7000] =	vst v63  }
0x2e: {  	_ =	swait.ge [sflag:s4], $0x2800  }
0x2f: {  	[sflag:s4] =	ssyncset.done $0x0  }
0x30: {  	s16 =	simm.s32 $0x180;
	[sflag:s4] =	ssyncadd.s32 $0xFFFFD800  }
0x31: {  	[spmem:s2] =	stream.indirect.scatter.add.f32 [tilespmem:s9], [sflag:$0x1], $0x80, s16, s10, $0xb8;
	[tilespmem:$0x7000] =	vst v63  }
0x32: {  	_ =	swait.ge [sflag:s4], $0x2800  }
0x33: {  	[sflag:s4] =	ssyncset.done $0x0  }
0x34: {  	s17 =	sadd.s32 $0x1400, s8;
	[sflag:s4] =	ssyncadd.s32 $0xFFFFD800  }
0x35: {  	[tilespmem:s9], [sflag:$0x1] =	stream.linear.gather [hbm4b:s17+s3], $0x2800, $0x38;
	[tilespmem:$0x7000] =	vst v63  }
0x36: {  	_ =	swait.ge [sflag:s4], $0x2800  }
0x37: {  	[sflag:s4] =	ssyncset.done $0x0  }
0x38: {  	s18 =	simm.s32 $0x200;
	[sflag:s4] =	ssyncadd.s32 $0xFFFFD800  }
0x39: {  	[spmem:s2] =	stream.indirect.scatter.add.f32 [tilespmem:s9], [sflag:$0x1], $0x80, s18, s10, $0xb8;
	[tilespmem:$0x7000] =	vst v63  }
0x3a: {  	_ =	swait.ge [sflag:s4], $0x2800  }
0x3b: {  	[sflag:s4] =	ssyncset.done $0x0  }
0x3c: {  	s19 =	sadd.s32 $0x1900, s8;
	[sflag:s4] =	ssyncadd.s32 $0xFFFFD800  }
0x3d: {  	[tilespmem:s9], [sflag:$0x1] =	stream.linear.gather [hbm4b:s19+s3], $0x2800, $0x38;
	[tilespmem:$0x7000] =	vst v63  }
0x3e: {  	_ =	swait.ge [sflag:s4], $0x2800  }
0x3f: {  	[sflag:s4] =	ssyncset.done $0x0  }
0x40: {  	s20 =	simm.s32 $0x280;
	[sflag:s4] =	ssyncadd.s32 $0xFFFFD800  }
0x41: {  	[spmem:s2] =	stream.indirect.scatter.add.f32 [tilespmem:s9], [sflag:$0x1], $0x80, s20, s10, $0xb8;
	[tilespmem:$0x7000] =	vst v63  }
0x42: {  	_ =	swait.ge [sflag:s4], $0x2800  }
0x43: {  	[sflag:s4] =	ssyncset.done $0x0  }
0x44: {  	s21 =	sadd.s32 $0x1E00, s8;
	[sflag:s4] =	ssyncadd.s32 $0xFFFFD800  }
0x45: {  	[tilespmem:s9], [sflag:$0x1] =	stream.linear.gather [hbm4b:s21+s3], $0x2800, $0x38;
	[tilespmem:$0x7000] =	vst v63  }
0x46: {  	_ =	swait.ge [sflag:s4], $0x2800  }
0x47: {  	[sflag:s4] =	ssyncset.done $0x0  }
0x48: {  	s22 =	simm.s32 $0x300;
	[sflag:s4] =	ssyncadd.s32 $0xFFFFD800  }
0x49: {  	[spmem:s2] =	stream.indirect.scatter.add.f32 [tilespmem:s9], [sflag:$0x1], $0x80, s22, s10, $0xb8;
	[tilespmem:$0x7000] =	vst v63  }
0x4a: {  	_ =	swait.ge [sflag:s4], $0x2800  }
0x4b: {  	[sflag:s4] =	ssyncset.done $0x0  }
0x4c: {  	s23 =	sadd.s32 $0x2300, s8;
	[sflag:s4] =	ssyncadd.s32 $0xFFFFD800  }
0x4d: {  	[tilespmem:s9], [sflag:$0x1] =	stream.linear.gather [hbm4b:s23+s3], $0x2800, $0x38;
	[tilespmem:$0x7000] =	vst v63  }
0x4e: {  	_ =	swait.ge [sflag:s4], $0x2800  }
0x4f: {  	[sflag:s4] =	ssyncset.done $0x0  }
0x50: {  	s24 =	simm.s32 $0x380;
	[sflag:s4] =	ssyncadd.s32 $0xFFFFD800  }
0x51: {  	[spmem:s2] =	stream.indirect.scatter.add.f32 [tilespmem:s9], [sflag:$0x1], $0x80, s24, s10, $0xb8;
	[tilespmem:$0x7000] =	vst v63  }
0x52: {  	_ =	swait.ge [sflag:s4], $0x2800  }
0x53: {  	[sflag:s4] =	ssyncset.done $0x0  }
0x54: {  	s25 =	sadd.s32 $0x2800, s8;
	[sflag:s4] =	ssyncadd.s32 $0xFFFFD800  }
0x55: {  	[tilespmem:s9], [sflag:$0x1] =	stream.linear.gather [hbm4b:s25+s3], $0x2800, $0x38;
	[tilespmem:$0x7000] =	vst v63  }
0x56: {  	_ =	swait.ge [sflag:s4], $0x2800  }
0x57: {  	[sflag:s4] =	ssyncset.done $0x0  }
0x58: {  	s26 =	simm.s32 $0x400;
	[sflag:s4] =	ssyncadd.s32 $0xFFFFD800  }
0x59: {  	[spmem:s2] =	stream.indirect.scatter.add.f32 [tilespmem:s9], [sflag:$0x1], $0x80, s26, s10, $0xb8;
	[tilespmem:$0x7000] =	vst v63  }
0x5a: {  	_ =	swait.ge [sflag:s4], $0x2800  }
0x5b: {  	[sflag:s4] =	ssyncset.done $0x0  }
0x5c: {  	s28 =	sadd.s32 $0x2D00, s8;
	[sflag:s4] =	ssyncadd.s32 $0xFFFFD800  }
0x5d: {  	[tilespmem:s9], [sflag:$0x1] =	stream.linear.gather [hbm4b:s28+s3], $0x2800, $0x38;
	[tilespmem:$0x7000] =	vst v63  }
0x5e: {  	_ =	swait.ge [sflag:s4], $0x2800  }
0x5f: {  	[sflag:s4] =	ssyncset.done $0x0  }
0x60: {  	s29 =	simm.s32 $0x480;
	s0 =	sshll.u32 s0, $0xA;
	[sflag:s4] =	ssyncadd.s32 $0xFFFFD800  }
0x61: {  	[spmem:s2] =	stream.indirect.scatter.add.f32 [tilespmem:s9], [sflag:$0x1], $0x80, s29, s10, $0xb8;
	[tilespmem:$0x7000] =	vst v63  }
0x62: {  	s1 =	sadd.s32 s0, s30;
	s30 =	ssub.s32 $0x2, s31;
	_ =	swait.ge [sflag:s4], $0x2800  }
0x63: {  	s0 =	sshrl.u32 s30, $0x1;
	[sflag:s4] =	ssyncset.done $0x0  }
0x64: {  	s0 =	ssub.s32 s30, s0;
	[sflag:s4] =	ssyncadd.s32 $0xFFFFD800  }
0x65: {  	s0 =	smax.u32 s0, $0x1;
	[bflag:$0x0] =	sbarrier.arrive $0xFFFF  }
0x66: {  	[tilespmem:s6], [sflag:$0x1] =	stream.linear.gather [spmem:s7], $0x2000, $0x38;
	[tilespmem:$0x7000] =	vst v63  }
0x67: {  	s31 =	sshll.u32 s31, $0xE;
	p0 =	sne.s32 s0, $0x1;
	_ =	swait.ge [sflag:s4], $0x2000  }
.Ltmp0:
0x68: {  	s1 =	sadd.s32 s31, s1;
	[sflag:s4] =	ssyncset.done $0x0;
	(pc) =	sbr.rel @!p0 .LBB2_2-.Ltmp0, $4  }
0x69: {  	s30 =	sadd.s32 $0x3200, s1;
	[sflag:s4] =	ssyncadd.s32 $0xFFFFE000  }
0x6a: {  	[hbm4b:s30+s3] =	stream.linear.scatter [tilespmem:s6], [sflag:$0x1], $0x2000, $0x38;
	[tilespmem:$0x7000] =	vst v63  }
0x6b: {  	_ =	swait.ge [sflag:s4], $0x2000  }
0x6c: {  	s31 =	sadd.s32 $0xFFFFFFFF, s0;
	[sflag:s4] =	ssyncset.done $0x0  }
.LBB2_1:
0x6d: {  	[sflag:s4] =	ssyncadd.s32 $0xFFFFE000  }
0x6e: {  	[tilespmem:s3], [sflag:$0x1] =	stream.linear.gather [hbm4b:s5+s3], $0x500, $0x38;
	[tilespmem:$0x7000] =	vst v63  }
0x6f: {  	_ =	swait.ge [sflag:s4], $0x500  }
0x70: {  	[sflag:s4] =	ssyncset.done $0x0  }
0x71: {  	s0 =	rddreg [dreg:$0x5];
	[sflag:s4] =	ssyncadd.s32 $0xFFFFFB00  }
0x72: {  	[tilespmem:s6], [sflag:$0x1] =	stream.linear.gather [hbm4b:s0+s3], $0x2000, $0x38;
	[tilespmem:$0x7000] =	vst v63  }
0x73: {  	_ =	swait.ge [sflag:s4], $0x2000  }
0x74: {  	[sflag:s4] =	ssyncset.done $0x0  }
0x75: {  	[sflag:s4] =	ssyncadd.s32 $0xFFFFE000  }
0x76: {  	[spmem:s7] =	stream.linear.scatter [tilespmem:s6], [sflag:$0x1], $0x2000, $0x38;
	[tilespmem:$0x7000] =	vst v63  }
0x77: {  	_ =	swait.ge [sflag:s4], $0x2000  }
0x78: {  	[sflag:s4] =	ssyncset.done $0x0  }
0x79: {  	[sflag:s4] =	ssyncadd.s32 $0xFFFFE000  }
0x7a: {  	[bflag:$0x0] =	sbarrier.arrive $0xFFFF  }
0x7b: {  	[tilespmem:s9], [sflag:$0x1] =	stream.linear.gather [hbm4b:s8+s3], $0x2800, $0x38;
	[tilespmem:$0x7000] =	vst v63  }
0x7c: {  	_ =	swait.ge [sflag:s4], $0x2800  }
0x7d: {  	[sflag:s4] =	ssyncset.done $0x0  }
0x7e: {  	[sflag:s4] =	ssyncadd.s32 $0xFFFFD800  }
0x7f: {  	[spmem:s2] =	stream.indirect.scatter.add.f32 [tilespmem:s9], [sflag:$0x1], $0x80, s3, s10, $0xb8;
	[tilespmem:$0x7000] =	vst v63  }
0x80: {  	_ =	swait.ge [sflag:s4], $0x2800  }
0x81: {  	[sflag:s4] =	ssyncset.done $0x0  }
0x82: {  	[sflag:s4] =	ssyncadd.s32 $0xFFFFD800  }
0x83: {  	[tilespmem:s9], [sflag:$0x1] =	stream.linear.gather [hbm4b:s11+s3], $0x2800, $0x38;
	[tilespmem:$0x7000] =	vst v63  }
0x84: {  	_ =	swait.ge [sflag:s4], $0x2800  }
0x85: {  	[sflag:s4] =	ssyncset.done $0x0  }
0x86: {  	[sflag:s4] =	ssyncadd.s32 $0xFFFFD800  }
0x87: {  	[spmem:s2] =	stream.indirect.scatter.add.f32 [tilespmem:s9], [sflag:$0x1], $0x80, s12, s10, $0xb8;
	[tilespmem:$0x7000] =	vst v63  }
0x88: {  	_ =	swait.ge [sflag:s4], $0x2800  }
0x89: {  	[sflag:s4] =	ssyncset.done $0x0  }
0x8a: {  	[sflag:s4] =	ssyncadd.s32 $0xFFFFD800  }
0x8b: {  	[tilespmem:s9], [sflag:$0x1] =	stream.linear.gather [hbm4b:s13+s3], $0x2800, $0x38;
	[tilespmem:$0x7000] =	vst v63  }
0x8c: {  	_ =	swait.ge [sflag:s4], $0x2800  }
0x8d: {  	[sflag:s4] =	ssyncset.done $0x0  }
0x8e: {  	[sflag:s4] =	ssyncadd.s32 $0xFFFFD800  }
0x8f: {  	[spmem:s2] =	stream.indirect.scatter.add.f32 [tilespmem:s9], [sflag:$0x1], $0x80, s14, s10, $0xb8;
	[tilespmem:$0x7000] =	vst v63  }
0x90: {  	_ =	swait.ge [sflag:s4], $0x2800  }
0x91: {  	[sflag:s4] =	ssyncset.done $0x0  }
0x92: {  	[sflag:s4] =	ssyncadd.s32 $0xFFFFD800  }
0x93: {  	[tilespmem:s9], [sflag:$0x1] =	stream.linear.gather [hbm4b:s15+s3], $0x2800, $0x38;
	[tilespmem:$0x7000] =	vst v63  }
0x94: {  	_ =	swait.ge [sflag:s4], $0x2800  }
0x95: {  	[sflag:s4] =	ssyncset.done $0x0  }
0x96: {  	[sflag:s4] =	ssyncadd.s32 $0xFFFFD800  }
0x97: {  	[spmem:s2] =	stream.indirect.scatter.add.f32 [tilespmem:s9], [sflag:$0x1], $0x80, s16, s10, $0xb8;
	[tilespmem:$0x7000] =	vst v63  }
0x98: {  	_ =	swait.ge [sflag:s4], $0x2800  }
0x99: {  	[sflag:s4] =	ssyncset.done $0x0  }
0x9a: {  	[sflag:s4] =	ssyncadd.s32 $0xFFFFD800  }
0x9b: {  	[tilespmem:s9], [sflag:$0x1] =	stream.linear.gather [hbm4b:s17+s3], $0x2800, $0x38;
	[tilespmem:$0x7000] =	vst v63  }
0x9c: {  	_ =	swait.ge [sflag:s4], $0x2800  }
0x9d: {  	[sflag:s4] =	ssyncset.done $0x0  }
0x9e: {  	[sflag:s4] =	ssyncadd.s32 $0xFFFFD800  }
0x9f: {  	[spmem:s2] =	stream.indirect.scatter.add.f32 [tilespmem:s9], [sflag:$0x1], $0x80, s18, s10, $0xb8;
	[tilespmem:$0x7000] =	vst v63  }
0xa0: {  	_ =	swait.ge [sflag:s4], $0x2800  }
0xa1: {  	[sflag:s4] =	ssyncset.done $0x0  }
0xa2: {  	[sflag:s4] =	ssyncadd.s32 $0xFFFFD800  }
0xa3: {  	[tilespmem:s9], [sflag:$0x1] =	stream.linear.gather [hbm4b:s19+s3], $0x2800, $0x38;
	[tilespmem:$0x7000] =	vst v63  }
0xa4: {  	_ =	swait.ge [sflag:s4], $0x2800  }
0xa5: {  	[sflag:s4] =	ssyncset.done $0x0  }
0xa6: {  	[sflag:s4] =	ssyncadd.s32 $0xFFFFD800  }
0xa7: {  	[spmem:s2] =	stream.indirect.scatter.add.f32 [tilespmem:s9], [sflag:$0x1], $0x80, s20, s10, $0xb8;
	[tilespmem:$0x7000] =	vst v63  }
0xa8: {  	_ =	swait.ge [sflag:s4], $0x2800  }
0xa9: {  	[sflag:s4] =	ssyncset.done $0x0  }
0xaa: {  	[sflag:s4] =	ssyncadd.s32 $0xFFFFD800  }
0xab: {  	[tilespmem:s9], [sflag:$0x1] =	stream.linear.gather [hbm4b:s21+s3], $0x2800, $0x38;
	[tilespmem:$0x7000] =	vst v63  }
0xac: {  	_ =	swait.ge [sflag:s4], $0x2800  }
0xad: {  	[sflag:s4] =	ssyncset.done $0x0  }
0xae: {  	[sflag:s4] =	ssyncadd.s32 $0xFFFFD800  }
0xaf: {  	[spmem:s2] =	stream.indirect.scatter.add.f32 [tilespmem:s9], [sflag:$0x1], $0x80, s22, s10, $0xb8;
	[tilespmem:$0x7000] =	vst v63  }
0xb0: {  	_ =	swait.ge [sflag:s4], $0x2800  }
0xb1: {  	[sflag:s4] =	ssyncset.done $0x0  }
0xb2: {  	[sflag:s4] =	ssyncadd.s32 $0xFFFFD800  }
0xb3: {  	[tilespmem:s9], [sflag:$0x1] =	stream.linear.gather [hbm4b:s23+s3], $0x2800, $0x38;
	[tilespmem:$0x7000] =	vst v63  }
0xb4: {  	_ =	swait.ge [sflag:s4], $0x2800  }
0xb5: {  	[sflag:s4] =	ssyncset.done $0x0  }
0xb6: {  	[sflag:s4] =	ssyncadd.s32 $0xFFFFD800  }
0xb7: {  	[spmem:s2] =	stream.indirect.scatter.add.f32 [tilespmem:s9], [sflag:$0x1], $0x80, s24, s10, $0xb8;
	[tilespmem:$0x7000] =	vst v63  }
0xb8: {  	_ =	swait.ge [sflag:s4], $0x2800  }
0xb9: {  	[sflag:s4] =	ssyncset.done $0x0  }
0xba: {  	[sflag:s4] =	ssyncadd.s32 $0xFFFFD800  }
0xbb: {  	[tilespmem:s9], [sflag:$0x1] =	stream.linear.gather [hbm4b:s25+s3], $0x2800, $0x38;
	[tilespmem:$0x7000] =	vst v63  }
0xbc: {  	_ =	swait.ge [sflag:s4], $0x2800  }
0xbd: {  	[sflag:s4] =	ssyncset.done $0x0  }
0xbe: {  	[sflag:s4] =	ssyncadd.s32 $0xFFFFD800  }
0xbf: {  	[spmem:s2] =	stream.indirect.scatter.add.f32 [tilespmem:s9], [sflag:$0x1], $0x80, s26, s10, $0xb8;
	[tilespmem:$0x7000] =	vst v63  }
0xc0: {  	_ =	swait.ge [sflag:s4], $0x2800  }
0xc1: {  	[sflag:s4] =	ssyncset.done $0x0  }
0xc2: {  	[sflag:s4] =	ssyncadd.s32 $0xFFFFD800  }
0xc3: {  	[tilespmem:s9], [sflag:$0x1] =	stream.linear.gather [hbm4b:s28+s3], $0x2800, $0x38;
	[tilespmem:$0x7000] =	vst v63  }
0xc4: {  	_ =	swait.ge [sflag:s4], $0x2800  }
0xc5: {  	[sflag:s4] =	ssyncset.done $0x0  }
0xc6: {  	[sflag:s4] =	ssyncadd.s32 $0xFFFFD800  }
0xc7: {  	[spmem:s2] =	stream.indirect.scatter.add.f32 [tilespmem:s9], [sflag:$0x1], $0x80, s29, s10, $0xb8;
	[tilespmem:$0x7000] =	vst v63  }
0xc8: {  	_ =	swait.ge [sflag:s4], $0x2800  }
0xc9: {  	[sflag:s4] =	ssyncset.done $0x0  }
0xca: {  	[sflag:s4] =	ssyncadd.s32 $0xFFFFD800  }
0xcb: {  	[bflag:$0x0] =	sbarrier.arrive $0xFFFF  }
0xcc: {  	[tilespmem:s6], [sflag:$0x1] =	stream.linear.gather [spmem:s7], $0x2000, $0x38;
	[tilespmem:$0x7000] =	vst v63  }
0xcd: {  	p0 =	sne.s32 s31, $0x1;
	_ =	swait.ge [sflag:s4], $0x2000  }
.Ltmp1:
0xce: {  	[sflag:s4] =	ssyncset.done $0x0;
	(pc) =	sbr.rel @p0 .LBB2_1-.Ltmp1, $4  }
0xcf: {  	[sflag:s4] =	ssyncadd.s32 $0xFFFFE000  }
0xd0: {  	[hbm4b:s30+s3] =	stream.linear.scatter [tilespmem:s6], [sflag:$0x1], $0x2000, $0x38;
	[tilespmem:$0x7000] =	vst v63  }
0xd1: {  	_ =	swait.ge [sflag:s4], $0x2000  }
0xd2: {  	s31 =	sadd.s32 $0xFFFFFFFF, s31;
	[sflag:s4] =	ssyncset.done $0x0  }
.LBB2_2:
0xd3: {  	[sflag:s4] =	ssyncadd.s32 $0xFFFFE000  }
0xd4: {  	_ =	sfence.sel $0x180000  }
0xd5: {  	[bflag:$0x0] =	sbarrier.arrive $0xFFFF  }
0xd6: {  	_ =	strace $0x9000004D  }
0xd7: {  	s0 =	stileid.u32;
	[bflag:$0x2] =	sbarrier.arrive $0xFFFF  }
0xd8: {  	p0 =	sne.s32 s0, $0x0;
	s0 =	rddreg [dreg:$0x4]  }
0xd9: {  	s0 =	sadd.s32 @!p0 $0x100000, s0  }
0xda: {  	[sflag:s0] =	ssyncadd.tile.s32 @!p0 $0x1;
	_ =	shalt  }
.Lfunc_end2:
_tile_overlayer_lowered:
.L_overlay_start_2:
0xdb: {  	(tag) =	ssettag $0x2  }
0xdc: {  	s0 =	rddreg [dreg:$0x0];
	s2 =	stileid.u32  }
0xdd: {  	s1 =	rddreg [dreg:$0x1];
	p0 =	sne.s32 s2, $0x0  }
0xde: {  	s3 =	rddreg [dreg:$0x2];
	[bflag:$0x3] =	sbarrier.arrive $0xFFFF;
	s2 =	simm.s32 @!p0 $0x1C01  }
0xdf: {  	[timem:s3], [sflag:s2] =	dma.local @!p0 [hbm:s0], s1  }
0xe0: {  	s0 =	simm.s32 @!p0 $0x1  }
0xe1: {  	_ =	swait.ge @!p0 [sflag:s0], s1  }
0xe2: {  	s1 =	ssub.s32 @!p0 $0x0, s1;
	[sflag:s0] =	ssyncset.done @!p0 $0x0  }
0xe3: {  	[sflag:s0] =	ssyncadd.s32 @!p0 s1  }
0xe4: {  	[bflag:$0x3] =	sbarrier.arrive $0xFFFF  }
0xe5: {  	_ =	shalt  }

// kernel: kernel.9.cloned.1.call-start
scs
__scs_entry_jumppad:
0x0: {  	(pc) =	sbr.rel $0x88, $3  }
0x1: {  	(tag) =	ssettag $0x0;
	lr =	simm.s32 $0x1  }
0x2: {  	[smem:$0x3F8F] =	sst lr;
	_ =	strace $0xD0000000  }
0x3: {  	_ = 	snop  }
0x4: {  	_ = 	snop  }
0x5: {  	_ = 	snop  }
0x6: {  	_ = 	snop  }
0x7: {  	_ = 	snop  }
__scs_overlays_trampoline_lowered:
0x8: {  	[smem:$0x3F9E] =	sst s0  }
0x9: {  	[smem:$0x3F9F] =	sst s1  }
0xa: {  	[smem:$0x3FA0] =	sst s2  }
0xb: {  	[smem:$0x3FA1] =	sst s3  }
0xc: {  	[smem:$0x3FA2] =	sst s4  }
0xd: {  	[smem:$0x3FA3] =	sst s5  }
0xe: {  	[smem:$0x3FA4] =	sst s6  }
0xf: {  	[smem:$0x3FA5] =	sst s7  }
0x10: {  	[smem:$0x3FA6] =	sst s8  }
0x11: {  	[smem:$0x3FA7] =	sst s9;
	s0 =	simm.s32 @!p0 $0x0  }
0x12: {  	s1 =	sld [smem:$0x3F8D];
	s0 =	simm.s32 @p0 $0x1  }
0x13: {  	[smem:$0x3FA8] =	sst s0;
	s0 =	simm.s32 @!p1 $0x0  }
0x14: {  	s2 =	sld [smem:$0x3F8C];
	s0 =	simm.s32 @p1 $0x1  }
0x15: {  	[smem:$0x3FA9] =	sst s0;
	s0 =	simm.s32 @!p2 $0x0  }
0x16: {  	s3 =	sld [smem:$0x3FDB];
	s0 =	simm.s32 @p2 $0x1  }
0x17: {  	s4 =	simm.s32 $0x1BF5;
	[smem:$0x3FAB] =	sst s0  }
0x18: {  	s0 =	sld [smem:$0x3F8E];
	_ =	swait.ge [sflag:s4], $0x0  }
0x19: {  	s7 =	sld [smem:$0x3F8F]  }
0x1a: {  	s8 =	sadd.s32 $0xFFFFE003, lr  }
0x1b: {  	s9 =	sadd.s32 $0xFFFFFEF7, lr;
	s5 =	simm.s32 $0xFFFFFFFF;
	p2 =	slt.u32 s8, $0xFFFFF086  }
0x1c: {  	p1 =	slt.u32 s9, $0xF7A;
	s5 =	simm.s32 @!p2 $0x0  }
0x1d: {  	s5 =	simm.s32 @p1 $0x1;
	p0 =	seq.s32 s7, s2  }
0x1e: {  	s7 =	smul.u32 @!p0 $0xF7A, s2;
	p2 =	seq.s32 @!p0 s5, $0x0  }
0x1f: {  	s9 =	smul.u32 $0xF7A, s1;
	s8 =	simm.s32 @!p0 $0x1BF5;
	p2 =	por !p2, p0  }
0x20: {  	[sflag:s8] =	ssyncset.s32 @!p0 $0xFFFFF086;
	s6 =	sadd.s32 @!p0 s3, s7;
	s7 =	simm.s32 @!p0 $0x108  }
0x21: {  	s3 =	sadd.s32 s3, s9;
	s6 =	sadd.s32 @!p0 $0x88, s6;
	s7 =	simm.s32 @p2 $0x1082  }
0x22: {  	[simem:s7], [sflag:s8] =	dma.local @!p0 [hbm:s6], $0xF7A  }
0x23: {  	s9 =	sor.u32 $0xD0000000, s2;
	s6 =	simm.s32 $0x108;
	_ =	swait.ge @!p0 [sflag:s8], $0x0  }
0x24: {  	s3 =	sadd.s32 $0x88, s3;
	s6 =	simm.s32 @!p1 $0x1082;
	[sflag:s4] =	ssyncset.s32 $0xFFFFF086  }
0x25: {  	[simem:s6], [sflag:s4] =	dma.local [hbm:s3], $0xF7A  }
0x26: {  	[smem:$0x3F8F] =	sst s1;
	(tag) =	ssettag s2;
	_ =	strace s9  }
0x27: {  	s1 =	sld [smem:$0x3F9F]  }
0x28: {  	s2 =	sld [smem:$0x3FA0]  }
0x29: {  	s4 =	sld [smem:$0x3FA2]  }
0x2a: {  	p0 =	seq.s32 s5, $0x0;
	s5 =	sld [smem:$0x3FA3]  }
0x2b: {  	s6 =	sld [smem:$0x3FA4]  }
0x2c: {  	s7 =	sld [smem:$0x3FA5]  }
0x2d: {  	s3 =	simm.s32 $0x108;
	s8 =	sld [smem:$0x3FA6]  }
0x2e: {  	s3 =	simm.s32 @!p0 $0x1082;
	s9 =	sld [smem:$0x3FA7]  }
0x2f: {  	lr =	sadd.s32 s0, s3;
	s0 =	sld [smem:$0x3F9E]  }
0x30: {  	s3 =	sld [smem:$0x3FA1]  }
0x31: {  	[smem:$0x3FAA] =	sst s10  }
0x32: {  	s10 =	sld [smem:$0x3FA8];
	_ =	sdelay $0x3  }
0x33: {  	p0 =	seq.s32 s10, $0x1;
	s10 =	sld [smem:$0x3FAA];
	_ =	sdelay $0x3  }
0x34: {  	[smem:$0x3FAA] =	sst s10  }
0x35: {  	s10 =	sld [smem:$0x3FA9];
	_ =	sdelay $0x3  }
0x36: {  	p1 =	seq.s32 s10, $0x1;
	s10 =	sld [smem:$0x3FAA];
	_ =	sdelay $0x3  }
0x37: {  	[smem:$0x3FAA] =	sst s10  }
0x38: {  	s10 =	sld [smem:$0x3FAB]  }
0x39: {  	_ = 	snop;
	(pc) =	sbr.ind lr, $3  }
0x3a: {  	_ = 	snop  }
0x3b: {  	_ = 	snop  }
0x3c: {  	p2 =	seq.s32 s10, $0x1;
	s10 =	sld [smem:$0x3FAA]  }
0x3d: {  	_ =	shalt  }
0x3e: {  	_ =	shalt  }
0x3f: {  	_ =	shalt  }
0x40: {  	_ =	shalt  }
0x41: {  	_ =	shalt  }
0x42: {  	_ =	shalt  }
0x43: {  	_ =	shalt  }
0x44: {  	_ =	shalt  }
0x45: {  	_ =	shalt  }
0x46: {  	_ =	shalt  }
0x47: {  	_ =	shalt  }
0x48: {  	_ =	shalt  }
0x49: {  	_ =	shalt  }
0x4a: {  	_ =	shalt  }
0x4b: {  	_ =	shalt  }
0x4c: {  	_ =	shalt  }
0x4d: {  	_ =	shalt  }
0x4e: {  	_ =	shalt  }
0x4f: {  	_ =	shalt  }
0x50: {  	_ =	shalt  }
0x51: {  	_ =	shalt  }
0x52: {  	_ =	shalt  }
0x53: {  	_ =	shalt  }
0x54: {  	_ =	shalt  }
0x55: {  	_ =	shalt  }
0x56: {  	_ =	shalt  }
0x57: {  	_ =	shalt  }
0x58: {  	_ =	shalt  }
0x59: {  	_ =	shalt  }
0x5a: {  	_ =	shalt  }
0x5b: {  	_ =	shalt  }
0x5c: {  	_ =	shalt  }
0x5d: {  	_ =	shalt  }
0x5e: {  	_ =	shalt  }
0x5f: {  	_ =	shalt  }
0x60: {  	_ =	shalt  }
0x61: {  	_ =	shalt  }
0x62: {  	_ =	shalt  }
0x63: {  	_ =	shalt  }
0x64: {  	_ =	shalt  }
0x65: {  	_ =	shalt  }
0x66: {  	_ =	shalt  }
0x67: {  	_ =	shalt  }
0x68: {  	_ =	shalt  }
0x69: {  	_ =	shalt  }
0x6a: {  	_ =	shalt  }
0x6b: {  	_ =	shalt  }
0x6c: {  	_ =	shalt  }
0x6d: {  	_ =	shalt  }
0x6e: {  	_ =	shalt  }
0x6f: {  	_ =	shalt  }
0x70: {  	_ =	shalt  }
0x71: {  	_ =	shalt  }
0x72: {  	_ =	shalt  }
0x73: {  	_ =	shalt  }
0x74: {  	_ =	shalt  }
0x75: {  	_ =	shalt  }
0x76: {  	_ =	shalt  }
0x77: {  	_ =	shalt  }
0x78: {  	_ =	shalt  }
0x79: {  	_ =	shalt  }
0x7a: {  	_ =	shalt  }
0x7b: {  	_ =	shalt  }
0x7c: {  	_ =	shalt  }
0x7d: {  	_ =	shalt  }
0x7e: {  	_ =	shalt  }
0x7f: {  	_ =	shalt  }
0x80: {  	_ =	shalt  }
0x81: {  	_ =	shalt  }
0x82: {  	_ =	shalt  }
0x83: {  	_ =	shalt  }
0x84: {  	_ =	shalt  }
0x85: {  	_ =	shalt  }
0x86: {  	_ =	shalt  }
0x87: {  	_ =	shalt  }
.Lfunc_end0:
.L_simem_size_0:
called_computation_lowered:
.L_overlay_start_0:
0x88: {  	s2 =	sld [smem:$0x3FD9]  }
0x89: {  	s3 =	sld [smem:$0x3FFE];
	_ =	sdelay $0x1  }
0x8a: {  	s1 =	srdreg.scid  }
0x8b: {  	s0 =	sand.u32 $0x1, s1  }
0x8c: {  	s14 =	sshll.u32 s0, $0xA;
	s2 =	sadd.s32 s3, s2  }
0x8d: {  	s2 =	sadd.s32 s2, s14  }
0x8e: {  	[smem:$0x3FB6] =	sst s2  }
0x8f: {  	_ = 	snop  }
0x90: {  	s2 =	sld [smem:$0x3FD0];
	_ =	sdelay $0x2  }
0x91: {  	s15 =	simm.s32 $0xA;
	s4 =	simm.s32 $0x10  }
0x92: {  	[smem:s4], [sflag:s15] =	dma.local [hbm:s2], $0x1  }
0x93: {  	_ =	swait.eq [sflag:s15], $0x1  }
0x94: {  	s16 =	sld [smem:$0x10];
	[sflag:s15] =	ssyncset.done $0x0  }
0x95: {  	s17 =	sld [smem:$0x11];
	[sflag:s15] =	ssyncadd.s32 $0xFFFFFFFF  }
0x96: {  	s18 =	sld [smem:$0x12];
	(tm) =	ssettm $0x1  }
0x97: {  	s5 =	sld [smem:$0x3FFB];
	_ =	sdelay $0x3  }
0x98: {  	_ =	strace s5  }
0x99: {  	s5 =	sld [smem:$0x3FFC];
	_ =	sdelay $0x3  }
0x9a: {  	_ =	strace s5  }
0x9b: {  	s5 =	sld [smem:$0x3FFD];
	_ =	sdelay $0x3  }
0x9c: {  	_ =	strace s5  }
0x9d: {  	_ =	strace $0x8FFFFFFF  }
0x9e: {  	s19 =	sld [smem:$0x3FDB];
	_ =	sdelay $0x1  }
0x9f: {  	s6 =	simm.s32 $_scs_section_size  }
0xa0: {  	s7 =	simm.s32 $_size__tile_overlayer_lowered;
	s8 =	simm.s32 $_tile_overlayer_lowered  }
0xa1: {  	s22 =	simm.s32 $0x1BFF;
	s21 =	sshll.u32 s8, $0x1;
	s5 =	sadd.s32 s6, s19  }
0xa2: {  	s9 =	simm.s32 $0x0;
	s20 =	sshll.u32 s7, $0x1;
	s7 =	sadd.s32 s21, s5  }
0xa3: {  	[timem:s9], [sflag:s22] =	dma.local [hbm:s7], s20  }
0xa4: {  	_ =	swait.ge [sflag:s22], s20  }
0xa5: {  	s6 =	ssub.s32 $0x0, s20;
	[sflag:s22] =	ssyncset.done $0x0  }
0xa6: {  	[sflag:s22] =	ssyncadd.s32 s6;
	_ =	sdelay $0x1  }
0xa7: {  	s23 =	simm.s32 $0x1B8B  }
0xa8: {  	_ =	swait.ge [sflag:s23], $0x1  }
0xa9: {  	[sflag:s23] =	ssyncset.done $0x0  }
0xaa: {  	s25 =	simm.s32 $0x1B8E;
	s24 =	sld [smem:$0x3FFE];
	[sflag:s23] =	ssyncadd.s32 $0xFFFFFFFF  }
0xab: {  	s26 =	simm.s32 $execute0_lowered;
	[smem:$0x3FD2] =	sst s25  }
0xac: {  	s7 =	sshll.u32 s26, $0x1;
	_ =	strace $0x80000046;
	[dreg:$0x1] =	wrdreg $0xFFFFFFFF  }
0xad: {  	s28 =	simm.s32 $_size_execute0_lowered;
	s5 =	sadd.s32 s5, s7;
	[dreg:$0x0] =	wrdreg $0x0  }
0xae: {  	s7 =	sshll.u32 s28, $0x1;
	[dreg:$0x2] =	wrdreg s5  }
0xaf: {  	[dreg:$0x3] =	wrdreg s7  }
0xb0: {  	[dreg:$0x4] =	wrdreg $0xC0  }
0xb1: {  	_ =	task [dreg:s9], $0x5FFFF  }
0xb2: {  	[dreg:$0x1] =	wrdreg $0xFFFFFFFF  }
0xb3: {  	[dreg:$0x0] =	wrdreg $0x60  }
0xb4: {  	[dreg:$0x2] =	wrdreg s16  }
0xb5: {  	[dreg:$0x3] =	wrdreg s24  }
0xb6: {  	[dreg:$0x4] =	wrdreg s18  }
0xb7: {  	[dreg:$0x5] =	wrdreg s17  }
0xb8: {  	[dreg:$0x6] =	wrdreg $0x29000  }
0xb9: {  	[dreg:$0x7] =	wrdreg $0x9  }
0xba: {  	_ =	task.clear_ibuf [dreg:s9], $0x8FFFF;
	_ =	strace $0x90000046  }
0xbb: {  	s29 =	simm.s32 $0x9;
	_ =	strace $0x80000048  }
0xbc: {  	_ =	swait.ge [sflag:s29], $0x1  }
0xbd: {  	[sflag:s29] =	ssyncadd.s32 $0xFFFFFFFF  }
0xbe: {  	_ =	strace $0x90000048  }
0xbf: {  	_ =	sfence  }
0xc0: {  	s30 =	sld [smem:$0x0];
	_ =	sdelay $0x2  }
0xc1: {  	s31 =	sshll.u32 s1, $0xD;
	s1 =	sshrl.u32 s1, $0x2  }
0xc2: {  	s3 =	sand.u32 $0x4000, s31;
	s1 =	sadd.s32 s1, s30  }
0xc3: {  	s0 =	sor.u32 s3, s0;
	s1 =	sshll.u32 s1, $0x11  }
0xc4: {  	s0 =	sor.u32 s1, s0  }
0xc5: {  	s0 =	sadd.s32 $0x8F2B, s0  }
0xc6: {  	[sflag:s0] =	ssyncadd.remote.s32 $0x1  }
0xc7: {  	_ =	sfence.sel $0xFFFF  }
0xc8: {  	[dreg:$0x0] =	wrdreg $0xFFFFFFFF;
	(pc) =	sbr.abs _section_cstart, $3  }
0xc9: {  	[dreg:$0x1] =	wrdreg $0xFFFFFFFF  }
0xca: {  	_ =	task.clear_ibuf [dreg:s9], $0x2FFFF;
	_ =	strace $0x9FFFFFFF  }
0xcb: {  	(tm) =	ssettm $0x7FFFFFFF  }
tec
execute0_lowered:
.L_overlay_start_1:
0x0: {  	(tag) =	ssettag $0x1  }
0x1: {  	s1 =	rddreg [dreg:$0x0];
	s2 =	stileid.u32  }
0x2: {  	s3 =	srdreg.scid;
	s7 =	smul.u32 $0xA000, s2  }
0x3: {  	s0 =	rddreg [dreg:$0x1];
	s3 =	sand.u32 $0x1, s3;
	s11 =	smul.u32 $0x2800, s2  }
0x4: {  	s17 =	rddreg [dreg:$0x3];
	s8 =	sor.u32 $0x10, s2;
	s6 =	smul.u32 $0x138800, s3  }
0x5: {  	s4 =	rddreg [dreg:$0x4];
	s9 =	smul.u32 $0xA000, s8  }
0x6: {  	s5 =	simm.s32 $0x0;
	s14 =	sor.u32 $0x40, s2;
	s8 =	smul.u32 $0x2800, s8  }
0x7: {  	s29 =	simm.s32 $0x50;
	s18 =	sor.u32 $0x60, s2;
	s16 =	smul.u32 $0x2800, s14  }
0x8: {  	s30 =	simm.s32 $0x2;
	s25 =	sor.u32 $0x70, s2;
	s26 =	smul.u32 $0x2800, s18  }
0x9: {  	s31 =	simm.s32 $0x0;
	[smem:$0x7FF] =	sst s5;
	s21 =	smul.u32 $0x2800, s25  }
0xa: {  	s24 =	sshll.u32 s2, $0xB;
	_ =	strace $0x80000047;
	s14 =	smul.u32 $0xA000, s14  }
0xb: {  	s10 =	sshll.u32 s3, $0xF;
	s3 =	ssub.s32 $0x2, s3;
	s28 =	smul.u32 $0xA000, s18  }
0xc: {  	p0 =	sgt.u32 s25, $0x7C;
	s23 =	sadd.s32 s10, s0;
	s0 =	sor.u32 $0x20, s2  }
0xd: {  	s10 =	sor.u32 $0x30, s2;
	s13 =	sshrl.u32 s3, $0x1;
	s12 =	smul.u32 $0x2800, s0  }
0xe: {  	s15 =	smul.u32 $0x2800, s10;
	s3 =	ssub.s32 s3, s13;
	s13 =	sor.u32 $0x50, s2  }
0xf: {  	s11 =	sadd.s32 s6, s11;
	s20 =	sadd.s32 s6, s8;
	s16 =	sadd.s32 s6, s16  }
0x10: {  	s22 =	sadd.s32 s6, s26;
	s21 =	sadd.s32 s6, s21;
	s0 =	smul.u32 $0xA000, s0  }
0x11: {  	s26 =	sshrl.u32 s7, $0x2;
	s10 =	smul.u32 $0xA000, s10;
	s2 =	sshrl.u32 s9, $0x2  }
0x12: {  	s19 =	smul.u32 $0x2800, s13;
	s8 =	smax.u32 s3, $0x1;
	s7 =	sadd.s32 s26, s4  }
0x13: {  	s26 =	smul.u32 $0xA000, s13;
	s11 =	sshrl.u32 s11, $0x3;
	s13 =	sshrl.u32 s20, $0x3  }
0x14: {  	s18 =	sshrl.u32 s16, $0x3;
	s20 =	sshrl.u32 s22, $0x3;
	s22 =	sshrl.u32 s21, $0x3  }
0x15: {  	s12 =	sadd.s32 s6, s12;
	s15 =	sadd.s32 s6, s15;
	[dreg:$0x6] =	wrdreg s8  }
0x16: {  	s0 =	sshrl.u32 s0, $0x2;
	s8 =	sadd.s32 s2, s4;
	s3 =	sshrl.u32 s10, $0x2  }
0x17: {  	s16 =	sadd.s32 s17, s20;
	s2 =	smul.u32 $0xA000, s25;
	s10 =	sshrl.u32 s28, $0x2  }
0x18: {  	s25 =	simm.s32 $0x100;
	s28 =	simm.s32 $0x80;
	s19 =	sadd.s32 s6, s19  }
0x19: {  	s9 =	sadd.s32 s0, s4;
	s6 =	sshrl.u32 s14, $0x2;
	s14 =	sadd.s32 s17, s11  }
0x1a: {  	s11 =	sadd.s32 s17, s13;
	s12 =	sshrl.u32 s12, $0x3;
	s15 =	sshrl.u32 s15, $0x3  }
0x1b: {  	s21 =	sadd.s32 s10, s4;
	[dreg:$0x7] =	wrdreg s14;
	s12 =	sadd.s32 s17, s12  }
0x1c: {  	s13 =	sadd.s32 s17, s15;
	s14 =	sadd.s32 s17, s18;
	s19 =	sshrl.u32 s19, $0x3  }
0x1d: {  	s18 =	sadd.s32 s3, s4;
	s15 =	sadd.s32 s17, s19;
	s17 =	sadd.s32 s17, s22  }
0x1e: {  	s19 =	sadd.s32 s6, s4;
	s6 =	sshrl.u32 s26, $0x2;
	s22 =	sshrl.u32 s2, $0x2  }
0x1f: {  	s26 =	sadd.s32 s24, s23;
	s20 =	sadd.s32 s6, s4;
	s22 =	sadd.s32 s22, s4  }
0x20: {  	s23 =	sadd.s32 $0x3200, s26;
	s24 =	sadd.s32 $0x13200, s26;
	s26 =	simm.s32 $0x1  }
.LBB2_1:
0x21: {  	s0 =	rddreg [dreg:$0x2]  }
0x22: {  	[tilespmem:s25], [sflag:$0x1] =	stream.linear.gather [hbm4b:s0+s5], $0x2800, $0x38;
	[tilespmem:$0x16180] =	vst v63  }
0x23: {  	_ =	swait.ge [sflag:s26], $0x2800  }
0x24: {  	[sflag:s26] =	ssyncset.done $0x0  }
0x25: {  	[sflag:s26] =	ssyncadd.s32 $0xFFFFD800  }
0x26: {  	[spmem:s7] =	stream.linear.scatter [tilespmem:s25], [sflag:$0x1], $0x2800, $0x38;
	[tilespmem:$0x16180] =	vst v63  }
0x27: {  	_ =	swait.ge [sflag:s26], $0x2800  }
0x28: {  	[sflag:s26] =	ssyncset.done $0x0  }
0x29: {  	[sflag:s26] =	ssyncadd.s32 $0xFFFFD800  }
0x2a: {  	[spmem:s8] =	stream.linear.scatter [tilespmem:s25], [sflag:$0x1], $0x2800, $0x38;
	[tilespmem:$0x16180] =	vst v63  }
0x2b: {  	_ =	swait.ge [sflag:s26], $0x2800  }
0x2c: {  	[sflag:s26] =	ssyncset.done $0x0  }
0x2d: {  	[sflag:s26] =	ssyncadd.s32 $0xFFFFD800  }
0x2e: {  	[spmem:s9] =	stream.linear.scatter [tilespmem:s25], [sflag:$0x1], $0x2800, $0x38;
	[tilespmem:$0x16180] =	vst v63  }
0x2f: {  	_ =	swait.ge [sflag:s26], $0x2800  }
0x30: {  	[sflag:s26] =	ssyncset.done $0x0  }
0x31: {  	[sflag:s26] =	ssyncadd.s32 $0xFFFFD800  }
0x32: {  	[spmem:s18] =	stream.linear.scatter [tilespmem:s25], [sflag:$0x1], $0x2800, $0x38;
	[tilespmem:$0x16180] =	vst v63  }
0x33: {  	_ =	swait.ge [sflag:s26], $0x2800  }
0x34: {  	[sflag:s26] =	ssyncset.done $0x0  }
0x35: {  	[sflag:s26] =	ssyncadd.s32 $0xFFFFD800  }
0x36: {  	[spmem:s19] =	stream.linear.scatter [tilespmem:s25], [sflag:$0x1], $0x2800, $0x38;
	[tilespmem:$0x16180] =	vst v63  }
0x37: {  	_ =	swait.ge [sflag:s26], $0x2800  }
0x38: {  	[sflag:s26] =	ssyncset.done $0x0  }
0x39: {  	[sflag:s26] =	ssyncadd.s32 $0xFFFFD800  }
0x3a: {  	[spmem:s20] =	stream.linear.scatter [tilespmem:s25], [sflag:$0x1], $0x2800, $0x38;
	[tilespmem:$0x16180] =	vst v63  }
0x3b: {  	_ =	swait.ge [sflag:s26], $0x2800  }
0x3c: {  	[sflag:s26] =	ssyncset.done $0x0  }
0x3d: {  	[sflag:s26] =	ssyncadd.s32 $0xFFFFD800  }
0x3e: {  	[spmem:s21] =	stream.linear.scatter [tilespmem:s25], [sflag:$0x1], $0x2800, $0x38;
	[tilespmem:$0x16180] =	vst v63  }
0x3f: {  	_ =	swait.ge [sflag:s26], $0x2800  }
0x40: {  	[sflag:s26] =	ssyncset.done $0x0  }
0x41: {  	s0 =	simm.s32 @!p0 $0x100;
	[sflag:s26] =	ssyncadd.s32 $0xFFFFD800  }
0x42: {  	[spmem:s22] =	stream.linear.scatter @!p0 [tilespmem:s0], [sflag:$0x1], $0x2800, $0x38;
	[tilespmem:$0x16180] =	vst v63  }
0x43: {  	s0 =	simm.s32 @!p0 $0x1  }
0x44: {  	_ =	swait.ge @!p0 [sflag:s0], $0x2800  }
0x45: {  	[sflag:s0] =	ssyncset.done @!p0 $0x0  }
0x46: {  	[sflag:s0] =	ssyncadd.s32 @!p0 $0xFFFFD800  }
0x47: {  	s6 =	sadd.s32 $0x0, s23;
	[bflag:$0x0] =	sbarrier.arrive $0xFFFF  }
0x48: {  	[tilespmem:s5], [sflag:$0x1] =	stream.linear.gather [hbm4b:s6+s5], $0x80, $0x38;
	[tilespmem:$0x16180] =	vst v63  }
0x49: {  	_ =	swait.ge [sflag:s26], $0x80  }
0x4a: {  	[sflag:s26] =	ssyncset.done $0x0  }
0x4b: {  	s10 =	sadd.s32 $0x0, s24;
	[sflag:s26] =	ssyncadd.s32 $0xFFFFFF80  }
0x4c: {  	[tilespmem:s28], [sflag:$0x1] =	stream.linear.gather [hbm4b:s10+s5], $0x80, $0x38;
	[tilespmem:$0x16180] =	vst v63  }
0x4d: {  	_ =	swait.ge [sflag:s26], $0x80  }
0x4e: {  	[sflag:s26] =	ssyncset.done $0x0  }
0x4f: {  	[sflag:s26] =	ssyncadd.s32 $0xFFFFFF80  }
0x50: {  	[tilespmem:s25], [sflag:$0x1] =	stream.indirect.gather [hbm4b:s1+s29], $0x80, s5, s29, $0xb8;
	[tilespmem:$0x16180] =	vst v63  }
0x51: {  	_ =	swait.ge [sflag:s26], $0x2800  }
0x52: {  	[sflag:s26] =	ssyncset.done $0x0  }
0x53: {  	[sflag:s26] =	ssyncadd.s32 $0xFFFFD800  }
0x54: {  	[spmem:s4] =	stream.indirect.scatter.add.f32 [tilespmem:s25], [sflag:$0x1], $0x80, s28, s29, $0xb8;
	[tilespmem:$0x16180] =	vst v63  }
0x55: {  	_ =	swait.ge [sflag:s26], $0x2800  }
0x56: {  	s3 =	simm.s32 $0x20;
	s0 =	simm.s32 $0x10;
	[sflag:s26] =	ssyncset.done $0x0  }
.LBB2_2:
0x57: {  	s2 =	sadd.s32 s0, s23  }
0x58: {  	[sflag:s26] =	ssyncadd.s32 $0xFFFFD800;
	s6 =	smov.u32 s3;
	s10 =	sadd.s32 $0x10, s3  }
0x59: {  	[tilespmem:s5], [sflag:$0x1] =	stream.linear.gather [hbm4b:s2+s5], $0x80, $0x38;
	[tilespmem:$0x16180] =	vst v63  }
0x5a: {  	p1 =	sne.s32 s3, $0x7C0;
	_ =	swait.ge [sflag:s26], $0x80  }
0x5b: {  	[sflag:s26] =	ssyncset.done $0x0  }
0x5c: {  	s2 =	sadd.s32 s0, s24;
	s0 =	smov.u32 s6;
	[sflag:s26] =	ssyncadd.s32 $0xFFFFFF80  }
0x5d: {  	[tilespmem:s28], [sflag:$0x1] =	stream.linear.gather [hbm4b:s2+s5], $0x80, $0x38;
	[tilespmem:$0x16180] =	vst v63  }
0x5e: {  	_ =	swait.ge [sflag:s26], $0x80  }
0x5f: {  	[sflag:s26] =	ssyncset.done $0x0  }
0x60: {  	[sflag:s26] =	ssyncadd.s32 $0xFFFFFF80  }
0x61: {  	[tilespmem:s25], [sflag:$0x1] =	stream.indirect.gather [hbm4b:s1+s29], $0x80, s5, s29, $0xb8;
	[tilespmem:$0x16180] =	vst v63  }
0x62: {  	_ =	swait.ge [sflag:s26], $0x2800  }
.Ltmp0:
0x63: {  	[sflag:s26] =	ssyncset.done $0x0;
	(pc) =	sbr.rel @p1 .LBB2_2-.Ltmp0, $4  }
0x64: {  	[sflag:s26] =	ssyncadd.s32 $0xFFFFD800  }
0x65: {  	[spmem:s4] =	stream.indirect.scatter.add.f32 [tilespmem:s25], [sflag:$0x1], $0x80, s28, s29, $0xb8;
	[tilespmem:$0x16180] =	vst v63  }
0x66: {  	_ =	swait.ge [sflag:s26], $0x2800  }
0x67: {  	s3 =	smov.u32 s10;
	[sflag:s26] =	ssyncset.done $0x0  }
0x68: {  	s2 =	sadd.s32 s0, s23;
	[sflag:s26] =	ssyncadd.s32 $0xFFFFD800  }
0x69: {  	[tilespmem:s5], [sflag:$0x1] =	stream.linear.gather [hbm4b:s2+s5], $0x80, $0x38;
	[tilespmem:$0x16180] =	vst v63  }
0x6a: {  	_ =	swait.ge [sflag:s26], $0x80  }
0x6b: {  	[sflag:s26] =	ssyncset.done $0x0  }
0x6c: {  	s3 =	sadd.s32 s0, s24;
	[sflag:s26] =	ssyncadd.s32 $0xFFFFFF80  }
0x6d: {  	[tilespmem:s28], [sflag:$0x1] =	stream.linear.gather [hbm4b:s3+s5], $0x80, $0x38;
	[tilespmem:$0x16180] =	vst v63  }
0x6e: {  	_ =	swait.ge [sflag:s26], $0x80  }
0x6f: {  	[sflag:s26] =	ssyncset.done $0x0  }
0x70: {  	[sflag:s26] =	ssyncadd.s32 $0xFFFFFF80  }
0x71: {  	[tilespmem:s25], [sflag:$0x1] =	stream.indirect.gather [hbm4b:s1+s29], $0x80, s5, s29, $0xb8;
	[tilespmem:$0x16180] =	vst v63  }
0x72: {  	_ =	swait.ge [sflag:s26], $0x2800  }
0x73: {  	[sflag:s26] =	ssyncset.done $0x0  }
0x74: {  	[sflag:s26] =	ssyncadd.s32 $0xFFFFD800  }
0x75: {  	[spmem:s4] =	stream.indirect.scatter.add.f32 [tilespmem:s25], [sflag:$0x1], $0x80, s28, s29, $0xb8;
	[tilespmem:$0x16180] =	vst v63  }
0x76: {  	_ =	swait.ge [sflag:s26], $0x2800  }
0x77: {  	[sflag:s26] =	ssyncset.done $0x0  }
0x78: {  	[sflag:s26] =	ssyncadd.s32 $0xFFFFD800  }
0x79: {  	[bflag:$0x0] =	sbarrier.arrive $0xFFFF  }
0x7a: {  	[tilespmem:s25], [sflag:$0x2] =	stream.linear.gather [spmem:s7], $0x2800, $0x38;
	[tilespmem:$0x16180] =	vst v63  }
0x7b: {  	_ =	swait.ge [sflag:s30], $0x2800  }
0x7c: {  	[sflag:s30] =	ssyncset.done $0x0  }
0x7d: {  	s6 =	rddreg [dreg:$0x7];
	[sflag:s30] =	ssyncadd.s32 $0xFFFFD800  }
0x7e: {  	[hbm4b:s6+s5] =	stream.linear.scatter [tilespmem:s25], [sflag:$0x1], $0x2800, $0x38;
	[tilespmem:$0x16180] =	vst v63  }
0x7f: {  	_ =	swait.ge [sflag:s26], $0x2800  }
0x80: {  	[sflag:s26] =	ssyncset.done $0x0  }
0x81: {  	[sflag:s26] =	ssyncadd.s32 $0xFFFFD800  }
0x82: {  	[tilespmem:s25], [sflag:$0x2] =	stream.linear.gather [spmem:s8], $0x2800, $0x38;
	[tilespmem:$0x16180] =	vst v63  }
0x83: {  	_ =	swait.ge [sflag:s30], $0x2800  }
0x84: {  	[sflag:s30] =	ssyncset.done $0x0  }
0x85: {  	[sflag:s30] =	ssyncadd.s32 $0xFFFFD800  }
0x86: {  	[hbm4b:s11+s5] =	stream.linear.scatter [tilespmem:s25], [sflag:$0x1], $0x2800, $0x38;
	[tilespmem:$0x16180] =	vst v63  }
0x87: {  	_ =	swait.ge [sflag:s26], $0x2800  }
0x88: {  	[sflag:s26] =	ssyncset.done $0x0  }
0x89: {  	[sflag:s26] =	ssyncadd.s32 $0xFFFFD800  }
0x8a: {  	[tilespmem:s25], [sflag:$0x2] =	stream.linear.gather [spmem:s9], $0x2800, $0x38;
	[tilespmem:$0x16180] =	vst v63  }
0x8b: {  	_ =	swait.ge [sflag:s30], $0x2800  }
0x8c: {  	[sflag:s30] =	ssyncset.done $0x0  }
0x8d: {  	[sflag:s30] =	ssyncadd.s32 $0xFFFFD800  }
0x8e: {  	[hbm4b:s12+s5] =	stream.linear.scatter [tilespmem:s25], [sflag:$0x1], $0x2800, $0x38;
	[tilespmem:$0x16180] =	vst v63  }
0x8f: {  	_ =	swait.ge [sflag:s26], $0x2800  }
0x90: {  	[sflag:s26] =	ssyncset.done $0x0  }
0x91: {  	[sflag:s26] =	ssyncadd.s32 $0xFFFFD800  }
0x92: {  	[tilespmem:s25], [sflag:$0x2] =	stream.linear.gather [spmem:s18], $0x2800, $0x38;
	[tilespmem:$0x16180] =	vst v63  }
0x93: {  	_ =	swait.ge [sflag:s30], $0x2800  }
0x94: {  	[sflag:s30] =	ssyncset.done $0x0  }
0x95: {  	[sflag:s30] =	ssyncadd.s32 $0xFFFFD800  }
0x96: {  	[hbm4b:s13+s5] =	stream.linear.scatter [tilespmem:s25], [sflag:$0x1], $0x2800, $0x38;
	[tilespmem:$0x16180] =	vst v63  }
0x97: {  	_ =	swait.ge [sflag:s26], $0x2800  }
0x98: {  	[sflag:s26] =	ssyncset.done $0x0  }
0x99: {  	[sflag:s26] =	ssyncadd.s32 $0xFFFFD800  }
0x9a: {  	[tilespmem:s25], [sflag:$0x2] =	stream.linear.gather [spmem:s19], $0x2800, $0x38;
	[tilespmem:$0x16180] =	vst v63  }
0x9b: {  	_ =	swait.ge [sflag:s30], $0x2800  }
0x9c: {  	[sflag:s30] =	ssyncset.done $0x0  }
0x9d: {  	[sflag:s30] =	ssyncadd.s32 $0xFFFFD800  }
0x9e: {  	[hbm4b:s14+s5] =	stream.linear.scatter [tilespmem:s25], [sflag:$0x1], $0x2800, $0x38;
	[tilespmem:$0x16180] =	vst v63  }
0x9f: {  	_ =	swait.ge [sflag:s26], $0x2800  }
0xa0: {  	[sflag:s26] =	ssyncset.done $0x0  }
0xa1: {  	[sflag:s26] =	ssyncadd.s32 $0xFFFFD800  }
0xa2: {  	[tilespmem:s25], [sflag:$0x2] =	stream.linear.gather [spmem:s20], $0x2800, $0x38;
	[tilespmem:$0x16180] =	vst v63  }
0xa3: {  	_ =	swait.ge [sflag:s30], $0x2800  }
0xa4: {  	[sflag:s30] =	ssyncset.done $0x0  }
0xa5: {  	[sflag:s30] =	ssyncadd.s32 $0xFFFFD800  }
0xa6: {  	[hbm4b:s15+s5] =	stream.linear.scatter [tilespmem:s25], [sflag:$0x1], $0x2800, $0x38;
	[tilespmem:$0x16180] =	vst v63  }
0xa7: {  	_ =	swait.ge [sflag:s26], $0x2800  }
0xa8: {  	[sflag:s26] =	ssyncset.done $0x0  }
0xa9: {  	[sflag:s26] =	ssyncadd.s32 $0xFFFFD800  }
0xaa: {  	[tilespmem:s25], [sflag:$0x2] =	stream.linear.gather [spmem:s21], $0x2800, $0x38;
	[tilespmem:$0x16180] =	vst v63  }
0xab: {  	_ =	swait.ge [sflag:s30], $0x2800  }
0xac: {  	[sflag:s30] =	ssyncset.done $0x0  }
0xad: {  	[sflag:s30] =	ssyncadd.s32 $0xFFFFD800  }
0xae: {  	[hbm4b:s16+s5] =	stream.linear.scatter [tilespmem:s25], [sflag:$0x1], $0x2800, $0x38;
	[tilespmem:$0x16180] =	vst v63  }
0xaf: {  	_ =	swait.ge [sflag:s26], $0x2800  }
0xb0: {  	[sflag:s26] =	ssyncset.done $0x0  }
0xb1: {  	s0 =	simm.s32 @!p0 $0x100;
	s2 =	simm.s32 @!p0 $0x2;
	[sflag:s26] =	ssyncadd.s32 $0xFFFFD800  }
0xb2: {  	[tilespmem:s0], [sflag:$0x2] =	stream.linear.gather @!p0 [spmem:s22], $0x2800, $0x38;
	[tilespmem:$0x16180] =	vst v63  }
0xb3: {  	_ =	swait.ge @!p0 [sflag:s2], $0x2800  }
0xb4: {  	[sflag:s2] =	ssyncset.done @!p0 $0x0  }
0xb5: {  	[sflag:s2] =	ssyncadd.s32 @!p0 $0xFFFFD800;
	s2 =	simm.s32 @!p0 $0x0  }
0xb6: {  	[hbm4b:s17+s2] =	stream.linear.scatter @!p0 [tilespmem:s0], [sflag:$0x1], $0x2800, $0x38;
	[tilespmem:$0x16180] =	vst v63  }
0xb7: {  	s0 =	simm.s32 @!p0 $0x1  }
0xb8: {  	_ =	swait.ge @!p0 [sflag:s0], $0x2800  }
0xb9: {  	s31 =	sadd.s32 $0x1, s31;
	s10 =	rddreg [dreg:$0x6]  }
0xba: {  	p1 =	sne.s32 s31, s10  }
.Ltmp1:
0xbb: {  	_ = 	snop;
	(pc) =	sbr.rel @p1 .LBB2_1-.Ltmp1, $3  }
0xbc: {  	_ =	sdelay $0x1  }
0xbd: {  	[sflag:s0] =	ssyncset.done @!p0 $0x0  }
0xbe: {  	[sflag:s0] =	ssyncadd.s32 @!p0 $0xFFFFD800  }
0xbf: {  	_ =	sfence.sel $0x180000  }
0xc0: {  	[bflag:$0x0] =	sbarrier.arrive $0xFFFF  }
0xc1: {  	_ =	strace $0x90000047  }
0xc2: {  	s0 =	stileid.u32;
	[bflag:$0x2] =	sbarrier.arrive $0xFFFF  }
0xc3: {  	p0 =	sne.s32 s0, $0x0;
	s0 =	rddreg [dreg:$0x5]  }
0xc4: {  	s0 =	sadd.s32 @!p0 $0x100000, s0  }
0xc5: {  	[sflag:s0] =	ssyncadd.tile.s32 @!p0 $0x1;
	_ =	shalt  }
.Lfunc_end2:
_tile_overlayer_lowered:
.L_overlay_start_2:
0xc6: {  	(tag) =	ssettag $0x2  }
0xc7: {  	s0 =	rddreg [dreg:$0x0];
	s2 =	stileid.u32  }
0xc8: {  	s1 =	rddreg [dreg:$0x1];
	p0 =	sne.s32 s2, $0x0  }
0xc9: {  	s3 =	rddreg [dreg:$0x2];
	[bflag:$0x3] =	sbarrier.arrive $0xFFFF;
	s2 =	simm.s32 @!p0 $0x1C01  }
0xca: {  	[timem:s3], [sflag:s2] =	dma.local @!p0 [hbm:s0], s1  }
0xcb: {  	s0 =	simm.s32 @!p0 $0x1  }
0xcc: {  	_ =	swait.ge @!p0 [sflag:s0], s1  }
0xcd: {  	s1 =	ssub.s32 @!p0 $0x0, s1;
	[sflag:s0] =	ssyncset.done @!p0 $0x0  }
0xce: {  	[sflag:s0] =	ssyncadd.s32 @!p0 s1  }
0xcf: {  	[bflag:$0x3] =	sbarrier.arrive $0xFFFF  }
0xd0: {  	_ =	shalt  }

</sc_bundles>
